<compile_context>
chip_gen: v7x
topology: tpu7x:2x2x1
jax: 0.10.2.dev20260603
libtpu: 0.0.44.dev20260713+nightly
codegen_flags: <defaults>
</compile_context>

<pallas_src>
import jax
import jax.numpy as jnp
import numpy as np
from jax import lax
from jax.experimental import pallas as pl
from jax.experimental.pallas import tpu as pltpu
from jax.experimental.pallas import tpu_sc as plsc

_N = 100000
_NUM_CLASSES = 100
_D = 256
_POS3D = 84
_TEMP = 10000.0

_NCORES = 2
_NSUB = 16
_NW = _NCORES * _NSUB
_PW = 3200
_NPAD = _NW * _PW
_CH = 160
_NCHUNK = _PW // _CH

_SIN_COEFFS = (6.253743606182701, -39.1618487014363, 57.02564859022385)


def _segs_for(j):
    lo, hi = 16 * j, 16 * j + 16
    out = []
    for s, (a, b) in enumerate(((0, _POS3D), (_POS3D, 2 * _POS3D),
                                (2 * _POS3D, 3 * _POS3D))):
        if lo < b and hi > a:
            out.append(s)
    return tuple(out)


def _sc_body(xs, ys, zs, lab, a0, a1, a2, bb, table, out,
             xs_v, ys_v, zs_v, lab_v, a0_v, a1_v, a2_v, b_v, tab_v,
             buf0, buf1, wsem0, wsem1):
    wid = lax.axis_index("s") * _NCORES + lax.axis_index("c")
    base = wid * _PW

    pltpu.sync_copy(xs.at[pl.ds(base, _PW)], xs_v)
    pltpu.sync_copy(ys.at[pl.ds(base, _PW)], ys_v)
    pltpu.sync_copy(zs.at[pl.ds(base, _PW)], zs_v)
    pltpu.sync_copy(lab.at[pl.ds(base, _PW)], lab_v)
    pltpu.sync_copy(a0, a0_v)
    pltpu.sync_copy(a1, a1_v)
    pltpu.sync_copy(a2, a2_v)
    pltpu.sync_copy(bb, b_v)
    pltpu.sync_copy(table, tab_v)

    coord_vs = (ys_v, xs_v, zs_v)
    a_vs = (a0_v, a1_v, a2_v)

    magic = jnp.float32(12582912.0)
    iota16 = lax.iota(jnp.int32, 16)

    def stage(ci, buf, wsem):
        row0 = base + ci * _CH
        rowp = row0 - 2 * _CH

        @pl.when(jnp.logical_and(ci >= 2, rowp + _CH <= _N))
        def _wait_full():
            pltpu.make_async_copy(buf, out.at[pl.ds(rowp, _CH)], wsem).wait()

        for jlo in (0, 8):
            b_regs = {j: b_v[pl.ds(16 * j, 16)] for j in range(jlo, jlo + 8)}
            a_regs = {j: [(s, a_vs[s][pl.ds(16 * j, 16)]) for s in _segs_for(j)]
                      for j in range(jlo, jlo + 8)}
            segs_used = sorted({s for j in range(jlo, jlo + 8)
                                for s in _segs_for(j)})

            def one_point(p, jl=jlo, br=b_regs, ar=a_regs, su=segs_used):
                pp = ci * _CH + p
                pidx = jnp.full((16,), pp, jnp.int32)
                cb = {s: plsc.load_gather(coord_vs[s], [pidx]) for s in su}
                labv = plsc.load_gather(lab_v, [pidx])
                idx = lax.shift_left(labv, 8) + iota16
                for j in range(jl, jl + 8):
                    t = br[j]
                    for (s, av) in ar[j]:
                        t = cb[s] * av + t
                    r = t - ((t + magic) - magic)
                    u = r * r
                    pacc = jnp.float32(_SIN_COEFFS[2])
                    for cc in _SIN_COEFFS[1::-1]:
                        pacc = pacc * u + jnp.float32(cc)
                    sin_v = r * pacc
                    emb = plsc.load_gather(
                        tab_v.at[pl.ds(16 * j, _NUM_CLASSES * _D - 16 * j)],
                        [idx])
                    buf[p, pl.ds(16 * j, 16)] = emb + sin_v

            @plsc.parallel_loop(0, _CH, unroll=2)
            def _pts(p, op=one_point):
                op(p)

        @pl.when(row0 + _CH <= _N)
        def _full_write():
            pltpu.async_copy(buf, out.at[pl.ds(row0, _CH)], wsem)

    def pair_body(it, carry):
        stage(it * 2, buf0, wsem0)
        stage(it * 2 + 1, buf1, wsem1)
        return carry

    lax.fori_loop(0, _NCHUNK // 2, pair_body, 0)

    for (cl, bufb, wsemb) in ((_NCHUNK - 2, buf0, wsem0),
                              (_NCHUNK - 1, buf1, wsem1)):
        rowl = base + cl * _CH

        @pl.when(rowl + _CH <= _N)
        def _drain_full(bufb=bufb, wsemb=wsemb, rowl=rowl):
            pltpu.make_async_copy(bufb, out.at[pl.ds(rowl, _CH)], wsemb).wait()


_sc_call = pl.kernel(
    _sc_body,
    out_type=jax.ShapeDtypeStruct((_N, _D), jnp.float32),
    mesh=plsc.VectorSubcoreMesh(core_axis_name="c", subcore_axis_name="s"),
    scratch_types=[
        pltpu.VMEM((_PW,), jnp.float32),
        pltpu.VMEM((_PW,), jnp.float32),
        pltpu.VMEM((_PW,), jnp.float32),
        pltpu.VMEM((_PW,), jnp.int32),
        pltpu.VMEM((_D,), jnp.float32),
        pltpu.VMEM((_D,), jnp.float32),
        pltpu.VMEM((_D,), jnp.float32),
        pltpu.VMEM((_D,), jnp.float32),
        pltpu.VMEM((_NUM_CLASSES * _D,), jnp.float32),
        pltpu.VMEM((_CH, _D), jnp.float32),
        pltpu.VMEM((_CH, _D), jnp.float32),
        pltpu.SemaphoreType.DMA,
        pltpu.SemaphoreType.DMA,
    ],
    compiler_params=pltpu.CompilerParams(needs_layout_passes=False),
)


def kernel(point_coord, labels, pc_range, label_embed_weight):
    pc = point_coord[0]
    padn = _NPAD - _N
    xs = jnp.pad(pc[:, 0], (0, padn))
    ys = jnp.pad(pc[:, 1], (0, padn))
    zs = jnp.pad(pc[:, 2], (0, padn))
    lab = jnp.pad(labels, (0, padn))

    off = pc_range[0:3]
    den = jnp.stack([pc_range[3] - pc_range[0],
                     pc_range[4] - pc_range[1],
                     pc_range[5] - pc_range[2]])

    k = np.arange(_POS3D, dtype=np.float64)
    invf = (_TEMP ** (-(2.0 * np.floor(k / 2.0) / _POS3D))).astype(np.float32)
    phase = np.where(np.arange(_POS3D) % 2 == 1, 0.25, 0.0).astype(np.float32)
    invf_j = jnp.asarray(invf)
    phase_j = jnp.asarray(phase)

    seg_a, seg_b = [], []
    for c in (1, 0, 2):
        a = invf_j / den[c]
        seg_a.append(a)
        seg_b.append(phase_j - off[c] * a)
    z84 = jnp.zeros((_POS3D,), jnp.float32)
    z4 = jnp.zeros((_D - 3 * _POS3D,), jnp.float32)
    a0 = jnp.concatenate([seg_a[0], z84, z84, z4])
    a1 = jnp.concatenate([z84, seg_a[1], z84, z4])
    a2 = jnp.concatenate([z84, z84, seg_a[2], z4])
    bb = jnp.concatenate([seg_b[0], seg_b[1], seg_b[2], z4])

    return _sc_call(xs, ys, zs, lab, a0, a1, a2, bb,
                    label_embed_weight.reshape(-1))

# --- scband reference (transcript-rebuilt; emitter-appended) ---
"""Pipeline reference for scband-rot-point3-dencoder-49529562857914 (READ-ONLY COPY).

The authoritative reference and input builder live on the scoring server;
editing this copy changes nothing except your own understanding.
"""

import jax, jax.numpy as jnp
import numpy as np
import math

N = 100000
NUM_CLASSES = 100
EMBED_DIMS = 256
POS3D_DIM = 84  # embed_dims // 3 = 85 -> made even = 84
PAD_DIM = 4     # 256 - 84*3
TEMPERATURE = 10000.0
SCALE = 2.0 * math.pi


def position_encoder(normed_coord):
    nc = normed_coord * SCALE
    dim_t = jnp.arange(POS3D_DIM, dtype=jnp.float32)
    dim_t = TEMPERATURE ** (2.0 * jnp.floor(dim_t / 2.0) / POS3D_DIM)

    def enc(v):
        p = v[:, None] / dim_t
        return jnp.stack((jnp.sin(p[:, 0::2]), jnp.cos(p[:, 1::2])), axis=2).reshape(p.shape[0], -1)

    pos_x = enc(nc[:, 0])
    pos_y = enc(nc[:, 1])
    pos_z = enc(nc[:, 2])
    pos = jnp.concatenate((pos_y, pos_x, pos_z), axis=-1)
    if PAD_DIM > 0:
        pos = jnp.concatenate((pos, jnp.zeros((pos.shape[0], PAD_DIM), dtype=pos.dtype)), axis=-1)
    return pos


def setup_inputs(seed: int = 0):
    key = jax.random.key(seed)
    k1, k2, k3 = jax.random.split(key, 3)
    point_coord = jax.random.normal(k1, (1, N, 3), dtype=jnp.float32)
    labels = jax.random.randint(k2, (N,), 0, NUM_CLASSES, dtype=jnp.int32)
    pc_range = jnp.arange(6, dtype=jnp.float32)
    label_embed_weight = jax.random.uniform(k3, (NUM_CLASSES, EMBED_DIMS), dtype=jnp.float32)
    return {
        "point_coord": point_coord,
        "labels": labels,
        "pc_range": pc_range,
        "label_embed_weight": label_embed_weight,
    }


def reference(point_coord, labels, pc_range, label_embed_weight):
    # batch_size == 1 path of the original module, with_wlh=False,
    # learnable_label=True (uniform-init table), no query_proj.
    coord = point_coord[0]  # [N, 3]
    offset = pc_range[0:3]
    denom = jnp.stack([pc_range[3] - pc_range[0],
                       pc_range[4] - pc_range[1],
                       pc_range[5] - pc_range[2]])
    normed = (coord - offset) / denom
    pos = position_encoder(normed)                       # [N, 256]
    label_embedding = jnp.take(label_embed_weight, labels, axis=0)  # gather [N, 256]
    query_embedding = label_embedding + pos
    return query_embedding

if __name__ == "__main__":
    import jax
    _d = setup_inputs()
    print(jax.jit(kernel)(*tuple(_d.values())))

</pallas_src>

<mosaic_0001>
#map = affine_map<(d0, d1) -> (0)>
#map1 = affine_map<(d0, d1) -> (0, 0)>
module attributes {stable_mosaic.version = 14 : i64} {
  func.func @_sc_body(%arg0: i32, %arg1: i32, %arg2: memref<102400xf32, #tpu.memory_space<hbm>>, %arg3: memref<102400xf32, #tpu.memory_space<hbm>>, %arg4: memref<102400xf32, #tpu.memory_space<hbm>>, %arg5: memref<102400xi32, #tpu.memory_space<hbm>>, %arg6: memref<256xf32, #tpu.memory_space<hbm>>, %arg7: memref<256xf32, #tpu.memory_space<hbm>>, %arg8: memref<256xf32, #tpu.memory_space<hbm>>, %arg9: memref<256xf32, #tpu.memory_space<hbm>>, %arg10: memref<25600xf32, #tpu.memory_space<hbm>>, %arg11: memref<100000x256xf32, #tpu.memory_space<hbm>>, %arg12: memref<3200xf32, #tpu.memory_space<vmem>>, %arg13: memref<3200xf32, #tpu.memory_space<vmem>>, %arg14: memref<3200xf32, #tpu.memory_space<vmem>>, %arg15: memref<3200xi32, #tpu.memory_space<vmem>>, %arg16: memref<256xf32, #tpu.memory_space<vmem>>, %arg17: memref<256xf32, #tpu.memory_space<vmem>>, %arg18: memref<256xf32, #tpu.memory_space<vmem>>, %arg19: memref<256xf32, #tpu.memory_space<vmem>>, %arg20: memref<25600xf32, #tpu.memory_space<vmem>>, %arg21: memref<160x256xf32, #tpu.memory_space<vmem>>, %arg22: memref<160x256xf32, #tpu.memory_space<vmem>>, %arg23: memref<!tpu.dma_semaphore, #tpu.memory_space<semaphore_mem>>, %arg24: memref<!tpu.dma_semaphore, #tpu.memory_space<semaphore_mem>>) attributes {dimension_semantics = [#tpu.dimension_semantics<core_parallel>, #tpu.dimension_semantics<subcore_parallel>], iteration_bounds = array<i64: 2, 16>, scalar_prefetch = 0 : i64, scratch_operands = 13 : i64, tpu.core_type = #tpu.core_type<sc_vector_subcore>, window_params = [{transform_indices = #map}, {transform_indices = #map}, {transform_indices = #map}, {transform_indices = #map}, {transform_indices = #map}, {transform_indices = #map}, {transform_indices = #map}, {transform_indices = #map}, {transform_indices = #map}, {transform_indices = #map1}]} {
    %mul3A = arith.constant 2 : i32
    %mul3A_0 = arith.muli %arg1, %mul3A : i32
    %add3A = arith.addi %mul3A_0, %arg0 : i32
    %mul3A_1 = arith.constant 3200 : i32
    %mul3A_2 = arith.muli %add3A, %mul3A_1 : i32
    "tpu.region"() ({
      %run_scoped3A = tpu.sem_alloc : memref<!tpu.dma_semaphore, #tpu.memory_space<semaphore_mem>>
      %dma_start3A = tpu.memref_slice %arg2[%mul3A_2] : memref<102400xf32, #tpu.memory_space<hbm>> -> memref<3200xf32, #tpu.memory_space<hbm>>
      %dma_start3A_24 = tpu.memref_slice %arg2[%mul3A_2] : memref<102400xf32, #tpu.memory_space<hbm>> -> memref<3200xf32, #tpu.memory_space<hbm>>
      tpu.enqueue_dma source(%dma_start3A_24 : memref<3200xf32, #tpu.memory_space<hbm>>) target(%arg12 : memref<3200xf32, #tpu.memory_space<vmem>>) target_semaphore(%run_scoped3A : memref<!tpu.dma_semaphore, #tpu.memory_space<semaphore_mem>>)
      %dma_wait3A = tpu.memref_slice %arg2[%mul3A_2] : memref<102400xf32, #tpu.memory_space<hbm>> -> memref<3200xf32, #tpu.memory_space<hbm>>
      %dma_wait3A_25 = tpu.memref_slice %arg2[%mul3A_2] : memref<102400xf32, #tpu.memory_space<hbm>> -> memref<3200xf32, #tpu.memory_space<hbm>>
      tpu.wait_dma2 semaphore(%run_scoped3A : memref<!tpu.dma_semaphore, #tpu.memory_space<semaphore_mem>>) src(%dma_wait3A_25 : memref<3200xf32, #tpu.memory_space<hbm>>) dst(%arg12 : memref<3200xf32, #tpu.memory_space<vmem>>)
      tpu.yield
    }) : () -> ()
    "tpu.region"() ({
      %run_scoped3A = tpu.sem_alloc : memref<!tpu.dma_semaphore, #tpu.memory_space<semaphore_mem>>
      %dma_start3A = tpu.memref_slice %arg3[%mul3A_2] : memref<102400xf32, #tpu.memory_space<hbm>> -> memref<3200xf32, #tpu.memory_space<hbm>>
      %dma_start3A_24 = tpu.memref_slice %arg3[%mul3A_2] : memref<102400xf32, #tpu.memory_space<hbm>> -> memref<3200xf32, #tpu.memory_space<hbm>>
      tpu.enqueue_dma source(%dma_start3A_24 : memref<3200xf32, #tpu.memory_space<hbm>>) target(%arg13 : memref<3200xf32, #tpu.memory_space<vmem>>) target_semaphore(%run_scoped3A : memref<!tpu.dma_semaphore, #tpu.memory_space<semaphore_mem>>)
      %dma_wait3A = tpu.memref_slice %arg3[%mul3A_2] : memref<102400xf32, #tpu.memory_space<hbm>> -> memref<3200xf32, #tpu.memory_space<hbm>>
      %dma_wait3A_25 = tpu.memref_slice %arg3[%mul3A_2] : memref<102400xf32, #tpu.memory_space<hbm>> -> memref<3200xf32, #tpu.memory_space<hbm>>
      tpu.wait_dma2 semaphore(%run_scoped3A : memref<!tpu.dma_semaphore, #tpu.memory_space<semaphore_mem>>) src(%dma_wait3A_25 : memref<3200xf32, #tpu.memory_space<hbm>>) dst(%arg13 : memref<3200xf32, #tpu.memory_space<vmem>>)
      tpu.yield
    }) : () -> ()
    "tpu.region"() ({
      %run_scoped3A = tpu.sem_alloc : memref<!tpu.dma_semaphore, #tpu.memory_space<semaphore_mem>>
      %dma_start3A = tpu.memref_slice %arg4[%mul3A_2] : memref<102400xf32, #tpu.memory_space<hbm>> -> memref<3200xf32, #tpu.memory_space<hbm>>
      %dma_start3A_24 = tpu.memref_slice %arg4[%mul3A_2] : memref<102400xf32, #tpu.memory_space<hbm>> -> memref<3200xf32, #tpu.memory_space<hbm>>
      tpu.enqueue_dma source(%dma_start3A_24 : memref<3200xf32, #tpu.memory_space<hbm>>) target(%arg14 : memref<3200xf32, #tpu.memory_space<vmem>>) target_semaphore(%run_scoped3A : memref<!tpu.dma_semaphore, #tpu.memory_space<semaphore_mem>>)
      %dma_wait3A = tpu.memref_slice %arg4[%mul3A_2] : memref<102400xf32, #tpu.memory_space<hbm>> -> memref<3200xf32, #tpu.memory_space<hbm>>
      %dma_wait3A_25 = tpu.memref_slice %arg4[%mul3A_2] : memref<102400xf32, #tpu.memory_space<hbm>> -> memref<3200xf32, #tpu.memory_space<hbm>>
      tpu.wait_dma2 semaphore(%run_scoped3A : memref<!tpu.dma_semaphore, #tpu.memory_space<semaphore_mem>>) src(%dma_wait3A_25 : memref<3200xf32, #tpu.memory_space<hbm>>) dst(%arg14 : memref<3200xf32, #tpu.memory_space<vmem>>)
      tpu.yield
    }) : () -> ()
    "tpu.region"() ({
      %run_scoped3A = tpu.sem_alloc : memref<!tpu.dma_semaphore, #tpu.memory_space<semaphore_mem>>
      %dma_start3A = tpu.memref_slice %arg5[%mul3A_2] : memref<102400xi32, #tpu.memory_space<hbm>> -> memref<3200xi32, #tpu.memory_space<hbm>>
      %dma_start3A_24 = tpu.memref_slice %arg5[%mul3A_2] : memref<102400xi32, #tpu.memory_space<hbm>> -> memref<3200xi32, #tpu.memory_space<hbm>>
      tpu.enqueue_dma source(%dma_start3A_24 : memref<3200xi32, #tpu.memory_space<hbm>>) target(%arg15 : memref<3200xi32, #tpu.memory_space<vmem>>) target_semaphore(%run_scoped3A : memref<!tpu.dma_semaphore, #tpu.memory_space<semaphore_mem>>)
      %dma_wait3A = tpu.memref_slice %arg5[%mul3A_2] : memref<102400xi32, #tpu.memory_space<hbm>> -> memref<3200xi32, #tpu.memory_space<hbm>>
      %dma_wait3A_25 = tpu.memref_slice %arg5[%mul3A_2] : memref<102400xi32, #tpu.memory_space<hbm>> -> memref<3200xi32, #tpu.memory_space<hbm>>
      tpu.wait_dma2 semaphore(%run_scoped3A : memref<!tpu.dma_semaphore, #tpu.memory_space<semaphore_mem>>) src(%dma_wait3A_25 : memref<3200xi32, #tpu.memory_space<hbm>>) dst(%arg15 : memref<3200xi32, #tpu.memory_space<vmem>>)
      tpu.yield
    }) : () -> ()
    "tpu.region"() ({
      %run_scoped3A = tpu.sem_alloc : memref<!tpu.dma_semaphore, #tpu.memory_space<semaphore_mem>>
      tpu.enqueue_dma source(%arg6 : memref<256xf32, #tpu.memory_space<hbm>>) target(%arg16 : memref<256xf32, #tpu.memory_space<vmem>>) target_semaphore(%run_scoped3A : memref<!tpu.dma_semaphore, #tpu.memory_space<semaphore_mem>>)
      tpu.wait_dma2 semaphore(%run_scoped3A : memref<!tpu.dma_semaphore, #tpu.memory_space<semaphore_mem>>) src(%arg6 : memref<256xf32, #tpu.memory_space<hbm>>) dst(%arg16 : memref<256xf32, #tpu.memory_space<vmem>>)
      tpu.yield
    }) : () -> ()
    "tpu.region"() ({
      %run_scoped3A = tpu.sem_alloc : memref<!tpu.dma_semaphore, #tpu.memory_space<semaphore_mem>>
      tpu.enqueue_dma source(%arg7 : memref<256xf32, #tpu.memory_space<hbm>>) target(%arg17 : memref<256xf32, #tpu.memory_space<vmem>>) target_semaphore(%run_scoped3A : memref<!tpu.dma_semaphore, #tpu.memory_space<semaphore_mem>>)
      tpu.wait_dma2 semaphore(%run_scoped3A : memref<!tpu.dma_semaphore, #tpu.memory_space<semaphore_mem>>) src(%arg7 : memref<256xf32, #tpu.memory_space<hbm>>) dst(%arg17 : memref<256xf32, #tpu.memory_space<vmem>>)
      tpu.yield
    }) : () -> ()
    "tpu.region"() ({
      %run_scoped3A = tpu.sem_alloc : memref<!tpu.dma_semaphore, #tpu.memory_space<semaphore_mem>>
      tpu.enqueue_dma source(%arg8 : memref<256xf32, #tpu.memory_space<hbm>>) target(%arg18 : memref<256xf32, #tpu.memory_space<vmem>>) target_semaphore(%run_scoped3A : memref<!tpu.dma_semaphore, #tpu.memory_space<semaphore_mem>>)
      tpu.wait_dma2 semaphore(%run_scoped3A : memref<!tpu.dma_semaphore, #tpu.memory_space<semaphore_mem>>) src(%arg8 : memref<256xf32, #tpu.memory_space<hbm>>) dst(%arg18 : memref<256xf32, #tpu.memory_space<vmem>>)
      tpu.yield
    }) : () -> ()
    "tpu.region"() ({
      %run_scoped3A = tpu.sem_alloc : memref<!tpu.dma_semaphore, #tpu.memory_space<semaphore_mem>>
      tpu.enqueue_dma source(%arg9 : memref<256xf32, #tpu.memory_space<hbm>>) target(%arg19 : memref<256xf32, #tpu.memory_space<vmem>>) target_semaphore(%run_scoped3A : memref<!tpu.dma_semaphore, #tpu.memory_space<semaphore_mem>>)
      tpu.wait_dma2 semaphore(%run_scoped3A : memref<!tpu.dma_semaphore, #tpu.memory_space<semaphore_mem>>) src(%arg9 : memref<256xf32, #tpu.memory_space<hbm>>) dst(%arg19 : memref<256xf32, #tpu.memory_space<vmem>>)
      tpu.yield
    }) : () -> ()
    "tpu.region"() ({
      %run_scoped3A = tpu.sem_alloc : memref<!tpu.dma_semaphore, #tpu.memory_space<semaphore_mem>>
      tpu.enqueue_dma source(%arg10 : memref<25600xf32, #tpu.memory_space<hbm>>) target(%arg20 : memref<25600xf32, #tpu.memory_space<vmem>>) target_semaphore(%run_scoped3A : memref<!tpu.dma_semaphore, #tpu.memory_space<semaphore_mem>>)
      tpu.wait_dma2 semaphore(%run_scoped3A : memref<!tpu.dma_semaphore, #tpu.memory_space<semaphore_mem>>) src(%arg10 : memref<25600xf32, #tpu.memory_space<hbm>>) dst(%arg20 : memref<25600xf32, #tpu.memory_space<vmem>>)
      tpu.yield
    }) : () -> ()
    %iota3A = tpu.iota {dimensions = array<i32: 0>} : vector<16xi32>
    %scan3A = arith.constant 0 : i32
    %scan3A_3 = arith.constant 0x4B400000 : f32
    %scan3A_4 = arith.constant 0 : i32
    %scan3A_5 = arith.constant 10 : i32
    %scan3A_6 = arith.addi %scan3A_4, %scan3A_5 : i32
    %scan3A_7 = arith.constant 1 : i32
    scf.for %scan3A_24 = %scan3A_4 to %scan3A_6 step %scan3A_7  : i32 {
      %mul3A_25 = arith.constant 2 : i32
      %mul3A_26 = arith.muli %scan3A_24, %mul3A_25 : i32
      %mul3A_27 = arith.constant 160 : i32
      %mul3A_28 = arith.muli %mul3A_26, %mul3A_27 : i32
      %add3A_29 = arith.addi %mul3A_2, %mul3A_28 : i32
      %sub3A = arith.constant 320 : i32
      %sub3A_30 = arith.subi %add3A_29, %sub3A : i32
      %ge3A = arith.constant 2 : i32
      %ge3A_31 = arith.cmpi sge, %mul3A_26, %ge3A : i32
      %add3A_32 = arith.constant 160 : i32
      %add3A_33 = arith.addi %sub3A_30, %add3A_32 : i32
      %le3A_34 = arith.constant 100000 : i32
      %le3A_35 = arith.cmpi sle, %add3A_33, %le3A_34 : i32
      %and3A = arith.andi %ge3A_31, %le3A_35 : i1
      %convert_element_type3A_36 = arith.extui %and3A : i1 to i32
      %cond3A_37 = arith.constant 0 : i32
      %cond3A_38 = arith.cmpi ne, %convert_element_type3A_36, %cond3A_37 : i32
      scf.if %cond3A_38 {
        %dma_wait3A = arith.constant 0 : i32
        %dma_wait3A_218 = tpu.memref_slice %arg11[%sub3A_30, %dma_wait3A] : memref<100000x256xf32, #tpu.memory_space<hbm>> -> memref<160x256xf32, #tpu.memory_space<hbm>>
        %dma_wait3A_219 = arith.constant 0 : i32
        %dma_wait3A_220 = tpu.memref_slice %arg11[%sub3A_30, %dma_wait3A_219] : memref<100000x256xf32, #tpu.memory_space<hbm>> -> memref<160x256xf32, #tpu.memory_space<hbm>>
        tpu.wait_dma2 semaphore(%arg23 : memref<!tpu.dma_semaphore, #tpu.memory_space<semaphore_mem>>) src(%arg21 : memref<160x256xf32, #tpu.memory_space<vmem>>) dst(%dma_wait3A_220 : memref<160x256xf32, #tpu.memory_space<hbm>>)
      } else {
      }
      %get3A = arith.constant 0 : index
      %get3A_39 = tpu.vector_load %arg19[%get3A] {strides = array<i32>} : memref<256xf32, #tpu.memory_space<vmem>>, vector<16xf32>,
      %get3A_40 = arith.constant 16 : index
      %get3A_41 = tpu.vector_load %arg19[%get3A_40] {strides = array<i32>} : memref<256xf32, #tpu.memory_space<vmem>>, vector<16xf32>,
      %get3A_42 = arith.constant 32 : index
      %get3A_43 = tpu.vector_load %arg19[%get3A_42] {strides = array<i32>} : memref<256xf32, #tpu.memory_space<vmem>>, vector<16xf32>,
      %get3A_44 = arith.constant 48 : index
      %get3A_45 = tpu.vector_load %arg19[%get3A_44] {strides = array<i32>} : memref<256xf32, #tpu.memory_space<vmem>>, vector<16xf32>,
      %get3A_46 = arith.constant 64 : index
      %get3A_47 = tpu.vector_load %arg19[%get3A_46] {strides = array<i32>} : memref<256xf32, #tpu.memory_space<vmem>>, vector<16xf32>,
      %get3A_48 = arith.constant 80 : index
      %get3A_49 = tpu.vector_load %arg19[%get3A_48] {strides = array<i32>} : memref<256xf32, #tpu.memory_space<vmem>>, vector<16xf32>,
      %get3A_50 = arith.constant 96 : index
      %get3A_51 = tpu.vector_load %arg19[%get3A_50] {strides = array<i32>} : memref<256xf32, #tpu.memory_space<vmem>>, vector<16xf32>,
      %get3A_52 = arith.constant 112 : index
      %get3A_53 = tpu.vector_load %arg19[%get3A_52] {strides = array<i32>} : memref<256xf32, #tpu.memory_space<vmem>>, vector<16xf32>,
      %get3A_54 = arith.constant 0 : index
      %get3A_55 = tpu.vector_load %arg16[%get3A_54] {strides = array<i32>} : memref<256xf32, #tpu.memory_space<vmem>>, vector<16xf32>,
      %get3A_56 = arith.constant 16 : index
      %get3A_57 = tpu.vector_load %arg16[%get3A_56] {strides = array<i32>} : memref<256xf32, #tpu.memory_space<vmem>>, vector<16xf32>,
      %get3A_58 = arith.constant 32 : index
      %get3A_59 = tpu.vector_load %arg16[%get3A_58] {strides = array<i32>} : memref<256xf32, #tpu.memory_space<vmem>>, vector<16xf32>,
      %get3A_60 = arith.constant 48 : index
      %get3A_61 = tpu.vector_load %arg16[%get3A_60] {strides = array<i32>} : memref<256xf32, #tpu.memory_space<vmem>>, vector<16xf32>,
      %get3A_62 = arith.constant 64 : index
      %get3A_63 = tpu.vector_load %arg16[%get3A_62] {strides = array<i32>} : memref<256xf32, #tpu.memory_space<vmem>>, vector<16xf32>,
      %get3A_64 = arith.constant 80 : index
      %get3A_65 = tpu.vector_load %arg16[%get3A_64] {strides = array<i32>} : memref<256xf32, #tpu.memory_space<vmem>>, vector<16xf32>,
      %get3A_66 = arith.constant 80 : index
      %get3A_67 = tpu.vector_load %arg17[%get3A_66] {strides = array<i32>} : memref<256xf32, #tpu.memory_space<vmem>>, vector<16xf32>,
      %get3A_68 = arith.constant 96 : index
      %get3A_69 = tpu.vector_load %arg17[%get3A_68] {strides = array<i32>} : memref<256xf32, #tpu.memory_space<vmem>>, vector<16xf32>,
      %get3A_70 = arith.constant 112 : index
      %get3A_71 = tpu.vector_load %arg17[%get3A_70] {strides = array<i32>} : memref<256xf32, #tpu.memory_space<vmem>>, vector<16xf32>,
      %parallel_loop3A = arith.constant 0 : i32
      %parallel_loop3A_72 = arith.constant 160 : i32
      %parallel_loop3A_73 = arith.constant 1 : i32
      scf.for %parallel_loop3A_218 = %parallel_loop3A to %parallel_loop3A_72 step %parallel_loop3A_73  : i32 {
        %parallel_loop3A_219 = arith.constant 160 : i32
        %parallel_loop3A_220 = arith.muli %mul3A_26, %parallel_loop3A_219 : i32
        %parallel_loop3A_221 = arith.addi %parallel_loop3A_220, %parallel_loop3A_218 : i32
        %parallel_loop3A_222 = vector.broadcast %parallel_loop3A_221 : i32 to vector<16xi32>
        %parallel_loop3A_223 = tpu.vector_load_idx %arg13[%parallel_loop3A_222] : memref<3200xf32, #tpu.memory_space<vmem>>[vector<16xi32>], vector<16xf32>,
        %parallel_loop3A_224 = tpu.vector_load_idx %arg12[%parallel_loop3A_222] : memref<3200xf32, #tpu.memory_space<vmem>>[vector<16xi32>], vector<16xf32>,
        %parallel_loop3A_225 = tpu.vector_load_idx %arg15[%parallel_loop3A_222] : memref<3200xi32, #tpu.memory_space<vmem>>[vector<16xi32>], vector<16xi32>,
        %parallel_loop3A_226 = arith.constant 8 : i32
        %parallel_loop3A_227 = vector.broadcast %parallel_loop3A_226 : i32 to vector<16xi32>
        %parallel_loop3A_228 = arith.shli %parallel_loop3A_225, %parallel_loop3A_227 : vector<16xi32>
        %parallel_loop3A_229 = arith.addi %parallel_loop3A_228, %iota3A : vector<16xi32>
        %parallel_loop3A_230 = arith.mulf %parallel_loop3A_223, %get3A_55 : vector<16xf32>
        %parallel_loop3A_231 = arith.addf %parallel_loop3A_230, %get3A_39 : vector<16xf32>
        %parallel_loop3A_232 = vector.broadcast %scan3A_3 : f32 to vector<16xf32>
        %parallel_loop3A_233 = arith.addf %parallel_loop3A_231, %parallel_loop3A_232 : vector<16xf32>
        %parallel_loop3A_234 = vector.broadcast %scan3A_3 : f32 to vector<16xf32>
        %parallel_loop3A_235 = arith.subf %parallel_loop3A_233, %parallel_loop3A_234 : vector<16xf32>
        %parallel_loop3A_236 = arith.subf %parallel_loop3A_231, %parallel_loop3A_235 : vector<16xf32>
        %parallel_loop3A_237 = arith.mulf %parallel_loop3A_236, %parallel_loop3A_236 : vector<16xf32>
        %parallel_loop3A_238 = arith.constant 57.02565 : f32
        %parallel_loop3A_239 = vector.broadcast %parallel_loop3A_238 : f32 to vector<16xf32>
        %parallel_loop3A_240 = arith.mulf %parallel_loop3A_239, %parallel_loop3A_237 : vector<16xf32>
        %parallel_loop3A_241 = arith.constant -39.16185 : f32
        %parallel_loop3A_242 = vector.broadcast %parallel_loop3A_241 : f32 to vector<16xf32>
        %parallel_loop3A_243 = arith.addf %parallel_loop3A_240, %parallel_loop3A_242 : vector<16xf32>
        %parallel_loop3A_244 = arith.mulf %parallel_loop3A_243, %parallel_loop3A_237 : vector<16xf32>
        %parallel_loop3A_245 = arith.constant 6.25374365 : f32
        %parallel_loop3A_246 = vector.broadcast %parallel_loop3A_245 : f32 to vector<16xf32>
        %parallel_loop3A_247 = arith.addf %parallel_loop3A_244, %parallel_loop3A_246 : vector<16xf32>
        %parallel_loop3A_248 = arith.mulf %parallel_loop3A_236, %parallel_loop3A_247 : vector<16xf32>
        %parallel_loop3A_249 = arith.constant 0 : i32
        %parallel_loop3A_250 = tpu.memref_slice %arg20[%parallel_loop3A_249] : memref<25600xf32, #tpu.memory_space<vmem>> -> memref<25600xf32, #tpu.memory_space<vmem>>
        %parallel_loop3A_251 = tpu.vector_load_idx %parallel_loop3A_250[%parallel_loop3A_229] : memref<25600xf32, #tpu.memory_space<vmem>>[vector<16xi32>], vector<16xf32>,
        %parallel_loop3A_252 = arith.addf %parallel_loop3A_251, %parallel_loop3A_248 : vector<16xf32>
        %parallel_loop3A_253 = arith.index_cast %parallel_loop3A_218 : i32 to index
        %parallel_loop3A_254 = arith.constant 0 : index
        %parallel_loop3A_255 = tpu.vector_load %arg21[%parallel_loop3A_253, %parallel_loop3A_254] {strides = array<i32>} : memref<160x256xf32, #tpu.memory_space<vmem>>, vector<16xf32>,
        tpu.vector_store %arg21[%parallel_loop3A_253, %parallel_loop3A_254], %parallel_loop3A_252 {strides = array<i32>} : memref<160x256xf32, #tpu.memory_space<vmem>>, vector<16xf32>,
        %parallel_loop3A_256 = arith.mulf %parallel_loop3A_223, %get3A_57 : vector<16xf32>
        %parallel_loop3A_257 = arith.addf %parallel_loop3A_256, %get3A_41 : vector<16xf32>
        %parallel_loop3A_258 = vector.broadcast %scan3A_3 : f32 to vector<16xf32>
        %parallel_loop3A_259 = arith.addf %parallel_loop3A_257, %parallel_loop3A_258 : vector<16xf32>
        %parallel_loop3A_260 = vector.broadcast %scan3A_3 : f32 to vector<16xf32>
        %parallel_loop3A_261 = arith.subf %parallel_loop3A_259, %parallel_loop3A_260 : vector<16xf32>
        %parallel_loop3A_262 = arith.subf %parallel_loop3A_257, %parallel_loop3A_261 : vector<16xf32>
        %parallel_loop3A_263 = arith.mulf %parallel_loop3A_262, %parallel_loop3A_262 : vector<16xf32>
        %parallel_loop3A_264 = arith.constant 57.02565 : f32
        %parallel_loop3A_265 = vector.broadcast %parallel_loop3A_264 : f32 to vector<16xf32>
        %parallel_loop3A_266 = arith.mulf %parallel_loop3A_265, %parallel_loop3A_263 : vector<16xf32>
        %parallel_loop3A_267 = arith.constant -39.16185 : f32
        %parallel_loop3A_268 = vector.broadcast %parallel_loop3A_267 : f32 to vector<16xf32>
        %parallel_loop3A_269 = arith.addf %parallel_loop3A_266, %parallel_loop3A_268 : vector<16xf32>
        %parallel_loop3A_270 = arith.mulf %parallel_loop3A_269, %parallel_loop3A_263 : vector<16xf32>
        %parallel_loop3A_271 = arith.constant 6.25374365 : f32
        %parallel_loop3A_272 = vector.broadcast %parallel_loop3A_271 : f32 to vector<16xf32>
        %parallel_loop3A_273 = arith.addf %parallel_loop3A_270, %parallel_loop3A_272 : vector<16xf32>
        %parallel_loop3A_274 = arith.mulf %parallel_loop3A_262, %parallel_loop3A_273 : vector<16xf32>
        %parallel_loop3A_275 = arith.constant 16 : i32
        %parallel_loop3A_276 = tpu.memref_slice %arg20[%parallel_loop3A_275] : memref<25600xf32, #tpu.memory_space<vmem>> -> memref<25584xf32, #tpu.memory_space<vmem>>
        %parallel_loop3A_277 = tpu.vector_load_idx %parallel_loop3A_276[%parallel_loop3A_229] : memref<25584xf32, #tpu.memory_space<vmem>>[vector<16xi32>], vector<16xf32>,
        %parallel_loop3A_278 = arith.addf %parallel_loop3A_277, %parallel_loop3A_274 : vector<16xf32>
        %parallel_loop3A_279 = arith.index_cast %parallel_loop3A_218 : i32 to index
        %parallel_loop3A_280 = arith.constant 16 : index
        %parallel_loop3A_281 = tpu.vector_load %arg21[%parallel_loop3A_279, %parallel_loop3A_280] {strides = array<i32>} : memref<160x256xf32, #tpu.memory_space<vmem>>, vector<16xf32>,
        tpu.vector_store %arg21[%parallel_loop3A_279, %parallel_loop3A_280], %parallel_loop3A_278 {strides = array<i32>} : memref<160x256xf32, #tpu.memory_space<vmem>>, vector<16xf32>,
        %parallel_loop3A_282 = arith.mulf %parallel_loop3A_223, %get3A_59 : vector<16xf32>
        %parallel_loop3A_283 = arith.addf %parallel_loop3A_282, %get3A_43 : vector<16xf32>
        %parallel_loop3A_284 = vector.broadcast %scan3A_3 : f32 to vector<16xf32>
        %parallel_loop3A_285 = arith.addf %parallel_loop3A_283, %parallel_loop3A_284 : vector<16xf32>
        %parallel_loop3A_286 = vector.broadcast %scan3A_3 : f32 to vector<16xf32>
        %parallel_loop3A_287 = arith.subf %parallel_loop3A_285, %parallel_loop3A_286 : vector<16xf32>
        %parallel_loop3A_288 = arith.subf %parallel_loop3A_283, %parallel_loop3A_287 : vector<16xf32>
        %parallel_loop3A_289 = arith.mulf %parallel_loop3A_288, %parallel_loop3A_288 : vector<16xf32>
        %parallel_loop3A_290 = arith.constant 57.02565 : f32
        %parallel_loop3A_291 = vector.broadcast %parallel_loop3A_290 : f32 to vector<16xf32>
        %parallel_loop3A_292 = arith.mulf %parallel_loop3A_291, %parallel_loop3A_289 : vector<16xf32>
        %parallel_loop3A_293 = arith.constant -39.16185 : f32
        %parallel_loop3A_294 = vector.broadcast %parallel_loop3A_293 : f32 to vector<16xf32>
        %parallel_loop3A_295 = arith.addf %parallel_loop3A_292, %parallel_loop3A_294 : vector<16xf32>
        %parallel_loop3A_296 = arith.mulf %parallel_loop3A_295, %parallel_loop3A_289 : vector<16xf32>
        %parallel_loop3A_297 = arith.constant 6.25374365 : f32
        %parallel_loop3A_298 = vector.broadcast %parallel_loop3A_297 : f32 to vector<16xf32>
        %parallel_loop3A_299 = arith.addf %parallel_loop3A_296, %parallel_loop3A_298 : vector<16xf32>
        %parallel_loop3A_300 = arith.mulf %parallel_loop3A_288, %parallel_loop3A_299 : vector<16xf32>
        %parallel_loop3A_301 = arith.constant 32 : i32
        %parallel_loop3A_302 = tpu.memref_slice %arg20[%parallel_loop3A_301] : memref<25600xf32, #tpu.memory_space<vmem>> -> memref<25568xf32, #tpu.memory_space<vmem>>
        %parallel_loop3A_303 = tpu.vector_load_idx %parallel_loop3A_302[%parallel_loop3A_229] : memref<25568xf32, #tpu.memory_space<vmem>>[vector<16xi32>], vector<16xf32>,
        %parallel_loop3A_304 = arith.addf %parallel_loop3A_303, %parallel_loop3A_300 : vector<16xf32>
        %parallel_loop3A_305 = arith.index_cast %parallel_loop3A_218 : i32 to index
        %parallel_loop3A_306 = arith.constant 32 : index
        %parallel_loop3A_307 = tpu.vector_load %arg21[%parallel_loop3A_305, %parallel_loop3A_306] {strides = array<i32>} : memref<160x256xf32, #tpu.memory_space<vmem>>, vector<16xf32>,
        tpu.vector_store %arg21[%parallel_loop3A_305, %parallel_loop3A_306], %parallel_loop3A_304 {strides = array<i32>} : memref<160x256xf32, #tpu.memory_space<vmem>>, vector<16xf32>,
        %parallel_loop3A_308 = arith.mulf %parallel_loop3A_223, %get3A_61 : vector<16xf32>
        %parallel_loop3A_309 = arith.addf %parallel_loop3A_308, %get3A_45 : vector<16xf32>
        %parallel_loop3A_310 = vector.broadcast %scan3A_3 : f32 to vector<16xf32>
        %parallel_loop3A_311 = arith.addf %parallel_loop3A_309, %parallel_loop3A_310 : vector<16xf32>
        %parallel_loop3A_312 = vector.broadcast %scan3A_3 : f32 to vector<16xf32>
        %parallel_loop3A_313 = arith.subf %parallel_loop3A_311, %parallel_loop3A_312 : vector<16xf32>
        %parallel_loop3A_314 = arith.subf %parallel_loop3A_309, %parallel_loop3A_313 : vector<16xf32>
        %parallel_loop3A_315 = arith.mulf %parallel_loop3A_314, %parallel_loop3A_314 : vector<16xf32>
        %parallel_loop3A_316 = arith.constant 57.02565 : f32
        %parallel_loop3A_317 = vector.broadcast %parallel_loop3A_316 : f32 to vector<16xf32>
        %parallel_loop3A_318 = arith.mulf %parallel_loop3A_317, %parallel_loop3A_315 : vector<16xf32>
        %parallel_loop3A_319 = arith.constant -39.16185 : f32
        %parallel_loop3A_320 = vector.broadcast %parallel_loop3A_319 : f32 to vector<16xf32>
        %parallel_loop3A_321 = arith.addf %parallel_loop3A_318, %parallel_loop3A_320 : vector<16xf32>
        %parallel_loop3A_322 = arith.mulf %parallel_loop3A_321, %parallel_loop3A_315 : vector<16xf32>
        %parallel_loop3A_323 = arith.constant 6.25374365 : f32
        %parallel_loop3A_324 = vector.broadcast %parallel_loop3A_323 : f32 to vector<16xf32>
        %parallel_loop3A_325 = arith.addf %parallel_loop3A_322, %parallel_loop3A_324 : vector<16xf32>
        %parallel_loop3A_326 = arith.mulf %parallel_loop3A_314, %parallel_loop3A_325 : vector<16xf32>
        %parallel_loop3A_327 = arith.constant 48 : i32
        %parallel_loop3A_328 = tpu.memref_slice %arg20[%parallel_loop3A_327] : memref<25600xf32, #tpu.memory_space<vmem>> -> memref<25552xf32, #tpu.memory_space<vmem>>
        %parallel_loop3A_329 = tpu.vector_load_idx %parallel_loop3A_328[%parallel_loop3A_229] : memref<25552xf32, #tpu.memory_space<vmem>>[vector<16xi32>], vector<16xf32>,
        %parallel_loop3A_330 = arith.addf %parallel_loop3A_329, %parallel_loop3A_326 : vector<16xf32>
        %parallel_loop3A_331 = arith.index_cast %parallel_loop3A_218 : i32 to index
        %parallel_loop3A_332 = arith.constant 48 : index
        %parallel_loop3A_333 = tpu.vector_load %arg21[%parallel_loop3A_331, %parallel_loop3A_332] {strides = array<i32>} : memref<160x256xf32, #tpu.memory_space<vmem>>, vector<16xf32>,
        tpu.vector_store %arg21[%parallel_loop3A_331, %parallel_loop3A_332], %parallel_loop3A_330 {strides = array<i32>} : memref<160x256xf32, #tpu.memory_space<vmem>>, vector<16xf32>,
        %parallel_loop3A_334 = arith.mulf %parallel_loop3A_223, %get3A_63 : vector<16xf32>
        %parallel_loop3A_335 = arith.addf %parallel_loop3A_334, %get3A_47 : vector<16xf32>
        %parallel_loop3A_336 = vector.broadcast %scan3A_3 : f32 to vector<16xf32>
        %parallel_loop3A_337 = arith.addf %parallel_loop3A_335, %parallel_loop3A_336 : vector<16xf32>
        %parallel_loop3A_338 = vector.broadcast %scan3A_3 : f32 to vector<16xf32>
        %parallel_loop3A_339 = arith.subf %parallel_loop3A_337, %parallel_loop3A_338 : vector<16xf32>
        %parallel_loop3A_340 = arith.subf %parallel_loop3A_335, %parallel_loop3A_339 : vector<16xf32>
        %parallel_loop3A_341 = arith.mulf %parallel_loop3A_340, %parallel_loop3A_340 : vector<16xf32>
        %parallel_loop3A_342 = arith.constant 57.02565 : f32
        %parallel_loop3A_343 = vector.broadcast %parallel_loop3A_342 : f32 to vector<16xf32>
        %parallel_loop3A_344 = arith.mulf %parallel_loop3A_343, %parallel_loop3A_341 : vector<16xf32>
        %parallel_loop3A_345 = arith.constant -39.16185 : f32
        %parallel_loop3A_346 = vector.broadcast %parallel_loop3A_345 : f32 to vector<16xf32>
        %parallel_loop3A_347 = arith.addf %parallel_loop3A_344, %parallel_loop3A_346 : vector<16xf32>
        %parallel_loop3A_348 = arith.mulf %parallel_loop3A_347, %parallel_loop3A_341 : vector<16xf32>
        %parallel_loop3A_349 = arith.constant 6.25374365 : f32
        %parallel_loop3A_350 = vector.broadcast %parallel_loop3A_349 : f32 to vector<16xf32>
        %parallel_loop3A_351 = arith.addf %parallel_loop3A_348, %parallel_loop3A_350 : vector<16xf32>
        %parallel_loop3A_352 = arith.mulf %parallel_loop3A_340, %parallel_loop3A_351 : vector<16xf32>
        %parallel_loop3A_353 = arith.constant 64 : i32
        %parallel_loop3A_354 = tpu.memref_slice %arg20[%parallel_loop3A_353] : memref<25600xf32, #tpu.memory_space<vmem>> -> memref<25536xf32, #tpu.memory_space<vmem>>
        %parallel_loop3A_355 = tpu.vector_load_idx %parallel_loop3A_354[%parallel_loop3A_229] : memref<25536xf32, #tpu.memory_space<vmem>>[vector<16xi32>], vector<16xf32>,
        %parallel_loop3A_356 = arith.addf %parallel_loop3A_355, %parallel_loop3A_352 : vector<16xf32>
        %parallel_loop3A_357 = arith.index_cast %parallel_loop3A_218 : i32 to index
        %parallel_loop3A_358 = arith.constant 64 : index
        %parallel_loop3A_359 = tpu.vector_load %arg21[%parallel_loop3A_357, %parallel_loop3A_358] {strides = array<i32>} : memref<160x256xf32, #tpu.memory_space<vmem>>, vector<16xf32>,
        tpu.vector_store %arg21[%parallel_loop3A_357, %parallel_loop3A_358], %parallel_loop3A_356 {strides = array<i32>} : memref<160x256xf32, #tpu.memory_space<vmem>>, vector<16xf32>,
        %parallel_loop3A_360 = arith.mulf %parallel_loop3A_223, %get3A_65 : vector<16xf32>
        %parallel_loop3A_361 = arith.addf %parallel_loop3A_360, %get3A_49 : vector<16xf32>
        %parallel_loop3A_362 = arith.mulf %parallel_loop3A_224, %get3A_67 : vector<16xf32>
        %parallel_loop3A_363 = arith.addf %parallel_loop3A_362, %parallel_loop3A_361 : vector<16xf32>
        %parallel_loop3A_364 = vector.broadcast %scan3A_3 : f32 to vector<16xf32>
        %parallel_loop3A_365 = arith.addf %parallel_loop3A_363, %parallel_loop3A_364 : vector<16xf32>
        %parallel_loop3A_366 = vector.broadcast %scan3A_3 : f32 to vector<16xf32>
        %parallel_loop3A_367 = arith.subf %parallel_loop3A_365, %parallel_loop3A_366 : vector<16xf32>
        %parallel_loop3A_368 = arith.subf %parallel_loop3A_363, %parallel_loop3A_367 : vector<16xf32>
        %parallel_loop3A_369 = arith.mulf %parallel_loop3A_368, %parallel_loop3A_368 : vector<16xf32>
        %parallel_loop3A_370 = arith.constant 57.02565 : f32
        %parallel_loop3A_371 = vector.broadcast %parallel_loop3A_370 : f32 to vector<16xf32>
        %parallel_loop3A_372 = arith.mulf %parallel_loop3A_371, %parallel_loop3A_369 : vector<16xf32>
        %parallel_loop3A_373 = arith.constant -39.16185 : f32
        %parallel_loop3A_374 = vector.broadcast %parallel_loop3A_373 : f32 to vector<16xf32>
        %parallel_loop3A_375 = arith.addf %parallel_loop3A_372, %parallel_loop3A_374 : vector<16xf32>
        %parallel_loop3A_376 = arith.mulf %parallel_loop3A_375, %parallel_loop3A_369 : vector<16xf32>
        %parallel_loop3A_377 = arith.constant 6.25374365 : f32
        %parallel_loop3A_378 = vector.broadcast %parallel_loop3A_377 : f32 to vector<16xf32>
        %parallel_loop3A_379 = arith.addf %parallel_loop3A_376, %parallel_loop3A_378 : vector<16xf32>
        %parallel_loop3A_380 = arith.mulf %parallel_loop3A_368, %parallel_loop3A_379 : vector<16xf32>
        %parallel_loop3A_381 = arith.constant 80 : i32
        %parallel_loop3A_382 = tpu.memref_slice %arg20[%parallel_loop3A_381] : memref<25600xf32, #tpu.memory_space<vmem>> -> memref<25520xf32, #tpu.memory_space<vmem>>
        %parallel_loop3A_383 = tpu.vector_load_idx %parallel_loop3A_382[%parallel_loop3A_229] : memref<25520xf32, #tpu.memory_space<vmem>>[vector<16xi32>], vector<16xf32>,
        %parallel_loop3A_384 = arith.addf %parallel_loop3A_383, %parallel_loop3A_380 : vector<16xf32>
        %parallel_loop3A_385 = arith.index_cast %parallel_loop3A_218 : i32 to index
        %parallel_loop3A_386 = arith.constant 80 : index
        %parallel_loop3A_387 = tpu.vector_load %arg21[%parallel_loop3A_385, %parallel_loop3A_386] {strides = array<i32>} : memref<160x256xf32, #tpu.memory_space<vmem>>, vector<16xf32>,
        tpu.vector_store %arg21[%parallel_loop3A_385, %parallel_loop3A_386], %parallel_loop3A_384 {strides = array<i32>} : memref<160x256xf32, #tpu.memory_space<vmem>>, vector<16xf32>,
        %parallel_loop3A_388 = arith.mulf %parallel_loop3A_224, %get3A_69 : vector<16xf32>
        %parallel_loop3A_389 = arith.addf %parallel_loop3A_388, %get3A_51 : vector<16xf32>
        %parallel_loop3A_390 = vector.broadcast %scan3A_3 : f32 to vector<16xf32>
        %parallel_loop3A_391 = arith.addf %parallel_loop3A_389, %parallel_loop3A_390 : vector<16xf32>
        %parallel_loop3A_392 = vector.broadcast %scan3A_3 : f32 to vector<16xf32>
        %parallel_loop3A_393 = arith.subf %parallel_loop3A_391, %parallel_loop3A_392 : vector<16xf32>
        %parallel_loop3A_394 = arith.subf %parallel_loop3A_389, %parallel_loop3A_393 : vector<16xf32>
        %parallel_loop3A_395 = arith.mulf %parallel_loop3A_394, %parallel_loop3A_394 : vector<16xf32>
        %parallel_loop3A_396 = arith.constant 57.02565 : f32
        %parallel_loop3A_397 = vector.broadcast %parallel_loop3A_396 : f32 to vector<16xf32>
        %parallel_loop3A_398 = arith.mulf %parallel_loop3A_397, %parallel_loop3A_395 : vector<16xf32>
        %parallel_loop3A_399 = arith.constant -39.16185 : f32
        %parallel_loop3A_400 = vector.broadcast %parallel_loop3A_399 : f32 to vector<16xf32>
        %parallel_loop3A_401 = arith.addf %parallel_loop3A_398, %parallel_loop3A_400 : vector<16xf32>
        %parallel_loop3A_402 = arith.mulf %parallel_loop3A_401, %parallel_loop3A_395 : vector<16xf32>
        %parallel_loop3A_403 = arith.constant 6.25374365 : f32
        %parallel_loop3A_404 = vector.broadcast %parallel_loop3A_403 : f32 to vector<16xf32>
        %parallel_loop3A_405 = arith.addf %parallel_loop3A_402, %parallel_loop3A_404 : vector<16xf32>
        %parallel_loop3A_406 = arith.mulf %parallel_loop3A_394, %parallel_loop3A_405 : vector<16xf32>
        %parallel_loop3A_407 = arith.constant 96 : i32
        %parallel_loop3A_408 = tpu.memref_slice %arg20[%parallel_loop3A_407] : memref<25600xf32, #tpu.memory_space<vmem>> -> memref<25504xf32, #tpu.memory_space<vmem>>
        %parallel_loop3A_409 = tpu.vector_load_idx %parallel_loop3A_408[%parallel_loop3A_229] : memref<25504xf32, #tpu.memory_space<vmem>>[vector<16xi32>], vector<16xf32>,
        %parallel_loop3A_410 = arith.addf %parallel_loop3A_409, %parallel_loop3A_406 : vector<16xf32>
        %parallel_loop3A_411 = arith.index_cast %parallel_loop3A_218 : i32 to index
        %parallel_loop3A_412 = arith.constant 96 : index
        %parallel_loop3A_413 = tpu.vector_load %arg21[%parallel_loop3A_411, %parallel_loop3A_412] {strides = array<i32>} : memref<160x256xf32, #tpu.memory_space<vmem>>, vector<16xf32>,
        tpu.vector_store %arg21[%parallel_loop3A_411, %parallel_loop3A_412], %parallel_loop3A_410 {strides = array<i32>} : memref<160x256xf32, #tpu.memory_space<vmem>>, vector<16xf32>,
        %parallel_loop3A_414 = arith.mulf %parallel_loop3A_224, %get3A_71 : vector<16xf32>
        %parallel_loop3A_415 = arith.addf %parallel_loop3A_414, %get3A_53 : vector<16xf32>
        %parallel_loop3A_416 = vector.broadcast %scan3A_3 : f32 to vector<16xf32>
        %parallel_loop3A_417 = arith.addf %parallel_loop3A_415, %parallel_loop3A_416 : vector<16xf32>
        %parallel_loop3A_418 = vector.broadcast %scan3A_3 : f32 to vector<16xf32>
        %parallel_loop3A_419 = arith.subf %parallel_loop3A_417, %parallel_loop3A_418 : vector<16xf32>
        %parallel_loop3A_420 = arith.subf %parallel_loop3A_415, %parallel_loop3A_419 : vector<16xf32>
        %parallel_loop3A_421 = arith.mulf %parallel_loop3A_420, %parallel_loop3A_420 : vector<16xf32>
        %parallel_loop3A_422 = arith.constant 57.02565 : f32
        %parallel_loop3A_423 = vector.broadcast %parallel_loop3A_422 : f32 to vector<16xf32>
        %parallel_loop3A_424 = arith.mulf %parallel_loop3A_423, %parallel_loop3A_421 : vector<16xf32>
        %parallel_loop3A_425 = arith.constant -39.16185 : f32
        %parallel_loop3A_426 = vector.broadcast %parallel_loop3A_425 : f32 to vector<16xf32>
        %parallel_loop3A_427 = arith.addf %parallel_loop3A_424, %parallel_loop3A_426 : vector<16xf32>
        %parallel_loop3A_428 = arith.mulf %parallel_loop3A_427, %parallel_loop3A_421 : vector<16xf32>
        %parallel_loop3A_429 = arith.constant 6.25374365 : f32
        %parallel_loop3A_430 = vector.broadcast %parallel_loop3A_429 : f32 to vector<16xf32>
        %parallel_loop3A_431 = arith.addf %parallel_loop3A_428, %parallel_loop3A_430 : vector<16xf32>
        %parallel_loop3A_432 = arith.mulf %parallel_loop3A_420, %parallel_loop3A_431 : vector<16xf32>
        %parallel_loop3A_433 = arith.constant 112 : i32
        %parallel_loop3A_434 = tpu.memref_slice %arg20[%parallel_loop3A_433] : memref<25600xf32, #tpu.memory_space<vmem>> -> memref<25488xf32, #tpu.memory_space<vmem>>
        %parallel_loop3A_435 = tpu.vector_load_idx %parallel_loop3A_434[%parallel_loop3A_229] : memref<25488xf32, #tpu.memory_space<vmem>>[vector<16xi32>], vector<16xf32>,
        %parallel_loop3A_436 = arith.addf %parallel_loop3A_435, %parallel_loop3A_432 : vector<16xf32>
        %parallel_loop3A_437 = arith.index_cast %parallel_loop3A_218 : i32 to index
        %parallel_loop3A_438 = arith.constant 112 : index
        %parallel_loop3A_439 = tpu.vector_load %arg21[%parallel_loop3A_437, %parallel_loop3A_438] {strides = array<i32>} : memref<160x256xf32, #tpu.memory_space<vmem>>, vector<16xf32>,
        tpu.vector_store %arg21[%parallel_loop3A_437, %parallel_loop3A_438], %parallel_loop3A_436 {strides = array<i32>} : memref<160x256xf32, #tpu.memory_space<vmem>>, vector<16xf32>,
      } {sc.loop_unroll_factor = 2 : i64, sc.parallel_access}
      %get3A_74 = arith.constant 128 : index
      %get3A_75 = tpu.vector_load %arg19[%get3A_74] {strides = array<i32>} : memref<256xf32, #tpu.memory_space<vmem>>, vector<16xf32>,
      %get3A_76 = arith.constant 144 : index
      %get3A_77 = tpu.vector_load %arg19[%get3A_76] {strides = array<i32>} : memref<256xf32, #tpu.memory_space<vmem>>, vector<16xf32>,
      %get3A_78 = arith.constant 160 : index
      %get3A_79 = tpu.vector_load %arg19[%get3A_78] {strides = array<i32>} : memref<256xf32, #tpu.memory_space<vmem>>, vector<16xf32>,
      %get3A_80 = arith.constant 176 : index
      %get3A_81 = tpu.vector_load %arg19[%get3A_80] {strides = array<i32>} : memref<256xf32, #tpu.memory_space<vmem>>, vector<16xf32>,
      %get3A_82 = arith.constant 192 : index
      %get3A_83 = tpu.vector_load %arg19[%get3A_82] {strides = array<i32>} : memref<256xf32, #tpu.memory_space<vmem>>, vector<16xf32>,
      %get3A_84 = arith.constant 208 : index
      %get3A_85 = tpu.vector_load %arg19[%get3A_84] {strides = array<i32>} : memref<256xf32, #tpu.memory_space<vmem>>, vector<16xf32>,
      %get3A_86 = arith.constant 224 : index
      %get3A_87 = tpu.vector_load %arg19[%get3A_86] {strides = array<i32>} : memref<256xf32, #tpu.memory_space<vmem>>, vector<16xf32>,
      %get3A_88 = arith.constant 240 : index
      %get3A_89 = tpu.vector_load %arg19[%get3A_88] {strides = array<i32>} : memref<256xf32, #tpu.memory_space<vmem>>, vector<16xf32>,
      %get3A_90 = arith.constant 128 : index
      %get3A_91 = tpu.vector_load %arg17[%get3A_90] {strides = array<i32>} : memref<256xf32, #tpu.memory_space<vmem>>, vector<16xf32>,
      %get3A_92 = arith.constant 144 : index
      %get3A_93 = tpu.vector_load %arg17[%get3A_92] {strides = array<i32>} : memref<256xf32, #tpu.memory_space<vmem>>, vector<16xf32>,
      %get3A_94 = arith.constant 160 : index
      %get3A_95 = tpu.vector_load %arg17[%get3A_94] {strides = array<i32>} : memref<256xf32, #tpu.memory_space<vmem>>, vector<16xf32>,
      %get3A_96 = arith.constant 160 : index
      %get3A_97 = tpu.vector_load %arg18[%get3A_96] {strides = array<i32>} : memref<256xf32, #tpu.memory_space<vmem>>, vector<16xf32>,
      %get3A_98 = arith.constant 176 : index
      %get3A_99 = tpu.vector_load %arg18[%get3A_98] {strides = array<i32>} : memref<256xf32, #tpu.memory_space<vmem>>, vector<16xf32>,
      %get3A_100 = arith.constant 192 : index
      %get3A_101 = tpu.vector_load %arg18[%get3A_100] {strides = array<i32>} : memref<256xf32, #tpu.memory_space<vmem>>, vector<16xf32>,
      %get3A_102 = arith.constant 208 : index
      %get3A_103 = tpu.vector_load %arg18[%get3A_102] {strides = array<i32>} : memref<256xf32, #tpu.memory_space<vmem>>, vector<16xf32>,
      %get3A_104 = arith.constant 224 : index
      %get3A_105 = tpu.vector_load %arg18[%get3A_104] {strides = array<i32>} : memref<256xf32, #tpu.memory_space<vmem>>, vector<16xf32>,
      %get3A_106 = arith.constant 240 : index
      %get3A_107 = tpu.vector_load %arg18[%get3A_106] {strides = array<i32>} : memref<256xf32, #tpu.memory_space<vmem>>, vector<16xf32>,
      %parallel_loop3A_108 = arith.constant 0 : i32
      %parallel_loop3A_109 = arith.constant 160 : i32
      %parallel_loop3A_110 = arith.constant 1 : i32
      scf.for %parallel_loop3A_218 = %parallel_loop3A_108 to %parallel_loop3A_109 step %parallel_loop3A_110  : i32 {
        %parallel_loop3A_219 = arith.constant 160 : i32
        %parallel_loop3A_220 = arith.muli %mul3A_26, %parallel_loop3A_219 : i32
        %parallel_loop3A_221 = arith.addi %parallel_loop3A_220, %parallel_loop3A_218 : i32
        %parallel_loop3A_222 = vector.broadcast %parallel_loop3A_221 : i32 to vector<16xi32>
        %parallel_loop3A_223 = tpu.vector_load_idx %arg12[%parallel_loop3A_222] : memref<3200xf32, #tpu.memory_space<vmem>>[vector<16xi32>], vector<16xf32>,
        %parallel_loop3A_224 = tpu.vector_load_idx %arg14[%parallel_loop3A_222] : memref<3200xf32, #tpu.memory_space<vmem>>[vector<16xi32>], vector<16xf32>,
        %parallel_loop3A_225 = tpu.vector_load_idx %arg15[%parallel_loop3A_222] : memref<3200xi32, #tpu.memory_space<vmem>>[vector<16xi32>], vector<16xi32>,
        %parallel_loop3A_226 = arith.constant 8 : i32
        %parallel_loop3A_227 = vector.broadcast %parallel_loop3A_226 : i32 to vector<16xi32>
        %parallel_loop3A_228 = arith.shli %parallel_loop3A_225, %parallel_loop3A_227 : vector<16xi32>
        %parallel_loop3A_229 = arith.addi %parallel_loop3A_228, %iota3A : vector<16xi32>
        %parallel_loop3A_230 = arith.mulf %parallel_loop3A_223, %get3A_91 : vector<16xf32>
        %parallel_loop3A_231 = arith.addf %parallel_loop3A_230, %get3A_75 : vector<16xf32>
        %parallel_loop3A_232 = vector.broadcast %scan3A_3 : f32 to vector<16xf32>
        %parallel_loop3A_233 = arith.addf %parallel_loop3A_231, %parallel_loop3A_232 : vector<16xf32>
        %parallel_loop3A_234 = vector.broadcast %scan3A_3 : f32 to vector<16xf32>
        %parallel_loop3A_235 = arith.subf %parallel_loop3A_233, %parallel_loop3A_234 : vector<16xf32>
        %parallel_loop3A_236 = arith.subf %parallel_loop3A_231, %parallel_loop3A_235 : vector<16xf32>
        %parallel_loop3A_237 = arith.mulf %parallel_loop3A_236, %parallel_loop3A_236 : vector<16xf32>
        %parallel_loop3A_238 = arith.constant 57.02565 : f32
        %parallel_loop3A_239 = vector.broadcast %parallel_loop3A_238 : f32 to vector<16xf32>
        %parallel_loop3A_240 = arith.mulf %parallel_loop3A_239, %parallel_loop3A_237 : vector<16xf32>
        %parallel_loop3A_241 = arith.constant -39.16185 : f32
        %parallel_loop3A_242 = vector.broadcast %parallel_loop3A_241 : f32 to vector<16xf32>
        %parallel_loop3A_243 = arith.addf %parallel_loop3A_240, %parallel_loop3A_242 : vector<16xf32>
        %parallel_loop3A_244 = arith.mulf %parallel_loop3A_243, %parallel_loop3A_237 : vector<16xf32>
        %parallel_loop3A_245 = arith.constant 6.25374365 : f32
        %parallel_loop3A_246 = vector.broadcast %parallel_loop3A_245 : f32 to vector<16xf32>
        %parallel_loop3A_247 = arith.addf %parallel_loop3A_244, %parallel_loop3A_246 : vector<16xf32>
        %parallel_loop3A_248 = arith.mulf %parallel_loop3A_236, %parallel_loop3A_247 : vector<16xf32>
        %parallel_loop3A_249 = arith.constant 128 : i32
        %parallel_loop3A_250 = tpu.memref_slice %arg20[%parallel_loop3A_249] : memref<25600xf32, #tpu.memory_space<vmem>> -> memref<25472xf32, #tpu.memory_space<vmem>>
        %parallel_loop3A_251 = tpu.vector_load_idx %parallel_loop3A_250[%parallel_loop3A_229] : memref<25472xf32, #tpu.memory_space<vmem>>[vector<16xi32>], vector<16xf32>,
        %parallel_loop3A_252 = arith.addf %parallel_loop3A_251, %parallel_loop3A_248 : vector<16xf32>
        %parallel_loop3A_253 = arith.index_cast %parallel_loop3A_218 : i32 to index
        %parallel_loop3A_254 = arith.constant 128 : index
        %parallel_loop3A_255 = tpu.vector_load %arg21[%parallel_loop3A_253, %parallel_loop3A_254] {strides = array<i32>} : memref<160x256xf32, #tpu.memory_space<vmem>>, vector<16xf32>,
        tpu.vector_store %arg21[%parallel_loop3A_253, %parallel_loop3A_254], %parallel_loop3A_252 {strides = array<i32>} : memref<160x256xf32, #tpu.memory_space<vmem>>, vector<16xf32>,
        %parallel_loop3A_256 = arith.mulf %parallel_loop3A_223, %get3A_93 : vector<16xf32>
        %parallel_loop3A_257 = arith.addf %parallel_loop3A_256, %get3A_77 : vector<16xf32>
        %parallel_loop3A_258 = vector.broadcast %scan3A_3 : f32 to vector<16xf32>
        %parallel_loop3A_259 = arith.addf %parallel_loop3A_257, %parallel_loop3A_258 : vector<16xf32>
        %parallel_loop3A_260 = vector.broadcast %scan3A_3 : f32 to vector<16xf32>
        %parallel_loop3A_261 = arith.subf %parallel_loop3A_259, %parallel_loop3A_260 : vector<16xf32>
        %parallel_loop3A_262 = arith.subf %parallel_loop3A_257, %parallel_loop3A_261 : vector<16xf32>
        %parallel_loop3A_263 = arith.mulf %parallel_loop3A_262, %parallel_loop3A_262 : vector<16xf32>
        %parallel_loop3A_264 = arith.constant 57.02565 : f32
        %parallel_loop3A_265 = vector.broadcast %parallel_loop3A_264 : f32 to vector<16xf32>
        %parallel_loop3A_266 = arith.mulf %parallel_loop3A_265, %parallel_loop3A_263 : vector<16xf32>
        %parallel_loop3A_267 = arith.constant -39.16185 : f32
        %parallel_loop3A_268 = vector.broadcast %parallel_loop3A_267 : f32 to vector<16xf32>
        %parallel_loop3A_269 = arith.addf %parallel_loop3A_266, %parallel_loop3A_268 : vector<16xf32>
        %parallel_loop3A_270 = arith.mulf %parallel_loop3A_269, %parallel_loop3A_263 : vector<16xf32>
        %parallel_loop3A_271 = arith.constant 6.25374365 : f32
        %parallel_loop3A_272 = vector.broadcast %parallel_loop3A_271 : f32 to vector<16xf32>
        %parallel_loop3A_273 = arith.addf %parallel_loop3A_270, %parallel_loop3A_272 : vector<16xf32>
        %parallel_loop3A_274 = arith.mulf %parallel_loop3A_262, %parallel_loop3A_273 : vector<16xf32>
        %parallel_loop3A_275 = arith.constant 144 : i32
        %parallel_loop3A_276 = tpu.memref_slice %arg20[%parallel_loop3A_275] : memref<25600xf32, #tpu.memory_space<vmem>> -> memref<25456xf32, #tpu.memory_space<vmem>>
        %parallel_loop3A_277 = tpu.vector_load_idx %parallel_loop3A_276[%parallel_loop3A_229] : memref<25456xf32, #tpu.memory_space<vmem>>[vector<16xi32>], vector<16xf32>,
        %parallel_loop3A_278 = arith.addf %parallel_loop3A_277, %parallel_loop3A_274 : vector<16xf32>
        %parallel_loop3A_279 = arith.index_cast %parallel_loop3A_218 : i32 to index
        %parallel_loop3A_280 = arith.constant 144 : index
        %parallel_loop3A_281 = tpu.vector_load %arg21[%parallel_loop3A_279, %parallel_loop3A_280] {strides = array<i32>} : memref<160x256xf32, #tpu.memory_space<vmem>>, vector<16xf32>,
        tpu.vector_store %arg21[%parallel_loop3A_279, %parallel_loop3A_280], %parallel_loop3A_278 {strides = array<i32>} : memref<160x256xf32, #tpu.memory_space<vmem>>, vector<16xf32>,
        %parallel_loop3A_282 = arith.mulf %parallel_loop3A_223, %get3A_95 : vector<16xf32>
        %parallel_loop3A_283 = arith.addf %parallel_loop3A_282, %get3A_79 : vector<16xf32>
        %parallel_loop3A_284 = arith.mulf %parallel_loop3A_224, %get3A_97 : vector<16xf32>
        %parallel_loop3A_285 = arith.addf %parallel_loop3A_284, %parallel_loop3A_283 : vector<16xf32>
        %parallel_loop3A_286 = vector.broadcast %scan3A_3 : f32 to vector<16xf32>
        %parallel_loop3A_287 = arith.addf %parallel_loop3A_285, %parallel_loop3A_286 : vector<16xf32>
        %parallel_loop3A_288 = vector.broadcast %scan3A_3 : f32 to vector<16xf32>
        %parallel_loop3A_289 = arith.subf %parallel_loop3A_287, %parallel_loop3A_288 : vector<16xf32>
        %parallel_loop3A_290 = arith.subf %parallel_loop3A_285, %parallel_loop3A_289 : vector<16xf32>
        %parallel_loop3A_291 = arith.mulf %parallel_loop3A_290, %parallel_loop3A_290 : vector<16xf32>
        %parallel_loop3A_292 = arith.constant 57.02565 : f32
        %parallel_loop3A_293 = vector.broadcast %parallel_loop3A_292 : f32 to vector<16xf32>
        %parallel_loop3A_294 = arith.mulf %parallel_loop3A_293, %parallel_loop3A_291 : vector<16xf32>
        %parallel_loop3A_295 = arith.constant -39.16185 : f32
        %parallel_loop3A_296 = vector.broadcast %parallel_loop3A_295 : f32 to vector<16xf32>
        %parallel_loop3A_297 = arith.addf %parallel_loop3A_294, %parallel_loop3A_296 : vector<16xf32>
        %parallel_loop3A_298 = arith.mulf %parallel_loop3A_297, %parallel_loop3A_291 : vector<16xf32>
        %parallel_loop3A_299 = arith.constant 6.25374365 : f32
        %parallel_loop3A_300 = vector.broadcast %parallel_loop3A_299 : f32 to vector<16xf32>
        %parallel_loop3A_301 = arith.addf %parallel_loop3A_298, %parallel_loop3A_300 : vector<16xf32>
        %parallel_loop3A_302 = arith.mulf %parallel_loop3A_290, %parallel_loop3A_301 : vector<16xf32>
        %parallel_loop3A_303 = arith.constant 160 : i32
        %parallel_loop3A_304 = tpu.memref_slice %arg20[%parallel_loop3A_303] : memref<25600xf32, #tpu.memory_space<vmem>> -> memref<25440xf32, #tpu.memory_space<vmem>>
        %parallel_loop3A_305 = tpu.vector_load_idx %parallel_loop3A_304[%parallel_loop3A_229] : memref<25440xf32, #tpu.memory_space<vmem>>[vector<16xi32>], vector<16xf32>,
        %parallel_loop3A_306 = arith.addf %parallel_loop3A_305, %parallel_loop3A_302 : vector<16xf32>
        %parallel_loop3A_307 = arith.index_cast %parallel_loop3A_218 : i32 to index
        %parallel_loop3A_308 = arith.constant 160 : index
        %parallel_loop3A_309 = tpu.vector_load %arg21[%parallel_loop3A_307, %parallel_loop3A_308] {strides = array<i32>} : memref<160x256xf32, #tpu.memory_space<vmem>>, vector<16xf32>,
        tpu.vector_store %arg21[%parallel_loop3A_307, %parallel_loop3A_308], %parallel_loop3A_306 {strides = array<i32>} : memref<160x256xf32, #tpu.memory_space<vmem>>, vector<16xf32>,
        %parallel_loop3A_310 = arith.mulf %parallel_loop3A_224, %get3A_99 : vector<16xf32>
        %parallel_loop3A_311 = arith.addf %parallel_loop3A_310, %get3A_81 : vector<16xf32>
        %parallel_loop3A_312 = vector.broadcast %scan3A_3 : f32 to vector<16xf32>
        %parallel_loop3A_313 = arith.addf %parallel_loop3A_311, %parallel_loop3A_312 : vector<16xf32>
        %parallel_loop3A_314 = vector.broadcast %scan3A_3 : f32 to vector<16xf32>
        %parallel_loop3A_315 = arith.subf %parallel_loop3A_313, %parallel_loop3A_314 : vector<16xf32>
        %parallel_loop3A_316 = arith.subf %parallel_loop3A_311, %parallel_loop3A_315 : vector<16xf32>
        %parallel_loop3A_317 = arith.mulf %parallel_loop3A_316, %parallel_loop3A_316 : vector<16xf32>
        %parallel_loop3A_318 = arith.constant 57.02565 : f32
        %parallel_loop3A_319 = vector.broadcast %parallel_loop3A_318 : f32 to vector<16xf32>
        %parallel_loop3A_320 = arith.mulf %parallel_loop3A_319, %parallel_loop3A_317 : vector<16xf32>
        %parallel_loop3A_321 = arith.constant -39.16185 : f32
        %parallel_loop3A_322 = vector.broadcast %parallel_loop3A_321 : f32 to vector<16xf32>
        %parallel_loop3A_323 = arith.addf %parallel_loop3A_320, %parallel_loop3A_322 : vector<16xf32>
        %parallel_loop3A_324 = arith.mulf %parallel_loop3A_323, %parallel_loop3A_317 : vector<16xf32>
        %parallel_loop3A_325 = arith.constant 6.25374365 : f32
        %parallel_loop3A_326 = vector.broadcast %parallel_loop3A_325 : f32 to vector<16xf32>
        %parallel_loop3A_327 = arith.addf %parallel_loop3A_324, %parallel_loop3A_326 : vector<16xf32>
        %parallel_loop3A_328 = arith.mulf %parallel_loop3A_316, %parallel_loop3A_327 : vector<16xf32>
        %parallel_loop3A_329 = arith.constant 176 : i32
        %parallel_loop3A_330 = tpu.memref_slice %arg20[%parallel_loop3A_329] : memref<25600xf32, #tpu.memory_space<vmem>> -> memref<25424xf32, #tpu.memory_space<vmem>>
        %parallel_loop3A_331 = tpu.vector_load_idx %parallel_loop3A_330[%parallel_loop3A_229] : memref<25424xf32, #tpu.memory_space<vmem>>[vector<16xi32>], vector<16xf32>,
        %parallel_loop3A_332 = arith.addf %parallel_loop3A_331, %parallel_loop3A_328 : vector<16xf32>
        %parallel_loop3A_333 = arith.index_cast %parallel_loop3A_218 : i32 to index
        %parallel_loop3A_334 = arith.constant 176 : index
        %parallel_loop3A_335 = tpu.vector_load %arg21[%parallel_loop3A_333, %parallel_loop3A_334] {strides = array<i32>} : memref<160x256xf32, #tpu.memory_space<vmem>>, vector<16xf32>,
        tpu.vector_store %arg21[%parallel_loop3A_333, %parallel_loop3A_334], %parallel_loop3A_332 {strides = array<i32>} : memref<160x256xf32, #tpu.memory_space<vmem>>, vector<16xf32>,
        %parallel_loop3A_336 = arith.mulf %parallel_loop3A_224, %get3A_101 : vector<16xf32>
        %parallel_loop3A_337 = arith.addf %parallel_loop3A_336, %get3A_83 : vector<16xf32>
        %parallel_loop3A_338 = vector.broadcast %scan3A_3 : f32 to vector<16xf32>
        %parallel_loop3A_339 = arith.addf %parallel_loop3A_337, %parallel_loop3A_338 : vector<16xf32>
        %parallel_loop3A_340 = vector.broadcast %scan3A_3 : f32 to vector<16xf32>
        %parallel_loop3A_341 = arith.subf %parallel_loop3A_339, %parallel_loop3A_340 : vector<16xf32>
        %parallel_loop3A_342 = arith.subf %parallel_loop3A_337, %parallel_loop3A_341 : vector<16xf32>
        %parallel_loop3A_343 = arith.mulf %parallel_loop3A_342, %parallel_loop3A_342 : vector<16xf32>
        %parallel_loop3A_344 = arith.constant 57.02565 : f32
        %parallel_loop3A_345 = vector.broadcast %parallel_loop3A_344 : f32 to vector<16xf32>
        %parallel_loop3A_346 = arith.mulf %parallel_loop3A_345, %parallel_loop3A_343 : vector<16xf32>
        %parallel_loop3A_347 = arith.constant -39.16185 : f32
        %parallel_loop3A_348 = vector.broadcast %parallel_loop3A_347 : f32 to vector<16xf32>
        %parallel_loop3A_349 = arith.addf %parallel_loop3A_346, %parallel_loop3A_348 : vector<16xf32>
        %parallel_loop3A_350 = arith.mulf %parallel_loop3A_349, %parallel_loop3A_343 : vector<16xf32>
        %parallel_loop3A_351 = arith.constant 6.25374365 : f32
        %parallel_loop3A_352 = vector.broadcast %parallel_loop3A_351 : f32 to vector<16xf32>
        %parallel_loop3A_353 = arith.addf %parallel_loop3A_350, %parallel_loop3A_352 : vector<16xf32>
        %parallel_loop3A_354 = arith.mulf %parallel_loop3A_342, %parallel_loop3A_353 : vector<16xf32>
        %parallel_loop3A_355 = arith.constant 192 : i32
        %parallel_loop3A_356 = tpu.memref_slice %arg20[%parallel_loop3A_355] : memref<25600xf32, #tpu.memory_space<vmem>> -> memref<25408xf32, #tpu.memory_space<vmem>>
        %parallel_loop3A_357 = tpu.vector_load_idx %parallel_loop3A_356[%parallel_loop3A_229] : memref<25408xf32, #tpu.memory_space<vmem>>[vector<16xi32>], vector<16xf32>,
        %parallel_loop3A_358 = arith.addf %parallel_loop3A_357, %parallel_loop3A_354 : vector<16xf32>
        %parallel_loop3A_359 = arith.index_cast %parallel_loop3A_218 : i32 to index
        %parallel_loop3A_360 = arith.constant 192 : index
        %parallel_loop3A_361 = tpu.vector_load %arg21[%parallel_loop3A_359, %parallel_loop3A_360] {strides = array<i32>} : memref<160x256xf32, #tpu.memory_space<vmem>>, vector<16xf32>,
        tpu.vector_store %arg21[%parallel_loop3A_359, %parallel_loop3A_360], %parallel_loop3A_358 {strides = array<i32>} : memref<160x256xf32, #tpu.memory_space<vmem>>, vector<16xf32>,
        %parallel_loop3A_362 = arith.mulf %parallel_loop3A_224, %get3A_103 : vector<16xf32>
        %parallel_loop3A_363 = arith.addf %parallel_loop3A_362, %get3A_85 : vector<16xf32>
        %parallel_loop3A_364 = vector.broadcast %scan3A_3 : f32 to vector<16xf32>
        %parallel_loop3A_365 = arith.addf %parallel_loop3A_363, %parallel_loop3A_364 : vector<16xf32>
        %parallel_loop3A_366 = vector.broadcast %scan3A_3 : f32 to vector<16xf32>
        %parallel_loop3A_367 = arith.subf %parallel_loop3A_365, %parallel_loop3A_366 : vector<16xf32>
        %parallel_loop3A_368 = arith.subf %parallel_loop3A_363, %parallel_loop3A_367 : vector<16xf32>
        %parallel_loop3A_369 = arith.mulf %parallel_loop3A_368, %parallel_loop3A_368 : vector<16xf32>
        %parallel_loop3A_370 = arith.constant 57.02565 : f32
        %parallel_loop3A_371 = vector.broadcast %parallel_loop3A_370 : f32 to vector<16xf32>
        %parallel_loop3A_372 = arith.mulf %parallel_loop3A_371, %parallel_loop3A_369 : vector<16xf32>
        %parallel_loop3A_373 = arith.constant -39.16185 : f32
        %parallel_loop3A_374 = vector.broadcast %parallel_loop3A_373 : f32 to vector<16xf32>
        %parallel_loop3A_375 = arith.addf %parallel_loop3A_372, %parallel_loop3A_374 : vector<16xf32>
        %parallel_loop3A_376 = arith.mulf %parallel_loop3A_375, %parallel_loop3A_369 : vector<16xf32>
        %parallel_loop3A_377 = arith.constant 6.25374365 : f32
        %parallel_loop3A_378 = vector.broadcast %parallel_loop3A_377 : f32 to vector<16xf32>
        %parallel_loop3A_379 = arith.addf %parallel_loop3A_376, %parallel_loop3A_378 : vector<16xf32>
        %parallel_loop3A_380 = arith.mulf %parallel_loop3A_368, %parallel_loop3A_379 : vector<16xf32>
        %parallel_loop3A_381 = arith.constant 208 : i32
        %parallel_loop3A_382 = tpu.memref_slice %arg20[%parallel_loop3A_381] : memref<25600xf32, #tpu.memory_space<vmem>> -> memref<25392xf32, #tpu.memory_space<vmem>>
        %parallel_loop3A_383 = tpu.vector_load_idx %parallel_loop3A_382[%parallel_loop3A_229] : memref<25392xf32, #tpu.memory_space<vmem>>[vector<16xi32>], vector<16xf32>,
        %parallel_loop3A_384 = arith.addf %parallel_loop3A_383, %parallel_loop3A_380 : vector<16xf32>
        %parallel_loop3A_385 = arith.index_cast %parallel_loop3A_218 : i32 to index
        %parallel_loop3A_386 = arith.constant 208 : index
        %parallel_loop3A_387 = tpu.vector_load %arg21[%parallel_loop3A_385, %parallel_loop3A_386] {strides = array<i32>} : memref<160x256xf32, #tpu.memory_space<vmem>>, vector<16xf32>,
        tpu.vector_store %arg21[%parallel_loop3A_385, %parallel_loop3A_386], %parallel_loop3A_384 {strides = array<i32>} : memref<160x256xf32, #tpu.memory_space<vmem>>, vector<16xf32>,
        %parallel_loop3A_388 = arith.mulf %parallel_loop3A_224, %get3A_105 : vector<16xf32>
        %parallel_loop3A_389 = arith.addf %parallel_loop3A_388, %get3A_87 : vector<16xf32>
        %parallel_loop3A_390 = vector.broadcast %scan3A_3 : f32 to vector<16xf32>
        %parallel_loop3A_391 = arith.addf %parallel_loop3A_389, %parallel_loop3A_390 : vector<16xf32>
        %parallel_loop3A_392 = vector.broadcast %scan3A_3 : f32 to vector<16xf32>
        %parallel_loop3A_393 = arith.subf %parallel_loop3A_391, %parallel_loop3A_392 : vector<16xf32>
        %parallel_loop3A_394 = arith.subf %parallel_loop3A_389, %parallel_loop3A_393 : vector<16xf32>
        %parallel_loop3A_395 = arith.mulf %parallel_loop3A_394, %parallel_loop3A_394 : vector<16xf32>
        %parallel_loop3A_396 = arith.constant 57.02565 : f32
        %parallel_loop3A_397 = vector.broadcast %parallel_loop3A_396 : f32 to vector<16xf32>
        %parallel_loop3A_398 = arith.mulf %parallel_loop3A_397, %parallel_loop3A_395 : vector<16xf32>
        %parallel_loop3A_399 = arith.constant -39.16185 : f32
        %parallel_loop3A_400 = vector.broadcast %parallel_loop3A_399 : f32 to vector<16xf32>
        %parallel_loop3A_401 = arith.addf %parallel_loop3A_398, %parallel_loop3A_400 : vector<16xf32>
        %parallel_loop3A_402 = arith.mulf %parallel_loop3A_401, %parallel_loop3A_395 : vector<16xf32>
        %parallel_loop3A_403 = arith.constant 6.25374365 : f32
        %parallel_loop3A_404 = vector.broadcast %parallel_loop3A_403 : f32 to vector<16xf32>
        %parallel_loop3A_405 = arith.addf %parallel_loop3A_402, %parallel_loop3A_404 : vector<16xf32>
        %parallel_loop3A_406 = arith.mulf %parallel_loop3A_394, %parallel_loop3A_405 : vector<16xf32>
        %parallel_loop3A_407 = arith.constant 224 : i32
        %parallel_loop3A_408 = tpu.memref_slice %arg20[%parallel_loop3A_407] : memref<25600xf32, #tpu.memory_space<vmem>> -> memref<25376xf32, #tpu.memory_space<vmem>>
        %parallel_loop3A_409 = tpu.vector_load_idx %parallel_loop3A_408[%parallel_loop3A_229] : memref<25376xf32, #tpu.memory_space<vmem>>[vector<16xi32>], vector<16xf32>,
        %parallel_loop3A_410 = arith.addf %parallel_loop3A_409, %parallel_loop3A_406 : vector<16xf32>
        %parallel_loop3A_411 = arith.index_cast %parallel_loop3A_218 : i32 to index
        %parallel_loop3A_412 = arith.constant 224 : index
        %parallel_loop3A_413 = tpu.vector_load %arg21[%parallel_loop3A_411, %parallel_loop3A_412] {strides = array<i32>} : memref<160x256xf32, #tpu.memory_space<vmem>>, vector<16xf32>,
        tpu.vector_store %arg21[%parallel_loop3A_411, %parallel_loop3A_412], %parallel_loop3A_410 {strides = array<i32>} : memref<160x256xf32, #tpu.memory_space<vmem>>, vector<16xf32>,
        %parallel_loop3A_414 = arith.mulf %parallel_loop3A_224, %get3A_107 : vector<16xf32>
        %parallel_loop3A_415 = arith.addf %parallel_loop3A_414, %get3A_89 : vector<16xf32>
        %parallel_loop3A_416 = vector.broadcast %scan3A_3 : f32 to vector<16xf32>
        %parallel_loop3A_417 = arith.addf %parallel_loop3A_415, %parallel_loop3A_416 : vector<16xf32>
        %parallel_loop3A_418 = vector.broadcast %scan3A_3 : f32 to vector<16xf32>
        %parallel_loop3A_419 = arith.subf %parallel_loop3A_417, %parallel_loop3A_418 : vector<16xf32>
        %parallel_loop3A_420 = arith.subf %parallel_loop3A_415, %parallel_loop3A_419 : vector<16xf32>
        %parallel_loop3A_421 = arith.mulf %parallel_loop3A_420, %parallel_loop3A_420 : vector<16xf32>
        %parallel_loop3A_422 = arith.constant 57.02565 : f32
        %parallel_loop3A_423 = vector.broadcast %parallel_loop3A_422 : f32 to vector<16xf32>
        %parallel_loop3A_424 = arith.mulf %parallel_loop3A_423, %parallel_loop3A_421 : vector<16xf32>
        %parallel_loop3A_425 = arith.constant -39.16185 : f32
        %parallel_loop3A_426 = vector.broadcast %parallel_loop3A_425 : f32 to vector<16xf32>
        %parallel_loop3A_427 = arith.addf %parallel_loop3A_424, %parallel_loop3A_426 : vector<16xf32>
        %parallel_loop3A_428 = arith.mulf %parallel_loop3A_427, %parallel_loop3A_421 : vector<16xf32>
        %parallel_loop3A_429 = arith.constant 6.25374365 : f32
        %parallel_loop3A_430 = vector.broadcast %parallel_loop3A_429 : f32 to vector<16xf32>
        %parallel_loop3A_431 = arith.addf %parallel_loop3A_428, %parallel_loop3A_430 : vector<16xf32>
        %parallel_loop3A_432 = arith.mulf %parallel_loop3A_420, %parallel_loop3A_431 : vector<16xf32>
        %parallel_loop3A_433 = arith.constant 240 : i32
        %parallel_loop3A_434 = tpu.memref_slice %arg20[%parallel_loop3A_433] : memref<25600xf32, #tpu.memory_space<vmem>> -> memref<25360xf32, #tpu.memory_space<vmem>>
        %parallel_loop3A_435 = tpu.vector_load_idx %parallel_loop3A_434[%parallel_loop3A_229] : memref<25360xf32, #tpu.memory_space<vmem>>[vector<16xi32>], vector<16xf32>,
        %parallel_loop3A_436 = arith.addf %parallel_loop3A_435, %parallel_loop3A_432 : vector<16xf32>
        %parallel_loop3A_437 = arith.index_cast %parallel_loop3A_218 : i32 to index
        %parallel_loop3A_438 = arith.constant 240 : index
        %parallel_loop3A_439 = tpu.vector_load %arg21[%parallel_loop3A_437, %parallel_loop3A_438] {strides = array<i32>} : memref<160x256xf32, #tpu.memory_space<vmem>>, vector<16xf32>,
        tpu.vector_store %arg21[%parallel_loop3A_437, %parallel_loop3A_438], %parallel_loop3A_436 {strides = array<i32>} : memref<160x256xf32, #tpu.memory_space<vmem>>, vector<16xf32>,
      } {sc.loop_unroll_factor = 2 : i64, sc.parallel_access}
      %add3A_111 = arith.constant 160 : i32
      %add3A_112 = arith.addi %add3A_29, %add3A_111 : i32
      %le3A_113 = arith.constant 100000 : i32
      %le3A_114 = arith.cmpi sle, %add3A_112, %le3A_113 : i32
      %convert_element_type3A_115 = arith.extui %le3A_114 : i1 to i32
      %cond3A_116 = arith.constant 0 : i32
      %cond3A_117 = arith.cmpi ne, %convert_element_type3A_115, %cond3A_116 : i32
      scf.if %cond3A_117 {
        %dma_start3A = arith.constant 0 : i32
        %dma_start3A_218 = tpu.memref_slice %arg11[%add3A_29, %dma_start3A] : memref<100000x256xf32, #tpu.memory_space<hbm>> -> memref<160x256xf32, #tpu.memory_space<hbm>>
        %dma_start3A_219 = arith.constant 0 : i32
        %dma_start3A_220 = tpu.memref_slice %arg11[%add3A_29, %dma_start3A_219] : memref<100000x256xf32, #tpu.memory_space<hbm>> -> memref<160x256xf32, #tpu.memory_space<hbm>>
        tpu.enqueue_dma source(%arg21 : memref<160x256xf32, #tpu.memory_space<vmem>>) target(%dma_start3A_220 : memref<160x256xf32, #tpu.memory_space<hbm>>) target_semaphore(%arg23 : memref<!tpu.dma_semaphore, #tpu.memory_space<semaphore_mem>>)
      } else {
      }
      %mul3A_118 = arith.constant 2 : i32
      %mul3A_119 = arith.muli %scan3A_24, %mul3A_118 : i32
      %add3A_120 = arith.constant 1 : i32
      %add3A_121 = arith.addi %mul3A_119, %add3A_120 : i32
      %mul3A_122 = arith.constant 160 : i32
      %mul3A_123 = arith.muli %add3A_121, %mul3A_122 : i32
      %add3A_124 = arith.addi %mul3A_2, %mul3A_123 : i32
      %sub3A_125 = arith.constant 320 : i32
      %sub3A_126 = arith.subi %add3A_124, %sub3A_125 : i32
      %ge3A_127 = arith.constant 2 : i32
      %ge3A_128 = arith.cmpi sge, %add3A_121, %ge3A_127 : i32
      %add3A_129 = arith.constant 160 : i32
      %add3A_130 = arith.addi %sub3A_126, %add3A_129 : i32
      %le3A_131 = arith.constant 100000 : i32
      %le3A_132 = arith.cmpi sle, %add3A_130, %le3A_131 : i32
      %and3A_133 = arith.andi %ge3A_128, %le3A_132 : i1
      %convert_element_type3A_134 = arith.extui %and3A_133 : i1 to i32
      %cond3A_135 = arith.constant 0 : i32
      %cond3A_136 = arith.cmpi ne, %convert_element_type3A_134, %cond3A_135 : i32
      scf.if %cond3A_136 {
        %dma_wait3A = arith.constant 0 : i32
        %dma_wait3A_218 = tpu.memref_slice %arg11[%sub3A_126, %dma_wait3A] : memref<100000x256xf32, #tpu.memory_space<hbm>> -> memref<160x256xf32, #tpu.memory_space<hbm>>
        %dma_wait3A_219 = arith.constant 0 : i32
        %dma_wait3A_220 = tpu.memref_slice %arg11[%sub3A_126, %dma_wait3A_219] : memref<100000x256xf32, #tpu.memory_space<hbm>> -> memref<160x256xf32, #tpu.memory_space<hbm>>
        tpu.wait_dma2 semaphore(%arg24 : memref<!tpu.dma_semaphore, #tpu.memory_space<semaphore_mem>>) src(%arg22 : memref<160x256xf32, #tpu.memory_space<vmem>>) dst(%dma_wait3A_220 : memref<160x256xf32, #tpu.memory_space<hbm>>)
      } else {
      }
      %get3A_137 = arith.constant 0 : index
      %get3A_138 = tpu.vector_load %arg19[%get3A_137] {strides = array<i32>} : memref<256xf32, #tpu.memory_space<vmem>>, vector<16xf32>,
      %get3A_139 = arith.constant 16 : index
      %get3A_140 = tpu.vector_load %arg19[%get3A_139] {strides = array<i32>} : memref<256xf32, #tpu.memory_space<vmem>>, vector<16xf32>,
      %get3A_141 = arith.constant 32 : index
      %get3A_142 = tpu.vector_load %arg19[%get3A_141] {strides = array<i32>} : memref<256xf32, #tpu.memory_space<vmem>>, vector<16xf32>,
      %get3A_143 = arith.constant 48 : index
      %get3A_144 = tpu.vector_load %arg19[%get3A_143] {strides = array<i32>} : memref<256xf32, #tpu.memory_space<vmem>>, vector<16xf32>,
      %get3A_145 = arith.constant 64 : index
      %get3A_146 = tpu.vector_load %arg19[%get3A_145] {strides = array<i32>} : memref<256xf32, #tpu.memory_space<vmem>>, vector<16xf32>,
      %get3A_147 = arith.constant 80 : index
      %get3A_148 = tpu.vector_load %arg19[%get3A_147] {strides = array<i32>} : memref<256xf32, #tpu.memory_space<vmem>>, vector<16xf32>,
      %get3A_149 = arith.constant 96 : index
      %get3A_150 = tpu.vector_load %arg19[%get3A_149] {strides = array<i32>} : memref<256xf32, #tpu.memory_space<vmem>>, vector<16xf32>,
      %get3A_151 = arith.constant 112 : index
      %get3A_152 = tpu.vector_load %arg19[%get3A_151] {strides = array<i32>} : memref<256xf32, #tpu.memory_space<vmem>>, vector<16xf32>,
      %get3A_153 = arith.constant 0 : index
      %get3A_154 = tpu.vector_load %arg16[%get3A_153] {strides = array<i32>} : memref<256xf32, #tpu.memory_space<vmem>>, vector<16xf32>,
      %get3A_155 = arith.constant 16 : index
      %get3A_156 = tpu.vector_load %arg16[%get3A_155] {strides = array<i32>} : memref<256xf32, #tpu.memory_space<vmem>>, vector<16xf32>,
      %get3A_157 = arith.constant 32 : index
      %get3A_158 = tpu.vector_load %arg16[%get3A_157] {strides = array<i32>} : memref<256xf32, #tpu.memory_space<vmem>>, vector<16xf32>,
      %get3A_159 = arith.constant 48 : index
      %get3A_160 = tpu.vector_load %arg16[%get3A_159] {strides = array<i32>} : memref<256xf32, #tpu.memory_space<vmem>>, vector<16xf32>,
      %get3A_161 = arith.constant 64 : index
      %get3A_162 = tpu.vector_load %arg16[%get3A_161] {strides = array<i32>} : memref<256xf32, #tpu.memory_space<vmem>>, vector<16xf32>,
      %get3A_163 = arith.constant 80 : index
      %get3A_164 = tpu.vector_load %arg16[%get3A_163] {strides = array<i32>} : memref<256xf32, #tpu.memory_space<vmem>>, vector<16xf32>,
      %get3A_165 = arith.constant 80 : index
      %get3A_166 = tpu.vector_load %arg17[%get3A_165] {strides = array<i32>} : memref<256xf32, #tpu.memory_space<vmem>>, vector<16xf32>,
      %get3A_167 = arith.constant 96 : index
      %get3A_168 = tpu.vector_load %arg17[%get3A_167] {strides = array<i32>} : memref<256xf32, #tpu.memory_space<vmem>>, vector<16xf32>,
      %get3A_169 = arith.constant 112 : index
      %get3A_170 = tpu.vector_load %arg17[%get3A_169] {strides = array<i32>} : memref<256xf32, #tpu.memory_space<vmem>>, vector<16xf32>,
      %parallel_loop3A_171 = arith.constant 0 : i32
      %parallel_loop3A_172 = arith.constant 160 : i32
      %parallel_loop3A_173 = arith.constant 1 : i32
      scf.for %parallel_loop3A_218 = %parallel_loop3A_171 to %parallel_loop3A_172 step %parallel_loop3A_173  : i32 {
        %parallel_loop3A_219 = arith.constant 160 : i32
        %parallel_loop3A_220 = arith.muli %add3A_121, %parallel_loop3A_219 : i32
        %parallel_loop3A_221 = arith.addi %parallel_loop3A_220, %parallel_loop3A_218 : i32
        %parallel_loop3A_222 = vector.broadcast %parallel_loop3A_221 : i32 to vector<16xi32>
        %parallel_loop3A_223 = tpu.vector_load_idx %arg13[%parallel_loop3A_222] : memref<3200xf32, #tpu.memory_space<vmem>>[vector<16xi32>], vector<16xf32>,
        %parallel_loop3A_224 = tpu.vector_load_idx %arg12[%parallel_loop3A_222] : memref<3200xf32, #tpu.memory_space<vmem>>[vector<16xi32>], vector<16xf32>,
        %parallel_loop3A_225 = tpu.vector_load_idx %arg15[%parallel_loop3A_222] : memref<3200xi32, #tpu.memory_space<vmem>>[vector<16xi32>], vector<16xi32>,
        %parallel_loop3A_226 = arith.constant 8 : i32
        %parallel_loop3A_227 = vector.broadcast %parallel_loop3A_226 : i32 to vector<16xi32>
        %parallel_loop3A_228 = arith.shli %parallel_loop3A_225, %parallel_loop3A_227 : vector<16xi32>
        %parallel_loop3A_229 = arith.addi %parallel_loop3A_228, %iota3A : vector<16xi32>
        %parallel_loop3A_230 = arith.mulf %parallel_loop3A_223, %get3A_154 : vector<16xf32>
        %parallel_loop3A_231 = arith.addf %parallel_loop3A_230, %get3A_138 : vector<16xf32>
        %parallel_loop3A_232 = vector.broadcast %scan3A_3 : f32 to vector<16xf32>
        %parallel_loop3A_233 = arith.addf %parallel_loop3A_231, %parallel_loop3A_232 : vector<16xf32>
        %parallel_loop3A_234 = vector.broadcast %scan3A_3 : f32 to vector<16xf32>
        %parallel_loop3A_235 = arith.subf %parallel_loop3A_233, %parallel_loop3A_234 : vector<16xf32>
        %parallel_loop3A_236 = arith.subf %parallel_loop3A_231, %parallel_loop3A_235 : vector<16xf32>
        %parallel_loop3A_237 = arith.mulf %parallel_loop3A_236, %parallel_loop3A_236 : vector<16xf32>
        %parallel_loop3A_238 = arith.constant 57.02565 : f32
        %parallel_loop3A_239 = vector.broadcast %parallel_loop3A_238 : f32 to vector<16xf32>
        %parallel_loop3A_240 = arith.mulf %parallel_loop3A_239, %parallel_loop3A_237 : vector<16xf32>
        %parallel_loop3A_241 = arith.constant -39.16185 : f32
        %parallel_loop3A_242 = vector.broadcast %parallel_loop3A_241 : f32 to vector<16xf32>
        %parallel_loop3A_243 = arith.addf %parallel_loop3A_240, %parallel_loop3A_242 : vector<16xf32>
        %parallel_loop3A_244 = arith.mulf %parallel_loop3A_243, %parallel_loop3A_237 : vector<16xf32>
        %parallel_loop3A_245 = arith.constant 6.25374365 : f32
        %parallel_loop3A_246 = vector.broadcast %parallel_loop3A_245 : f32 to vector<16xf32>
        %parallel_loop3A_247 = arith.addf %parallel_loop3A_244, %parallel_loop3A_246 : vector<16xf32>
        %parallel_loop3A_248 = arith.mulf %parallel_loop3A_236, %parallel_loop3A_247 : vector<16xf32>
        %parallel_loop3A_249 = arith.constant 0 : i32
        %parallel_loop3A_250 = tpu.memref_slice %arg20[%parallel_loop3A_249] : memref<25600xf32, #tpu.memory_space<vmem>> -> memref<25600xf32, #tpu.memory_space<vmem>>
        %parallel_loop3A_251 = tpu.vector_load_idx %parallel_loop3A_250[%parallel_loop3A_229] : memref<25600xf32, #tpu.memory_space<vmem>>[vector<16xi32>], vector<16xf32>,
        %parallel_loop3A_252 = arith.addf %parallel_loop3A_251, %parallel_loop3A_248 : vector<16xf32>
        %parallel_loop3A_253 = arith.index_cast %parallel_loop3A_218 : i32 to index
        %parallel_loop3A_254 = arith.constant 0 : index
        %parallel_loop3A_255 = tpu.vector_load %arg22[%parallel_loop3A_253, %parallel_loop3A_254] {strides = array<i32>} : memref<160x256xf32, #tpu.memory_space<vmem>>, vector<16xf32>,
        tpu.vector_store %arg22[%parallel_loop3A_253, %parallel_loop3A_254], %parallel_loop3A_252 {strides = array<i32>} : memref<160x256xf32, #tpu.memory_space<vmem>>, vector<16xf32>,
        %parallel_loop3A_256 = arith.mulf %parallel_loop3A_223, %get3A_156 : vector<16xf32>
        %parallel_loop3A_257 = arith.addf %parallel_loop3A_256, %get3A_140 : vector<16xf32>
        %parallel_loop3A_258 = vector.broadcast %scan3A_3 : f32 to vector<16xf32>
        %parallel_loop3A_259 = arith.addf %parallel_loop3A_257, %parallel_loop3A_258 : vector<16xf32>
        %parallel_loop3A_260 = vector.broadcast %scan3A_3 : f32 to vector<16xf32>
        %parallel_loop3A_261 = arith.subf %parallel_loop3A_259, %parallel_loop3A_260 : vector<16xf32>
        %parallel_loop3A_262 = arith.subf %parallel_loop3A_257, %parallel_loop3A_261 : vector<16xf32>
        %parallel_loop3A_263 = arith.mulf %parallel_loop3A_262, %parallel_loop3A_262 : vector<16xf32>
        %parallel_loop3A_264 = arith.constant 57.02565 : f32
        %parallel_loop3A_265 = vector.broadcast %parallel_loop3A_264 : f32 to vector<16xf32>
        %parallel_loop3A_266 = arith.mulf %parallel_loop3A_265, %parallel_loop3A_263 : vector<16xf32>
        %parallel_loop3A_267 = arith.constant -39.16185 : f32
        %parallel_loop3A_268 = vector.broadcast %parallel_loop3A_267 : f32 to vector<16xf32>
        %parallel_loop3A_269 = arith.addf %parallel_loop3A_266, %parallel_loop3A_268 : vector<16xf32>
        %parallel_loop3A_270 = arith.mulf %parallel_loop3A_269, %parallel_loop3A_263 : vector<16xf32>
        %parallel_loop3A_271 = arith.constant 6.25374365 : f32
        %parallel_loop3A_272 = vector.broadcast %parallel_loop3A_271 : f32 to vector<16xf32>
        %parallel_loop3A_273 = arith.addf %parallel_loop3A_270, %parallel_loop3A_272 : vector<16xf32>
        %parallel_loop3A_274 = arith.mulf %parallel_loop3A_262, %parallel_loop3A_273 : vector<16xf32>
        %parallel_loop3A_275 = arith.constant 16 : i32
        %parallel_loop3A_276 = tpu.memref_slice %arg20[%parallel_loop3A_275] : memref<25600xf32, #tpu.memory_space<vmem>> -> memref<25584xf32, #tpu.memory_space<vmem>>
        %parallel_loop3A_277 = tpu.vector_load_idx %parallel_loop3A_276[%parallel_loop3A_229] : memref<25584xf32, #tpu.memory_space<vmem>>[vector<16xi32>], vector<16xf32>,
        %parallel_loop3A_278 = arith.addf %parallel_loop3A_277, %parallel_loop3A_274 : vector<16xf32>
        %parallel_loop3A_279 = arith.index_cast %parallel_loop3A_218 : i32 to index
        %parallel_loop3A_280 = arith.constant 16 : index
        %parallel_loop3A_281 = tpu.vector_load %arg22[%parallel_loop3A_279, %parallel_loop3A_280] {strides = array<i32>} : memref<160x256xf32, #tpu.memory_space<vmem>>, vector<16xf32>,
        tpu.vector_store %arg22[%parallel_loop3A_279, %parallel_loop3A_280], %parallel_loop3A_278 {strides = array<i32>} : memref<160x256xf32, #tpu.memory_space<vmem>>, vector<16xf32>,
        %parallel_loop3A_282 = arith.mulf %parallel_loop3A_223, %get3A_158 : vector<16xf32>
        %parallel_loop3A_283 = arith.addf %parallel_loop3A_282, %get3A_142 : vector<16xf32>
        %parallel_loop3A_284 = vector.broadcast %scan3A_3 : f32 to vector<16xf32>
        %parallel_loop3A_285 = arith.addf %parallel_loop3A_283, %parallel_loop3A_284 : vector<16xf32>
        %parallel_loop3A_286 = vector.broadcast %scan3A_3 : f32 to vector<16xf32>
        %parallel_loop3A_287 = arith.subf %parallel_loop3A_285, %parallel_loop3A_286 : vector<16xf32>
        %parallel_loop3A_288 = arith.subf %parallel_loop3A_283, %parallel_loop3A_287 : vector<16xf32>
        %parallel_loop3A_289 = arith.mulf %parallel_loop3A_288, %parallel_loop3A_288 : vector<16xf32>
        %parallel_loop3A_290 = arith.constant 57.02565 : f32
        %parallel_loop3A_291 = vector.broadcast %parallel_loop3A_290 : f32 to vector<16xf32>
        %parallel_loop3A_292 = arith.mulf %parallel_loop3A_291, %parallel_loop3A_289 : vector<16xf32>
        %parallel_loop3A_293 = arith.constant -39.16185 : f32
        %parallel_loop3A_294 = vector.broadcast %parallel_loop3A_293 : f32 to vector<16xf32>
        %parallel_loop3A_295 = arith.addf %parallel_loop3A_292, %parallel_loop3A_294 : vector<16xf32>
        %parallel_loop3A_296 = arith.mulf %parallel_loop3A_295, %parallel_loop3A_289 : vector<16xf32>
        %parallel_loop3A_297 = arith.constant 6.25374365 : f32
        %parallel_loop3A_298 = vector.broadcast %parallel_loop3A_297 : f32 to vector<16xf32>
        %parallel_loop3A_299 = arith.addf %parallel_loop3A_296, %parallel_loop3A_298 : vector<16xf32>
        %parallel_loop3A_300 = arith.mulf %parallel_loop3A_288, %parallel_loop3A_299 : vector<16xf32>
        %parallel_loop3A_301 = arith.constant 32 : i32
        %parallel_loop3A_302 = tpu.memref_slice %arg20[%parallel_loop3A_301] : memref<25600xf32, #tpu.memory_space<vmem>> -> memref<25568xf32, #tpu.memory_space<vmem>>
        %parallel_loop3A_303 = tpu.vector_load_idx %parallel_loop3A_302[%parallel_loop3A_229] : memref<25568xf32, #tpu.memory_space<vmem>>[vector<16xi32>], vector<16xf32>,
        %parallel_loop3A_304 = arith.addf %parallel_loop3A_303, %parallel_loop3A_300 : vector<16xf32>
        %parallel_loop3A_305 = arith.index_cast %parallel_loop3A_218 : i32 to index
        %parallel_loop3A_306 = arith.constant 32 : index
        %parallel_loop3A_307 = tpu.vector_load %arg22[%parallel_loop3A_305, %parallel_loop3A_306] {strides = array<i32>} : memref<160x256xf32, #tpu.memory_space<vmem>>, vector<16xf32>,
        tpu.vector_store %arg22[%parallel_loop3A_305, %parallel_loop3A_306], %parallel_loop3A_304 {strides = array<i32>} : memref<160x256xf32, #tpu.memory_space<vmem>>, vector<16xf32>,
        %parallel_loop3A_308 = arith.mulf %parallel_loop3A_223, %get3A_160 : vector<16xf32>
        %parallel_loop3A_309 = arith.addf %parallel_loop3A_308, %get3A_144 : vector<16xf32>
        %parallel_loop3A_310 = vector.broadcast %scan3A_3 : f32 to vector<16xf32>
        %parallel_loop3A_311 = arith.addf %parallel_loop3A_309, %parallel_loop3A_310 : vector<16xf32>
        %parallel_loop3A_312 = vector.broadcast %scan3A_3 : f32 to vector<16xf32>
        %parallel_loop3A_313 = arith.subf %parallel_loop3A_311, %parallel_loop3A_312 : vector<16xf32>
        %parallel_loop3A_314 = arith.subf %parallel_loop3A_309, %parallel_loop3A_313 : vector<16xf32>
        %parallel_loop3A_315 = arith.mulf %parallel_loop3A_314, %parallel_loop3A_314 : vector<16xf32>
        %parallel_loop3A_316 = arith.constant 57.02565 : f32
        %parallel_loop3A_317 = vector.broadcast %parallel_loop3A_316 : f32 to vector<16xf32>
        %parallel_loop3A_318 = arith.mulf %parallel_loop3A_317, %parallel_loop3A_315 : vector<16xf32>
        %parallel_loop3A_319 = arith.constant -39.16185 : f32
        %parallel_loop3A_320 = vector.broadcast %parallel_loop3A_319 : f32 to vector<16xf32>
        %parallel_loop3A_321 = arith.addf %parallel_loop3A_318, %parallel_loop3A_320 : vector<16xf32>
        %parallel_loop3A_322 = arith.mulf %parallel_loop3A_321, %parallel_loop3A_315 : vector<16xf32>
        %parallel_loop3A_323 = arith.constant 6.25374365 : f32
        %parallel_loop3A_324 = vector.broadcast %parallel_loop3A_323 : f32 to vector<16xf32>
        %parallel_loop3A_325 = arith.addf %parallel_loop3A_322, %parallel_loop3A_324 : vector<16xf32>
        %parallel_loop3A_326 = arith.mulf %parallel_loop3A_314, %parallel_loop3A_325 : vector<16xf32>
        %parallel_loop3A_327 = arith.constant 48 : i32
        %parallel_loop3A_328 = tpu.memref_slice %arg20[%parallel_loop3A_327] : memref<25600xf32, #tpu.memory_space<vmem>> -> memref<25552xf32, #tpu.memory_space<vmem>>
        %parallel_loop3A_329 = tpu.vector_load_idx %parallel_loop3A_328[%parallel_loop3A_229] : memref<25552xf32, #tpu.memory_space<vmem>>[vector<16xi32>], vector<16xf32>,
        %parallel_loop3A_330 = arith.addf %parallel_loop3A_329, %parallel_loop3A_326 : vector<16xf32>
        %parallel_loop3A_331 = arith.index_cast %parallel_loop3A_218 : i32 to index
        %parallel_loop3A_332 = arith.constant 48 : index
        %parallel_loop3A_333 = tpu.vector_load %arg22[%parallel_loop3A_331, %parallel_loop3A_332] {strides = array<i32>} : memref<160x256xf32, #tpu.memory_space<vmem>>, vector<16xf32>,
        tpu.vector_store %arg22[%parallel_loop3A_331, %parallel_loop3A_332], %parallel_loop3A_330 {strides = array<i32>} : memref<160x256xf32, #tpu.memory_space<vmem>>, vector<16xf32>,
        %parallel_loop3A_334 = arith.mulf %parallel_loop3A_223, %get3A_162 : vector<16xf32>
        %parallel_loop3A_335 = arith.addf %parallel_loop3A_334, %get3A_146 : vector<16xf32>
        %parallel_loop3A_336 = vector.broadcast %scan3A_3 : f32 to vector<16xf32>
        %parallel_loop3A_337 = arith.addf %parallel_loop3A_335, %parallel_loop3A_336 : vector<16xf32>
        %parallel_loop3A_338 = vector.broadcast %scan3A_3 : f32 to vector<16xf32>
        %parallel_loop3A_339 = arith.subf %parallel_loop3A_337, %parallel_loop3A_338 : vector<16xf32>
        %parallel_loop3A_340 = arith.subf %parallel_loop3A_335, %parallel_loop3A_339 : vector<16xf32>
        %parallel_loop3A_341 = arith.mulf %parallel_loop3A_340, %parallel_loop3A_340 : vector<16xf32>
        %parallel_loop3A_342 = arith.constant 57.02565 : f32
        %parallel_loop3A_343 = vector.broadcast %parallel_loop3A_342 : f32 to vector<16xf32>
        %parallel_loop3A_344 = arith.mulf %parallel_loop3A_343, %parallel_loop3A_341 : vector<16xf32>
        %parallel_loop3A_345 = arith.constant -39.16185 : f32
        %parallel_loop3A_346 = vector.broadcast %parallel_loop3A_345 : f32 to vector<16xf32>
        %parallel_loop3A_347 = arith.addf %parallel_loop3A_344, %parallel_loop3A_346 : vector<16xf32>
        %parallel_loop3A_348 = arith.mulf %parallel_loop3A_347, %parallel_loop3A_341 : vector<16xf32>
        %parallel_loop3A_349 = arith.constant 6.25374365 : f32
        %parallel_loop3A_350 = vector.broadcast %parallel_loop3A_349 : f32 to vector<16xf32>
        %parallel_loop3A_351 = arith.addf %parallel_loop3A_348, %parallel_loop3A_350 : vector<16xf32>
        %parallel_loop3A_352 = arith.mulf %parallel_loop3A_340, %parallel_loop3A_351 : vector<16xf32>
        %parallel_loop3A_353 = arith.constant 64 : i32
        %parallel_loop3A_354 = tpu.memref_slice %arg20[%parallel_loop3A_353] : memref<25600xf32, #tpu.memory_space<vmem>> -> memref<25536xf32, #tpu.memory_space<vmem>>
        %parallel_loop3A_355 = tpu.vector_load_idx %parallel_loop3A_354[%parallel_loop3A_229] : memref<25536xf32, #tpu.memory_space<vmem>>[vector<16xi32>], vector<16xf32>,
        %parallel_loop3A_356 = arith.addf %parallel_loop3A_355, %parallel_loop3A_352 : vector<16xf32>
        %parallel_loop3A_357 = arith.index_cast %parallel_loop3A_218 : i32 to index
        %parallel_loop3A_358 = arith.constant 64 : index
        %parallel_loop3A_359 = tpu.vector_load %arg22[%parallel_loop3A_357, %parallel_loop3A_358] {strides = array<i32>} : memref<160x256xf32, #tpu.memory_space<vmem>>, vector<16xf32>,
        tpu.vector_store %arg22[%parallel_loop3A_357, %parallel_loop3A_358], %parallel_loop3A_356 {strides = array<i32>} : memref<160x256xf32, #tpu.memory_space<vmem>>, vector<16xf32>,
        %parallel_loop3A_360 = arith.mulf %parallel_loop3A_223, %get3A_164 : vector<16xf32>
        %parallel_loop3A_361 = arith.addf %parallel_loop3A_360, %get3A_148 : vector<16xf32>
        %parallel_loop3A_362 = arith.mulf %parallel_loop3A_224, %get3A_166 : vector<16xf32>
        %parallel_loop3A_363 = arith.addf %parallel_loop3A_362, %parallel_loop3A_361 : vector<16xf32>
        %parallel_loop3A_364 = vector.broadcast %scan3A_3 : f32 to vector<16xf32>
        %parallel_loop3A_365 = arith.addf %parallel_loop3A_363, %parallel_loop3A_364 : vector<16xf32>
        %parallel_loop3A_366 = vector.broadcast %scan3A_3 : f32 to vector<16xf32>
        %parallel_loop3A_367 = arith.subf %parallel_loop3A_365, %parallel_loop3A_366 : vector<16xf32>
        %parallel_loop3A_368 = arith.subf %parallel_loop3A_363, %parallel_loop3A_367 : vector<16xf32>
        %parallel_loop3A_369 = arith.mulf %parallel_loop3A_368, %parallel_loop3A_368 : vector<16xf32>
        %parallel_loop3A_370 = arith.constant 57.02565 : f32
        %parallel_loop3A_371 = vector.broadcast %parallel_loop3A_370 : f32 to vector<16xf32>
        %parallel_loop3A_372 = arith.mulf %parallel_loop3A_371, %parallel_loop3A_369 : vector<16xf32>
        %parallel_loop3A_373 = arith.constant -39.16185 : f32
        %parallel_loop3A_374 = vector.broadcast %parallel_loop3A_373 : f32 to vector<16xf32>
        %parallel_loop3A_375 = arith.addf %parallel_loop3A_372, %parallel_loop3A_374 : vector<16xf32>
        %parallel_loop3A_376 = arith.mulf %parallel_loop3A_375, %parallel_loop3A_369 : vector<16xf32>
        %parallel_loop3A_377 = arith.constant 6.25374365 : f32
        %parallel_loop3A_378 = vector.broadcast %parallel_loop3A_377 : f32 to vector<16xf32>
        %parallel_loop3A_379 = arith.addf %parallel_loop3A_376, %parallel_loop3A_378 : vector<16xf32>
        %parallel_loop3A_380 = arith.mulf %parallel_loop3A_368, %parallel_loop3A_379 : vector<16xf32>
        %parallel_loop3A_381 = arith.constant 80 : i32
        %parallel_loop3A_382 = tpu.memref_slice %arg20[%parallel_loop3A_381] : memref<25600xf32, #tpu.memory_space<vmem>> -> memref<25520xf32, #tpu.memory_space<vmem>>
        %parallel_loop3A_383 = tpu.vector_load_idx %parallel_loop3A_382[%parallel_loop3A_229] : memref<25520xf32, #tpu.memory_space<vmem>>[vector<16xi32>], vector<16xf32>,
        %parallel_loop3A_384 = arith.addf %parallel_loop3A_383, %parallel_loop3A_380 : vector<16xf32>
        %parallel_loop3A_385 = arith.index_cast %parallel_loop3A_218 : i32 to index
        %parallel_loop3A_386 = arith.constant 80 : index
        %parallel_loop3A_387 = tpu.vector_load %arg22[%parallel_loop3A_385, %parallel_loop3A_386] {strides = array<i32>} : memref<160x256xf32, #tpu.memory_space<vmem>>, vector<16xf32>,
        tpu.vector_store %arg22[%parallel_loop3A_385, %parallel_loop3A_386], %parallel_loop3A_384 {strides = array<i32>} : memref<160x256xf32, #tpu.memory_space<vmem>>, vector<16xf32>,
        %parallel_loop3A_388 = arith.mulf %parallel_loop3A_224, %get3A_168 : vector<16xf32>
        %parallel_loop3A_389 = arith.addf %parallel_loop3A_388, %get3A_150 : vector<16xf32>
        %parallel_loop3A_390 = vector.broadcast %scan3A_3 : f32 to vector<16xf32>
        %parallel_loop3A_391 = arith.addf %parallel_loop3A_389, %parallel_loop3A_390 : vector<16xf32>
        %parallel_loop3A_392 = vector.broadcast %scan3A_3 : f32 to vector<16xf32>
        %parallel_loop3A_393 = arith.subf %parallel_loop3A_391, %parallel_loop3A_392 : vector<16xf32>
        %parallel_loop3A_394 = arith.subf %parallel_loop3A_389, %parallel_loop3A_393 : vector<16xf32>
        %parallel_loop3A_395 = arith.mulf %parallel_loop3A_394, %parallel_loop3A_394 : vector<16xf32>
        %parallel_loop3A_396 = arith.constant 57.02565 : f32
        %parallel_loop3A_397 = vector.broadcast %parallel_loop3A_396 : f32 to vector<16xf32>
        %parallel_loop3A_398 = arith.mulf %parallel_loop3A_397, %parallel_loop3A_395 : vector<16xf32>
        %parallel_loop3A_399 = arith.constant -39.16185 : f32
        %parallel_loop3A_400 = vector.broadcast %parallel_loop3A_399 : f32 to vector<16xf32>
        %parallel_loop3A_401 = arith.addf %parallel_loop3A_398, %parallel_loop3A_400 : vector<16xf32>
        %parallel_loop3A_402 = arith.mulf %parallel_loop3A_401, %parallel_loop3A_395 : vector<16xf32>
        %parallel_loop3A_403 = arith.constant 6.25374365 : f32
        %parallel_loop3A_404 = vector.broadcast %parallel_loop3A_403 : f32 to vector<16xf32>
        %parallel_loop3A_405 = arith.addf %parallel_loop3A_402, %parallel_loop3A_404 : vector<16xf32>
        %parallel_loop3A_406 = arith.mulf %parallel_loop3A_394, %parallel_loop3A_405 : vector<16xf32>
        %parallel_loop3A_407 = arith.constant 96 : i32
        %parallel_loop3A_408 = tpu.memref_slice %arg20[%parallel_loop3A_407] : memref<25600xf32, #tpu.memory_space<vmem>> -> memref<25504xf32, #tpu.memory_space<vmem>>
        %parallel_loop3A_409 = tpu.vector_load_idx %parallel_loop3A_408[%parallel_loop3A_229] : memref<25504xf32, #tpu.memory_space<vmem>>[vector<16xi32>], vector<16xf32>,
        %parallel_loop3A_410 = arith.addf %parallel_loop3A_409, %parallel_loop3A_406 : vector<16xf32>
        %parallel_loop3A_411 = arith.index_cast %parallel_loop3A_218 : i32 to index
        %parallel_loop3A_412 = arith.constant 96 : index
        %parallel_loop3A_413 = tpu.vector_load %arg22[%parallel_loop3A_411, %parallel_loop3A_412] {strides = array<i32>} : memref<160x256xf32, #tpu.memory_space<vmem>>, vector<16xf32>,
        tpu.vector_store %arg22[%parallel_loop3A_411, %parallel_loop3A_412], %parallel_loop3A_410 {strides = array<i32>} : memref<160x256xf32, #tpu.memory_space<vmem>>, vector<16xf32>,
        %parallel_loop3A_414 = arith.mulf %parallel_loop3A_224, %get3A_170 : vector<16xf32>
        %parallel_loop3A_415 = arith.addf %parallel_loop3A_414, %get3A_152 : vector<16xf32>
        %parallel_loop3A_416 = vector.broadcast %scan3A_3 : f32 to vector<16xf32>
        %parallel_loop3A_417 = arith.addf %parallel_loop3A_415, %parallel_loop3A_416 : vector<16xf32>
        %parallel_loop3A_418 = vector.broadcast %scan3A_3 : f32 to vector<16xf32>
        %parallel_loop3A_419 = arith.subf %parallel_loop3A_417, %parallel_loop3A_418 : vector<16xf32>
        %parallel_loop3A_420 = arith.subf %parallel_loop3A_415, %parallel_loop3A_419 : vector<16xf32>
        %parallel_loop3A_421 = arith.mulf %parallel_loop3A_420, %parallel_loop3A_420 : vector<16xf32>
        %parallel_loop3A_422 = arith.constant 57.02565 : f32
        %parallel_loop3A_423 = vector.broadcast %parallel_loop3A_422 : f32 to vector<16xf32>
        %parallel_loop3A_424 = arith.mulf %parallel_loop3A_423, %parallel_loop3A_421 : vector<16xf32>
        %parallel_loop3A_425 = arith.constant -39.16185 : f32
        %parallel_loop3A_426 = vector.broadcast %parallel_loop3A_425 : f32 to vector<16xf32>
        %parallel_loop3A_427 = arith.addf %parallel_loop3A_424, %parallel_loop3A_426 : vector<16xf32>
        %parallel_loop3A_428 = arith.mulf %parallel_loop3A_427, %parallel_loop3A_421 : vector<16xf32>
        %parallel_loop3A_429 = arith.constant 6.25374365 : f32
        %parallel_loop3A_430 = vector.broadcast %parallel_loop3A_429 : f32 to vector<16xf32>
        %parallel_loop3A_431 = arith.addf %parallel_loop3A_428, %parallel_loop3A_430 : vector<16xf32>
        %parallel_loop3A_432 = arith.mulf %parallel_loop3A_420, %parallel_loop3A_431 : vector<16xf32>
        %parallel_loop3A_433 = arith.constant 112 : i32
        %parallel_loop3A_434 = tpu.memref_slice %arg20[%parallel_loop3A_433] : memref<25600xf32, #tpu.memory_space<vmem>> -> memref<25488xf32, #tpu.memory_space<vmem>>
        %parallel_loop3A_435 = tpu.vector_load_idx %parallel_loop3A_434[%parallel_loop3A_229] : memref<25488xf32, #tpu.memory_space<vmem>>[vector<16xi32>], vector<16xf32>,
        %parallel_loop3A_436 = arith.addf %parallel_loop3A_435, %parallel_loop3A_432 : vector<16xf32>
        %parallel_loop3A_437 = arith.index_cast %parallel_loop3A_218 : i32 to index
        %parallel_loop3A_438 = arith.constant 112 : index
        %parallel_loop3A_439 = tpu.vector_load %arg22[%parallel_loop3A_437, %parallel_loop3A_438] {strides = array<i32>} : memref<160x256xf32, #tpu.memory_space<vmem>>, vector<16xf32>,
        tpu.vector_store %arg22[%parallel_loop3A_437, %parallel_loop3A_438], %parallel_loop3A_436 {strides = array<i32>} : memref<160x256xf32, #tpu.memory_space<vmem>>, vector<16xf32>,
      } {sc.loop_unroll_factor = 2 : i64, sc.parallel_access}
      %get3A_174 = arith.constant 128 : index
      %get3A_175 = tpu.vector_load %arg19[%get3A_174] {strides = array<i32>} : memref<256xf32, #tpu.memory_space<vmem>>, vector<16xf32>,
      %get3A_176 = arith.constant 144 : index
      %get3A_177 = tpu.vector_load %arg19[%get3A_176] {strides = array<i32>} : memref<256xf32, #tpu.memory_space<vmem>>, vector<16xf32>,
      %get3A_178 = arith.constant 160 : index
      %get3A_179 = tpu.vector_load %arg19[%get3A_178] {strides = array<i32>} : memref<256xf32, #tpu.memory_space<vmem>>, vector<16xf32>,
      %get3A_180 = arith.constant 176 : index
      %get3A_181 = tpu.vector_load %arg19[%get3A_180] {strides = array<i32>} : memref<256xf32, #tpu.memory_space<vmem>>, vector<16xf32>,
      %get3A_182 = arith.constant 192 : index
      %get3A_183 = tpu.vector_load %arg19[%get3A_182] {strides = array<i32>} : memref<256xf32, #tpu.memory_space<vmem>>, vector<16xf32>,
      %get3A_184 = arith.constant 208 : index
      %get3A_185 = tpu.vector_load %arg19[%get3A_184] {strides = array<i32>} : memref<256xf32, #tpu.memory_space<vmem>>, vector<16xf32>,
      %get3A_186 = arith.constant 224 : index
      %get3A_187 = tpu.vector_load %arg19[%get3A_186] {strides = array<i32>} : memref<256xf32, #tpu.memory_space<vmem>>, vector<16xf32>,
      %get3A_188 = arith.constant 240 : index
      %get3A_189 = tpu.vector_load %arg19[%get3A_188] {strides = array<i32>} : memref<256xf32, #tpu.memory_space<vmem>>, vector<16xf32>,
      %get3A_190 = arith.constant 128 : index
      %get3A_191 = tpu.vector_load %arg17[%get3A_190] {strides = array<i32>} : memref<256xf32, #tpu.memory_space<vmem>>, vector<16xf32>,
      %get3A_192 = arith.constant 144 : index
      %get3A_193 = tpu.vector_load %arg17[%get3A_192] {strides = array<i32>} : memref<256xf32, #tpu.memory_space<vmem>>, vector<16xf32>,
      %get3A_194 = arith.constant 160 : index
      %get3A_195 = tpu.vector_load %arg17[%get3A_194] {strides = array<i32>} : memref<256xf32, #tpu.memory_space<vmem>>, vector<16xf32>,
      %get3A_196 = arith.constant 160 : index
      %get3A_197 = tpu.vector_load %arg18[%get3A_196] {strides = array<i32>} : memref<256xf32, #tpu.memory_space<vmem>>, vector<16xf32>,
      %get3A_198 = arith.constant 176 : index
      %get3A_199 = tpu.vector_load %arg18[%get3A_198] {strides = array<i32>} : memref<256xf32, #tpu.memory_space<vmem>>, vector<16xf32>,
      %get3A_200 = arith.constant 192 : index
      %get3A_201 = tpu.vector_load %arg18[%get3A_200] {strides = array<i32>} : memref<256xf32, #tpu.memory_space<vmem>>, vector<16xf32>,
      %get3A_202 = arith.constant 208 : index
      %get3A_203 = tpu.vector_load %arg18[%get3A_202] {strides = array<i32>} : memref<256xf32, #tpu.memory_space<vmem>>, vector<16xf32>,
      %get3A_204 = arith.constant 224 : index
      %get3A_205 = tpu.vector_load %arg18[%get3A_204] {strides = array<i32>} : memref<256xf32, #tpu.memory_space<vmem>>, vector<16xf32>,
      %get3A_206 = arith.constant 240 : index
      %get3A_207 = tpu.vector_load %arg18[%get3A_206] {strides = array<i32>} : memref<256xf32, #tpu.memory_space<vmem>>, vector<16xf32>,
      %parallel_loop3A_208 = arith.constant 0 : i32
      %parallel_loop3A_209 = arith.constant 160 : i32
      %parallel_loop3A_210 = arith.constant 1 : i32
      scf.for %parallel_loop3A_218 = %parallel_loop3A_208 to %parallel_loop3A_209 step %parallel_loop3A_210  : i32 {
        %parallel_loop3A_219 = arith.constant 160 : i32
        %parallel_loop3A_220 = arith.muli %add3A_121, %parallel_loop3A_219 : i32
        %parallel_loop3A_221 = arith.addi %parallel_loop3A_220, %parallel_loop3A_218 : i32
        %parallel_loop3A_222 = vector.broadcast %parallel_loop3A_221 : i32 to vector<16xi32>
        %parallel_loop3A_223 = tpu.vector_load_idx %arg12[%parallel_loop3A_222] : memref<3200xf32, #tpu.memory_space<vmem>>[vector<16xi32>], vector<16xf32>,
        %parallel_loop3A_224 = tpu.vector_load_idx %arg14[%parallel_loop3A_222] : memref<3200xf32, #tpu.memory_space<vmem>>[vector<16xi32>], vector<16xf32>,
        %parallel_loop3A_225 = tpu.vector_load_idx %arg15[%parallel_loop3A_222] : memref<3200xi32, #tpu.memory_space<vmem>>[vector<16xi32>], vector<16xi32>,
        %parallel_loop3A_226 = arith.constant 8 : i32
        %parallel_loop3A_227 = vector.broadcast %parallel_loop3A_226 : i32 to vector<16xi32>
        %parallel_loop3A_228 = arith.shli %parallel_loop3A_225, %parallel_loop3A_227 : vector<16xi32>
        %parallel_loop3A_229 = arith.addi %parallel_loop3A_228, %iota3A : vector<16xi32>
        %parallel_loop3A_230 = arith.mulf %parallel_loop3A_223, %get3A_191 : vector<16xf32>
        %parallel_loop3A_231 = arith.addf %parallel_loop3A_230, %get3A_175 : vector<16xf32>
        %parallel_loop3A_232 = vector.broadcast %scan3A_3 : f32 to vector<16xf32>
        %parallel_loop3A_233 = arith.addf %parallel_loop3A_231, %parallel_loop3A_232 : vector<16xf32>
        %parallel_loop3A_234 = vector.broadcast %scan3A_3 : f32 to vector<16xf32>
        %parallel_loop3A_235 = arith.subf %parallel_loop3A_233, %parallel_loop3A_234 : vector<16xf32>
        %parallel_loop3A_236 = arith.subf %parallel_loop3A_231, %parallel_loop3A_235 : vector<16xf32>
        %parallel_loop3A_237 = arith.mulf %parallel_loop3A_236, %parallel_loop3A_236 : vector<16xf32>
        %parallel_loop3A_238 = arith.constant 57.02565 : f32
        %parallel_loop3A_239 = vector.broadcast %parallel_loop3A_238 : f32 to vector<16xf32>
        %parallel_loop3A_240 = arith.mulf %parallel_loop3A_239, %parallel_loop3A_237 : vector<16xf32>
        %parallel_loop3A_241 = arith.constant -39.16185 : f32
        %parallel_loop3A_242 = vector.broadcast %parallel_loop3A_241 : f32 to vector<16xf32>
        %parallel_loop3A_243 = arith.addf %parallel_loop3A_240, %parallel_loop3A_242 : vector<16xf32>
        %parallel_loop3A_244 = arith.mulf %parallel_loop3A_243, %parallel_loop3A_237 : vector<16xf32>
        %parallel_loop3A_245 = arith.constant 6.25374365 : f32
        %parallel_loop3A_246 = vector.broadcast %parallel_loop3A_245 : f32 to vector<16xf32>
        %parallel_loop3A_247 = arith.addf %parallel_loop3A_244, %parallel_loop3A_246 : vector<16xf32>
        %parallel_loop3A_248 = arith.mulf %parallel_loop3A_236, %parallel_loop3A_247 : vector<16xf32>
        %parallel_loop3A_249 = arith.constant 128 : i32
        %parallel_loop3A_250 = tpu.memref_slice %arg20[%parallel_loop3A_249] : memref<25600xf32, #tpu.memory_space<vmem>> -> memref<25472xf32, #tpu.memory_space<vmem>>
        %parallel_loop3A_251 = tpu.vector_load_idx %parallel_loop3A_250[%parallel_loop3A_229] : memref<25472xf32, #tpu.memory_space<vmem>>[vector<16xi32>], vector<16xf32>,
        %parallel_loop3A_252 = arith.addf %parallel_loop3A_251, %parallel_loop3A_248 : vector<16xf32>
        %parallel_loop3A_253 = arith.index_cast %parallel_loop3A_218 : i32 to index
        %parallel_loop3A_254 = arith.constant 128 : index
        %parallel_loop3A_255 = tpu.vector_load %arg22[%parallel_loop3A_253, %parallel_loop3A_254] {strides = array<i32>} : memref<160x256xf32, #tpu.memory_space<vmem>>, vector<16xf32>,
        tpu.vector_store %arg22[%parallel_loop3A_253, %parallel_loop3A_254], %parallel_loop3A_252 {strides = array<i32>} : memref<160x256xf32, #tpu.memory_space<vmem>>, vector<16xf32>,
        %parallel_loop3A_256 = arith.mulf %parallel_loop3A_223, %get3A_193 : vector<16xf32>
        %parallel_loop3A_257 = arith.addf %parallel_loop3A_256, %get3A_177 : vector<16xf32>
        %parallel_loop3A_258 = vector.broadcast %scan3A_3 : f32 to vector<16xf32>
        %parallel_loop3A_259 = arith.addf %parallel_loop3A_257, %parallel_loop3A_258 : vector<16xf32>
        %parallel_loop3A_260 = vector.broadcast %scan3A_3 : f32 to vector<16xf32>
        %parallel_loop3A_261 = arith.subf %parallel_loop3A_259, %parallel_loop3A_260 : vector<16xf32>
        %parallel_loop3A_262 = arith.subf %parallel_loop3A_257, %parallel_loop3A_261 : vector<16xf32>
        %parallel_loop3A_263 = arith.mulf %parallel_loop3A_262, %parallel_loop3A_262 : vector<16xf32>
        %parallel_loop3A_264 = arith.constant 57.02565 : f32
        %parallel_loop3A_265 = vector.broadcast %parallel_loop3A_264 : f32 to vector<16xf32>
        %parallel_loop3A_266 = arith.mulf %parallel_loop3A_265, %parallel_loop3A_263 : vector<16xf32>
        %parallel_loop3A_267 = arith.constant -39.16185 : f32
        %parallel_loop3A_268 = vector.broadcast %parallel_loop3A_267 : f32 to vector<16xf32>
        %parallel_loop3A_269 = arith.addf %parallel_loop3A_266, %parallel_loop3A_268 : vector<16xf32>
        %parallel_loop3A_270 = arith.mulf %parallel_loop3A_269, %parallel_loop3A_263 : vector<16xf32>
        %parallel_loop3A_271 = arith.constant 6.25374365 : f32
        %parallel_loop3A_272 = vector.broadcast %parallel_loop3A_271 : f32 to vector<16xf32>
        %parallel_loop3A_273 = arith.addf %parallel_loop3A_270, %parallel_loop3A_272 : vector<16xf32>
        %parallel_loop3A_274 = arith.mulf %parallel_loop3A_262, %parallel_loop3A_273 : vector<16xf32>
        %parallel_loop3A_275 = arith.constant 144 : i32
        %parallel_loop3A_276 = tpu.memref_slice %arg20[%parallel_loop3A_275] : memref<25600xf32, #tpu.memory_space<vmem>> -> memref<25456xf32, #tpu.memory_space<vmem>>
        %parallel_loop3A_277 = tpu.vector_load_idx %parallel_loop3A_276[%parallel_loop3A_229] : memref<25456xf32, #tpu.memory_space<vmem>>[vector<16xi32>], vector<16xf32>,
        %parallel_loop3A_278 = arith.addf %parallel_loop3A_277, %parallel_loop3A_274 : vector<16xf32>
        %parallel_loop3A_279 = arith.index_cast %parallel_loop3A_218 : i32 to index
        %parallel_loop3A_280 = arith.constant 144 : index
        %parallel_loop3A_281 = tpu.vector_load %arg22[%parallel_loop3A_279, %parallel_loop3A_280] {strides = array<i32>} : memref<160x256xf32, #tpu.memory_space<vmem>>, vector<16xf32>,
        tpu.vector_store %arg22[%parallel_loop3A_279, %parallel_loop3A_280], %parallel_loop3A_278 {strides = array<i32>} : memref<160x256xf32, #tpu.memory_space<vmem>>, vector<16xf32>,
        %parallel_loop3A_282 = arith.mulf %parallel_loop3A_223, %get3A_195 : vector<16xf32>
        %parallel_loop3A_283 = arith.addf %parallel_loop3A_282, %get3A_179 : vector<16xf32>
        %parallel_loop3A_284 = arith.mulf %parallel_loop3A_224, %get3A_197 : vector<16xf32>
        %parallel_loop3A_285 = arith.addf %parallel_loop3A_284, %parallel_loop3A_283 : vector<16xf32>
        %parallel_loop3A_286 = vector.broadcast %scan3A_3 : f32 to vector<16xf32>
        %parallel_loop3A_287 = arith.addf %parallel_loop3A_285, %parallel_loop3A_286 : vector<16xf32>
        %parallel_loop3A_288 = vector.broadcast %scan3A_3 : f32 to vector<16xf32>
        %parallel_loop3A_289 = arith.subf %parallel_loop3A_287, %parallel_loop3A_288 : vector<16xf32>
        %parallel_loop3A_290 = arith.subf %parallel_loop3A_285, %parallel_loop3A_289 : vector<16xf32>
        %parallel_loop3A_291 = arith.mulf %parallel_loop3A_290, %parallel_loop3A_290 : vector<16xf32>
        %parallel_loop3A_292 = arith.constant 57.02565 : f32
        %parallel_loop3A_293 = vector.broadcast %parallel_loop3A_292 : f32 to vector<16xf32>
        %parallel_loop3A_294 = arith.mulf %parallel_loop3A_293, %parallel_loop3A_291 : vector<16xf32>
        %parallel_loop3A_295 = arith.constant -39.16185 : f32
        %parallel_loop3A_296 = vector.broadcast %parallel_loop3A_295 : f32 to vector<16xf32>
        %parallel_loop3A_297 = arith.addf %parallel_loop3A_294, %parallel_loop3A_296 : vector<16xf32>
        %parallel_loop3A_298 = arith.mulf %parallel_loop3A_297, %parallel_loop3A_291 : vector<16xf32>
        %parallel_loop3A_299 = arith.constant 6.25374365 : f32
        %parallel_loop3A_300 = vector.broadcast %parallel_loop3A_299 : f32 to vector<16xf32>
        %parallel_loop3A_301 = arith.addf %parallel_loop3A_298, %parallel_loop3A_300 : vector<16xf32>
        %parallel_loop3A_302 = arith.mulf %parallel_loop3A_290, %parallel_loop3A_301 : vector<16xf32>
        %parallel_loop3A_303 = arith.constant 160 : i32
        %parallel_loop3A_304 = tpu.memref_slice %arg20[%parallel_loop3A_303] : memref<25600xf32, #tpu.memory_space<vmem>> -> memref<25440xf32, #tpu.memory_space<vmem>>
        %parallel_loop3A_305 = tpu.vector_load_idx %parallel_loop3A_304[%parallel_loop3A_229] : memref<25440xf32, #tpu.memory_space<vmem>>[vector<16xi32>], vector<16xf32>,
        %parallel_loop3A_306 = arith.addf %parallel_loop3A_305, %parallel_loop3A_302 : vector<16xf32>
        %parallel_loop3A_307 = arith.index_cast %parallel_loop3A_218 : i32 to index
        %parallel_loop3A_308 = arith.constant 160 : index
        %parallel_loop3A_309 = tpu.vector_load %arg22[%parallel_loop3A_307, %parallel_loop3A_308] {strides = array<i32>} : memref<160x256xf32, #tpu.memory_space<vmem>>, vector<16xf32>,
        tpu.vector_store %arg22[%parallel_loop3A_307, %parallel_loop3A_308], %parallel_loop3A_306 {strides = array<i32>} : memref<160x256xf32, #tpu.memory_space<vmem>>, vector<16xf32>,
        %parallel_loop3A_310 = arith.mulf %parallel_loop3A_224, %get3A_199 : vector<16xf32>
        %parallel_loop3A_311 = arith.addf %parallel_loop3A_310, %get3A_181 : vector<16xf32>
        %parallel_loop3A_312 = vector.broadcast %scan3A_3 : f32 to vector<16xf32>
        %parallel_loop3A_313 = arith.addf %parallel_loop3A_311, %parallel_loop3A_312 : vector<16xf32>
        %parallel_loop3A_314 = vector.broadcast %scan3A_3 : f32 to vector<16xf32>
        %parallel_loop3A_315 = arith.subf %parallel_loop3A_313, %parallel_loop3A_314 : vector<16xf32>
        %parallel_loop3A_316 = arith.subf %parallel_loop3A_311, %parallel_loop3A_315 : vector<16xf32>
        %parallel_loop3A_317 = arith.mulf %parallel_loop3A_316, %parallel_loop3A_316 : vector<16xf32>
        %parallel_loop3A_318 = arith.constant 57.02565 : f32
        %parallel_loop3A_319 = vector.broadcast %parallel_loop3A_318 : f32 to vector<16xf32>
        %parallel_loop3A_320 = arith.mulf %parallel_loop3A_319, %parallel_loop3A_317 : vector<16xf32>
        %parallel_loop3A_321 = arith.constant -39.16185 : f32
        %parallel_loop3A_322 = vector.broadcast %parallel_loop3A_321 : f32 to vector<16xf32>
        %parallel_loop3A_323 = arith.addf %parallel_loop3A_320, %parallel_loop3A_322 : vector<16xf32>
        %parallel_loop3A_324 = arith.mulf %parallel_loop3A_323, %parallel_loop3A_317 : vector<16xf32>
        %parallel_loop3A_325 = arith.constant 6.25374365 : f32
        %parallel_loop3A_326 = vector.broadcast %parallel_loop3A_325 : f32 to vector<16xf32>
        %parallel_loop3A_327 = arith.addf %parallel_loop3A_324, %parallel_loop3A_326 : vector<16xf32>
        %parallel_loop3A_328 = arith.mulf %parallel_loop3A_316, %parallel_loop3A_327 : vector<16xf32>
        %parallel_loop3A_329 = arith.constant 176 : i32
        %parallel_loop3A_330 = tpu.memref_slice %arg20[%parallel_loop3A_329] : memref<25600xf32, #tpu.memory_space<vmem>> -> memref<25424xf32, #tpu.memory_space<vmem>>
        %parallel_loop3A_331 = tpu.vector_load_idx %parallel_loop3A_330[%parallel_loop3A_229] : memref<25424xf32, #tpu.memory_space<vmem>>[vector<16xi32>], vector<16xf32>,
        %parallel_loop3A_332 = arith.addf %parallel_loop3A_331, %parallel_loop3A_328 : vector<16xf32>
        %parallel_loop3A_333 = arith.index_cast %parallel_loop3A_218 : i32 to index
        %parallel_loop3A_334 = arith.constant 176 : index
        %parallel_loop3A_335 = tpu.vector_load %arg22[%parallel_loop3A_333, %parallel_loop3A_334] {strides = array<i32>} : memref<160x256xf32, #tpu.memory_space<vmem>>, vector<16xf32>,
        tpu.vector_store %arg22[%parallel_loop3A_333, %parallel_loop3A_334], %parallel_loop3A_332 {strides = array<i32>} : memref<160x256xf32, #tpu.memory_space<vmem>>, vector<16xf32>,
        %parallel_loop3A_336 = arith.mulf %parallel_loop3A_224, %get3A_201 : vector<16xf32>
        %parallel_loop3A_337 = arith.addf %parallel_loop3A_336, %get3A_183 : vector<16xf32>
        %parallel_loop3A_338 = vector.broadcast %scan3A_3 : f32 to vector<16xf32>
        %parallel_loop3A_339 = arith.addf %parallel_loop3A_337, %parallel_loop3A_338 : vector<16xf32>
        %parallel_loop3A_340 = vector.broadcast %scan3A_3 : f32 to vector<16xf32>
        %parallel_loop3A_341 = arith.subf %parallel_loop3A_339, %parallel_loop3A_340 : vector<16xf32>
        %parallel_loop3A_342 = arith.subf %parallel_loop3A_337, %parallel_loop3A_341 : vector<16xf32>
        %parallel_loop3A_343 = arith.mulf %parallel_loop3A_342, %parallel_loop3A_342 : vector<16xf32>
        %parallel_loop3A_344 = arith.constant 57.02565 : f32
        %parallel_loop3A_345 = vector.broadcast %parallel_loop3A_344 : f32 to vector<16xf32>
        %parallel_loop3A_346 = arith.mulf %parallel_loop3A_345, %parallel_loop3A_343 : vector<16xf32>
        %parallel_loop3A_347 = arith.constant -39.16185 : f32
        %parallel_loop3A_348 = vector.broadcast %parallel_loop3A_347 : f32 to vector<16xf32>
        %parallel_loop3A_349 = arith.addf %parallel_loop3A_346, %parallel_loop3A_348 : vector<16xf32>
        %parallel_loop3A_350 = arith.mulf %parallel_loop3A_349, %parallel_loop3A_343 : vector<16xf32>
        %parallel_loop3A_351 = arith.constant 6.25374365 : f32
        %parallel_loop3A_352 = vector.broadcast %parallel_loop3A_351 : f32 to vector<16xf32>
        %parallel_loop3A_353 = arith.addf %parallel_loop3A_350, %parallel_loop3A_352 : vector<16xf32>
        %parallel_loop3A_354 = arith.mulf %parallel_loop3A_342, %parallel_loop3A_353 : vector<16xf32>
        %parallel_loop3A_355 = arith.constant 192 : i32
        %parallel_loop3A_356 = tpu.memref_slice %arg20[%parallel_loop3A_355] : memref<25600xf32, #tpu.memory_space<vmem>> -> memref<25408xf32, #tpu.memory_space<vmem>>
        %parallel_loop3A_357 = tpu.vector_load_idx %parallel_loop3A_356[%parallel_loop3A_229] : memref<25408xf32, #tpu.memory_space<vmem>>[vector<16xi32>], vector<16xf32>,
        %parallel_loop3A_358 = arith.addf %parallel_loop3A_357, %parallel_loop3A_354 : vector<16xf32>
        %parallel_loop3A_359 = arith.index_cast %parallel_loop3A_218 : i32 to index
        %parallel_loop3A_360 = arith.constant 192 : index
        %parallel_loop3A_361 = tpu.vector_load %arg22[%parallel_loop3A_359, %parallel_loop3A_360] {strides = array<i32>} : memref<160x256xf32, #tpu.memory_space<vmem>>, vector<16xf32>,
        tpu.vector_store %arg22[%parallel_loop3A_359, %parallel_loop3A_360], %parallel_loop3A_358 {strides = array<i32>} : memref<160x256xf32, #tpu.memory_space<vmem>>, vector<16xf32>,
        %parallel_loop3A_362 = arith.mulf %parallel_loop3A_224, %get3A_203 : vector<16xf32>
        %parallel_loop3A_363 = arith.addf %parallel_loop3A_362, %get3A_185 : vector<16xf32>
        %parallel_loop3A_364 = vector.broadcast %scan3A_3 : f32 to vector<16xf32>
        %parallel_loop3A_365 = arith.addf %parallel_loop3A_363, %parallel_loop3A_364 : vector<16xf32>
        %parallel_loop3A_366 = vector.broadcast %scan3A_3 : f32 to vector<16xf32>
        %parallel_loop3A_367 = arith.subf %parallel_loop3A_365, %parallel_loop3A_366 : vector<16xf32>
        %parallel_loop3A_368 = arith.subf %parallel_loop3A_363, %parallel_loop3A_367 : vector<16xf32>
        %parallel_loop3A_369 = arith.mulf %parallel_loop3A_368, %parallel_loop3A_368 : vector<16xf32>
        %parallel_loop3A_370 = arith.constant 57.02565 : f32
        %parallel_loop3A_371 = vector.broadcast %parallel_loop3A_370 : f32 to vector<16xf32>
        %parallel_loop3A_372 = arith.mulf %parallel_loop3A_371, %parallel_loop3A_369 : vector<16xf32>
        %parallel_loop3A_373 = arith.constant -39.16185 : f32
        %parallel_loop3A_374 = vector.broadcast %parallel_loop3A_373 : f32 to vector<16xf32>
        %parallel_loop3A_375 = arith.addf %parallel_loop3A_372, %parallel_loop3A_374 : vector<16xf32>
        %parallel_loop3A_376 = arith.mulf %parallel_loop3A_375, %parallel_loop3A_369 : vector<16xf32>
        %parallel_loop3A_377 = arith.constant 6.25374365 : f32
        %parallel_loop3A_378 = vector.broadcast %parallel_loop3A_377 : f32 to vector<16xf32>
        %parallel_loop3A_379 = arith.addf %parallel_loop3A_376, %parallel_loop3A_378 : vector<16xf32>
        %parallel_loop3A_380 = arith.mulf %parallel_loop3A_368, %parallel_loop3A_379 : vector<16xf32>
        %parallel_loop3A_381 = arith.constant 208 : i32
        %parallel_loop3A_382 = tpu.memref_slice %arg20[%parallel_loop3A_381] : memref<25600xf32, #tpu.memory_space<vmem>> -> memref<25392xf32, #tpu.memory_space<vmem>>
        %parallel_loop3A_383 = tpu.vector_load_idx %parallel_loop3A_382[%parallel_loop3A_229] : memref<25392xf32, #tpu.memory_space<vmem>>[vector<16xi32>], vector<16xf32>,
        %parallel_loop3A_384 = arith.addf %parallel_loop3A_383, %parallel_loop3A_380 : vector<16xf32>
        %parallel_loop3A_385 = arith.index_cast %parallel_loop3A_218 : i32 to index
        %parallel_loop3A_386 = arith.constant 208 : index
        %parallel_loop3A_387 = tpu.vector_load %arg22[%parallel_loop3A_385, %parallel_loop3A_386] {strides = array<i32>} : memref<160x256xf32, #tpu.memory_space<vmem>>, vector<16xf32>,
        tpu.vector_store %arg22[%parallel_loop3A_385, %parallel_loop3A_386], %parallel_loop3A_384 {strides = array<i32>} : memref<160x256xf32, #tpu.memory_space<vmem>>, vector<16xf32>,
        %parallel_loop3A_388 = arith.mulf %parallel_loop3A_224, %get3A_205 : vector<16xf32>
        %parallel_loop3A_389 = arith.addf %parallel_loop3A_388, %get3A_187 : vector<16xf32>
        %parallel_loop3A_390 = vector.broadcast %scan3A_3 : f32 to vector<16xf32>
        %parallel_loop3A_391 = arith.addf %parallel_loop3A_389, %parallel_loop3A_390 : vector<16xf32>
        %parallel_loop3A_392 = vector.broadcast %scan3A_3 : f32 to vector<16xf32>
        %parallel_loop3A_393 = arith.subf %parallel_loop3A_391, %parallel_loop3A_392 : vector<16xf32>
        %parallel_loop3A_394 = arith.subf %parallel_loop3A_389, %parallel_loop3A_393 : vector<16xf32>
        %parallel_loop3A_395 = arith.mulf %parallel_loop3A_394, %parallel_loop3A_394 : vector<16xf32>
        %parallel_loop3A_396 = arith.constant 57.02565 : f32
        %parallel_loop3A_397 = vector.broadcast %parallel_loop3A_396 : f32 to vector<16xf32>
        %parallel_loop3A_398 = arith.mulf %parallel_loop3A_397, %parallel_loop3A_395 : vector<16xf32>
        %parallel_loop3A_399 = arith.constant -39.16185 : f32
        %parallel_loop3A_400 = vector.broadcast %parallel_loop3A_399 : f32 to vector<16xf32>
        %parallel_loop3A_401 = arith.addf %parallel_loop3A_398, %parallel_loop3A_400 : vector<16xf32>
        %parallel_loop3A_402 = arith.mulf %parallel_loop3A_401, %parallel_loop3A_395 : vector<16xf32>
        %parallel_loop3A_403 = arith.constant 6.25374365 : f32
        %parallel_loop3A_404 = vector.broadcast %parallel_loop3A_403 : f32 to vector<16xf32>
        %parallel_loop3A_405 = arith.addf %parallel_loop3A_402, %parallel_loop3A_404 : vector<16xf32>
        %parallel_loop3A_406 = arith.mulf %parallel_loop3A_394, %parallel_loop3A_405 : vector<16xf32>
        %parallel_loop3A_407 = arith.constant 224 : i32
        %parallel_loop3A_408 = tpu.memref_slice %arg20[%parallel_loop3A_407] : memref<25600xf32, #tpu.memory_space<vmem>> -> memref<25376xf32, #tpu.memory_space<vmem>>
        %parallel_loop3A_409 = tpu.vector_load_idx %parallel_loop3A_408[%parallel_loop3A_229] : memref<25376xf32, #tpu.memory_space<vmem>>[vector<16xi32>], vector<16xf32>,
        %parallel_loop3A_410 = arith.addf %parallel_loop3A_409, %parallel_loop3A_406 : vector<16xf32>
        %parallel_loop3A_411 = arith.index_cast %parallel_loop3A_218 : i32 to index
        %parallel_loop3A_412 = arith.constant 224 : index
        %parallel_loop3A_413 = tpu.vector_load %arg22[%parallel_loop3A_411, %parallel_loop3A_412] {strides = array<i32>} : memref<160x256xf32, #tpu.memory_space<vmem>>, vector<16xf32>,
        tpu.vector_store %arg22[%parallel_loop3A_411, %parallel_loop3A_412], %parallel_loop3A_410 {strides = array<i32>} : memref<160x256xf32, #tpu.memory_space<vmem>>, vector<16xf32>,
        %parallel_loop3A_414 = arith.mulf %parallel_loop3A_224, %get3A_207 : vector<16xf32>
        %parallel_loop3A_415 = arith.addf %parallel_loop3A_414, %get3A_189 : vector<16xf32>
        %parallel_loop3A_416 = vector.broadcast %scan3A_3 : f32 to vector<16xf32>
        %parallel_loop3A_417 = arith.addf %parallel_loop3A_415, %parallel_loop3A_416 : vector<16xf32>
        %parallel_loop3A_418 = vector.broadcast %scan3A_3 : f32 to vector<16xf32>
        %parallel_loop3A_419 = arith.subf %parallel_loop3A_417, %parallel_loop3A_418 : vector<16xf32>
        %parallel_loop3A_420 = arith.subf %parallel_loop3A_415, %parallel_loop3A_419 : vector<16xf32>
        %parallel_loop3A_421 = arith.mulf %parallel_loop3A_420, %parallel_loop3A_420 : vector<16xf32>
        %parallel_loop3A_422 = arith.constant 57.02565 : f32
        %parallel_loop3A_423 = vector.broadcast %parallel_loop3A_422 : f32 to vector<16xf32>
        %parallel_loop3A_424 = arith.mulf %parallel_loop3A_423, %parallel_loop3A_421 : vector<16xf32>
        %parallel_loop3A_425 = arith.constant -39.16185 : f32
        %parallel_loop3A_426 = vector.broadcast %parallel_loop3A_425 : f32 to vector<16xf32>
        %parallel_loop3A_427 = arith.addf %parallel_loop3A_424, %parallel_loop3A_426 : vector<16xf32>
        %parallel_loop3A_428 = arith.mulf %parallel_loop3A_427, %parallel_loop3A_421 : vector<16xf32>
        %parallel_loop3A_429 = arith.constant 6.25374365 : f32
        %parallel_loop3A_430 = vector.broadcast %parallel_loop3A_429 : f32 to vector<16xf32>
        %parallel_loop3A_431 = arith.addf %parallel_loop3A_428, %parallel_loop3A_430 : vector<16xf32>
        %parallel_loop3A_432 = arith.mulf %parallel_loop3A_420, %parallel_loop3A_431 : vector<16xf32>
        %parallel_loop3A_433 = arith.constant 240 : i32
        %parallel_loop3A_434 = tpu.memref_slice %arg20[%parallel_loop3A_433] : memref<25600xf32, #tpu.memory_space<vmem>> -> memref<25360xf32, #tpu.memory_space<vmem>>
        %parallel_loop3A_435 = tpu.vector_load_idx %parallel_loop3A_434[%parallel_loop3A_229] : memref<25360xf32, #tpu.memory_space<vmem>>[vector<16xi32>], vector<16xf32>,
        %parallel_loop3A_436 = arith.addf %parallel_loop3A_435, %parallel_loop3A_432 : vector<16xf32>
        %parallel_loop3A_437 = arith.index_cast %parallel_loop3A_218 : i32 to index
        %parallel_loop3A_438 = arith.constant 240 : index
        %parallel_loop3A_439 = tpu.vector_load %arg22[%parallel_loop3A_437, %parallel_loop3A_438] {strides = array<i32>} : memref<160x256xf32, #tpu.memory_space<vmem>>, vector<16xf32>,
        tpu.vector_store %arg22[%parallel_loop3A_437, %parallel_loop3A_438], %parallel_loop3A_436 {strides = array<i32>} : memref<160x256xf32, #tpu.memory_space<vmem>>, vector<16xf32>,
      } {sc.loop_unroll_factor = 2 : i64, sc.parallel_access}
      %add3A_211 = arith.constant 160 : i32
      %add3A_212 = arith.addi %add3A_124, %add3A_211 : i32
      %le3A_213 = arith.constant 100000 : i32
      %le3A_214 = arith.cmpi sle, %add3A_212, %le3A_213 : i32
      %convert_element_type3A_215 = arith.extui %le3A_214 : i1 to i32
      %cond3A_216 = arith.constant 0 : i32
      %cond3A_217 = arith.cmpi ne, %convert_element_type3A_215, %cond3A_216 : i32
      scf.if %cond3A_217 {
        %dma_start3A = arith.constant 0 : i32
        %dma_start3A_218 = tpu.memref_slice %arg11[%add3A_124, %dma_start3A] : memref<100000x256xf32, #tpu.memory_space<hbm>> -> memref<160x256xf32, #tpu.memory_space<hbm>>
        %dma_start3A_219 = arith.constant 0 : i32
        %dma_start3A_220 = tpu.memref_slice %arg11[%add3A_124, %dma_start3A_219] : memref<100000x256xf32, #tpu.memory_space<hbm>> -> memref<160x256xf32, #tpu.memory_space<hbm>>
        tpu.enqueue_dma source(%arg22 : memref<160x256xf32, #tpu.memory_space<vmem>>) target(%dma_start3A_220 : memref<160x256xf32, #tpu.memory_space<hbm>>) target_semaphore(%arg24 : memref<!tpu.dma_semaphore, #tpu.memory_space<semaphore_mem>>)
      } else {
      }
    }
    %scan3A_8 = arith.constant 10 : i32
    %add3A_9 = arith.constant 2880 : i32
    %add3A_10 = arith.addi %mul3A_2, %add3A_9 : i32
    %add3A_11 = arith.constant 160 : i32
    %add3A_12 = arith.addi %add3A_10, %add3A_11 : i32
    %le3A = arith.constant 100000 : i32
    %le3A_13 = arith.cmpi sle, %add3A_12, %le3A : i32
    %convert_element_type3A = arith.extui %le3A_13 : i1 to i32
    %cond3A = arith.constant 0 : i32
    %cond3A_14 = arith.cmpi ne, %convert_element_type3A, %cond3A : i32
    scf.if %cond3A_14 {
      %dma_wait3A = arith.constant 0 : i32
      %dma_wait3A_24 = tpu.memref_slice %arg11[%add3A_10, %dma_wait3A] : memref<100000x256xf32, #tpu.memory_space<hbm>> -> memref<160x256xf32, #tpu.memory_space<hbm>>
      %dma_wait3A_25 = arith.constant 0 : i32
      %dma_wait3A_26 = tpu.memref_slice %arg11[%add3A_10, %dma_wait3A_25] : memref<100000x256xf32, #tpu.memory_space<hbm>> -> memref<160x256xf32, #tpu.memory_space<hbm>>
      tpu.wait_dma2 semaphore(%arg23 : memref<!tpu.dma_semaphore, #tpu.memory_space<semaphore_mem>>) src(%arg21 : memref<160x256xf32, #tpu.memory_space<vmem>>) dst(%dma_wait3A_26 : memref<160x256xf32, #tpu.memory_space<hbm>>)
    } else {
    }
    %add3A_15 = arith.constant 3040 : i32
    %add3A_16 = arith.addi %mul3A_2, %add3A_15 : i32
    %add3A_17 = arith.constant 160 : i32
    %add3A_18 = arith.addi %add3A_16, %add3A_17 : i32
    %le3A_19 = arith.constant 100000 : i32
    %le3A_20 = arith.cmpi sle, %add3A_18, %le3A_19 : i32
    %convert_element_type3A_21 = arith.extui %le3A_20 : i1 to i32
    %cond3A_22 = arith.constant 0 : i32
    %cond3A_23 = arith.cmpi ne, %convert_element_type3A_21, %cond3A_22 : i32
    scf.if %cond3A_23 {
      %dma_wait3A = arith.constant 0 : i32
      %dma_wait3A_24 = tpu.memref_slice %arg11[%add3A_16, %dma_wait3A] : memref<100000x256xf32, #tpu.memory_space<hbm>> -> memref<160x256xf32, #tpu.memory_space<hbm>>
      %dma_wait3A_25 = arith.constant 0 : i32
      %dma_wait3A_26 = tpu.memref_slice %arg11[%add3A_16, %dma_wait3A_25] : memref<100000x256xf32, #tpu.memory_space<hbm>> -> memref<160x256xf32, #tpu.memory_space<hbm>>
      tpu.wait_dma2 semaphore(%arg24 : memref<!tpu.dma_semaphore, #tpu.memory_space<semaphore_mem>>) src(%arg22 : memref<160x256xf32, #tpu.memory_space<vmem>>) dst(%dma_wait3A_26 : memref<160x256xf32, #tpu.memory_space<hbm>>)
    } else {
    }
    return
  }
}

</mosaic_0001>

<sc_bundles>
// kernel: kernel.3.cloned.1.call-start
scs
__scs_entry_jumppad:
0x0: {  	(pc) =	sbr.rel $0x88, $3  }
0x1: {  	(tag) =	ssettag $0x0;
	lr =	simm.s32 $0x1  }
0x2: {  	[smem:$0x3F9D] =	sst lr;
	_ =	strace $0xD0000000  }
0x3: {  	_ = 	snop  }
0x4: {  	_ = 	snop  }
0x5: {  	_ = 	snop  }
0x6: {  	_ = 	snop  }
0x7: {  	_ = 	snop  }
__scs_overlays_trampoline_lowered:
0x8: {  	[smem:$0x3FAC] =	sst s0  }
0x9: {  	[smem:$0x3FAD] =	sst s1  }
0xa: {  	[smem:$0x3FAE] =	sst s2  }
0xb: {  	[smem:$0x3FAF] =	sst s3  }
0xc: {  	[smem:$0x3FB0] =	sst s4  }
0xd: {  	[smem:$0x3FB1] =	sst s5  }
0xe: {  	[smem:$0x3FB2] =	sst s6  }
0xf: {  	[smem:$0x3FB3] =	sst s7  }
0x10: {  	[smem:$0x3FB4] =	sst s8  }
0x11: {  	[smem:$0x3FB5] =	sst s9;
	s0 =	simm.s32 @!p0 $0x0  }
0x12: {  	s1 =	sld [smem:$0x3F9B];
	s0 =	simm.s32 @p0 $0x1  }
0x13: {  	[smem:$0x3FB6] =	sst s0;
	s0 =	simm.s32 @!p1 $0x0  }
0x14: {  	s2 =	sld [smem:$0x3F9A];
	s0 =	simm.s32 @p1 $0x1  }
0x15: {  	[smem:$0x3FB7] =	sst s0;
	s0 =	simm.s32 @!p2 $0x0  }
0x16: {  	s3 =	sld [smem:$0x3FDB];
	s0 =	simm.s32 @p2 $0x1  }
0x17: {  	s4 =	simm.s32 $0x1BF5;
	[smem:$0x3FB9] =	sst s0  }
0x18: {  	s0 =	sld [smem:$0x3F9C];
	_ =	swait.ge [sflag:s4], $0x0  }
0x19: {  	s7 =	sld [smem:$0x3F9D]  }
0x1a: {  	s8 =	sadd.s32 $0xFFFFE003, lr  }
0x1b: {  	s9 =	sadd.s32 $0xFFFFFEF7, lr;
	s5 =	simm.s32 $0xFFFFFFFF;
	p2 =	slt.u32 s8, $0xFFFFF086  }
0x1c: {  	p1 =	slt.u32 s9, $0xF7A;
	s5 =	simm.s32 @!p2 $0x0  }
0x1d: {  	s5 =	simm.s32 @p1 $0x1;
	p0 =	seq.s32 s7, s2  }
0x1e: {  	s7 =	smul.u32 @!p0 $0xF7A, s2;
	p2 =	seq.s32 @!p0 s5, $0x0  }
0x1f: {  	s9 =	smul.u32 $0xF7A, s1;
	s8 =	simm.s32 @!p0 $0x1BF5;
	p2 =	por !p2, p0  }
0x20: {  	[sflag:s8] =	ssyncset.s32 @!p0 $0xFFFFF086;
	s6 =	sadd.s32 @!p0 s3, s7;
	s7 =	simm.s32 @!p0 $0x108  }
0x21: {  	s3 =	sadd.s32 s3, s9;
	s6 =	sadd.s32 @!p0 $0x88, s6;
	s7 =	simm.s32 @p2 $0x1082  }
0x22: {  	[simem:s7], [sflag:s8] =	dma.local @!p0 [hbm:s6], $0xF7A  }
0x23: {  	s9 =	sor.u32 $0xD0000000, s2;
	s6 =	simm.s32 $0x108;
	_ =	swait.ge @!p0 [sflag:s8], $0x0  }
0x24: {  	s3 =	sadd.s32 $0x88, s3;
	s6 =	simm.s32 @!p1 $0x1082;
	[sflag:s4] =	ssyncset.s32 $0xFFFFF086  }
0x25: {  	[simem:s6], [sflag:s4] =	dma.local [hbm:s3], $0xF7A  }
0x26: {  	[smem:$0x3F9D] =	sst s1;
	(tag) =	ssettag s2;
	_ =	strace s9  }
0x27: {  	s1 =	sld [smem:$0x3FAD]  }
0x28: {  	s2 =	sld [smem:$0x3FAE]  }
0x29: {  	s4 =	sld [smem:$0x3FB0]  }
0x2a: {  	p0 =	seq.s32 s5, $0x0;
	s5 =	sld [smem:$0x3FB1]  }
0x2b: {  	s6 =	sld [smem:$0x3FB2]  }
0x2c: {  	s7 =	sld [smem:$0x3FB3]  }
0x2d: {  	s3 =	simm.s32 $0x108;
	s8 =	sld [smem:$0x3FB4]  }
0x2e: {  	s3 =	simm.s32 @!p0 $0x1082;
	s9 =	sld [smem:$0x3FB5]  }
0x2f: {  	lr =	sadd.s32 s0, s3;
	s0 =	sld [smem:$0x3FAC]  }
0x30: {  	s3 =	sld [smem:$0x3FAF]  }
0x31: {  	[smem:$0x3FB8] =	sst s10  }
0x32: {  	s10 =	sld [smem:$0x3FB6];
	_ =	sdelay $0x3  }
0x33: {  	p0 =	seq.s32 s10, $0x1;
	s10 =	sld [smem:$0x3FB8];
	_ =	sdelay $0x3  }
0x34: {  	[smem:$0x3FB8] =	sst s10  }
0x35: {  	s10 =	sld [smem:$0x3FB7];
	_ =	sdelay $0x3  }
0x36: {  	p1 =	seq.s32 s10, $0x1;
	s10 =	sld [smem:$0x3FB8];
	_ =	sdelay $0x3  }
0x37: {  	[smem:$0x3FB8] =	sst s10  }
0x38: {  	s10 =	sld [smem:$0x3FB9]  }
0x39: {  	_ = 	snop;
	(pc) =	sbr.ind lr, $3  }
0x3a: {  	_ = 	snop  }
0x3b: {  	_ = 	snop  }
0x3c: {  	p2 =	seq.s32 s10, $0x1;
	s10 =	sld [smem:$0x3FB8]  }
0x3d: {  	_ =	shalt  }
0x3e: {  	_ =	shalt  }
0x3f: {  	_ =	shalt  }
0x40: {  	_ =	shalt  }
0x41: {  	_ =	shalt  }
0x42: {  	_ =	shalt  }
0x43: {  	_ =	shalt  }
0x44: {  	_ =	shalt  }
0x45: {  	_ =	shalt  }
0x46: {  	_ =	shalt  }
0x47: {  	_ =	shalt  }
0x48: {  	_ =	shalt  }
0x49: {  	_ =	shalt  }
0x4a: {  	_ =	shalt  }
0x4b: {  	_ =	shalt  }
0x4c: {  	_ =	shalt  }
0x4d: {  	_ =	shalt  }
0x4e: {  	_ =	shalt  }
0x4f: {  	_ =	shalt  }
0x50: {  	_ =	shalt  }
0x51: {  	_ =	shalt  }
0x52: {  	_ =	shalt  }
0x53: {  	_ =	shalt  }
0x54: {  	_ =	shalt  }
0x55: {  	_ =	shalt  }
0x56: {  	_ =	shalt  }
0x57: {  	_ =	shalt  }
0x58: {  	_ =	shalt  }
0x59: {  	_ =	shalt  }
0x5a: {  	_ =	shalt  }
0x5b: {  	_ =	shalt  }
0x5c: {  	_ =	shalt  }
0x5d: {  	_ =	shalt  }
0x5e: {  	_ =	shalt  }
0x5f: {  	_ =	shalt  }
0x60: {  	_ =	shalt  }
0x61: {  	_ =	shalt  }
0x62: {  	_ =	shalt  }
0x63: {  	_ =	shalt  }
0x64: {  	_ =	shalt  }
0x65: {  	_ =	shalt  }
0x66: {  	_ =	shalt  }
0x67: {  	_ =	shalt  }
0x68: {  	_ =	shalt  }
0x69: {  	_ =	shalt  }
0x6a: {  	_ =	shalt  }
0x6b: {  	_ =	shalt  }
0x6c: {  	_ =	shalt  }
0x6d: {  	_ =	shalt  }
0x6e: {  	_ =	shalt  }
0x6f: {  	_ =	shalt  }
0x70: {  	_ =	shalt  }
0x71: {  	_ =	shalt  }
0x72: {  	_ =	shalt  }
0x73: {  	_ =	shalt  }
0x74: {  	_ =	shalt  }
0x75: {  	_ =	shalt  }
0x76: {  	_ =	shalt  }
0x77: {  	_ =	shalt  }
0x78: {  	_ =	shalt  }
0x79: {  	_ =	shalt  }
0x7a: {  	_ =	shalt  }
0x7b: {  	_ =	shalt  }
0x7c: {  	_ =	shalt  }
0x7d: {  	_ =	shalt  }
0x7e: {  	_ =	shalt  }
0x7f: {  	_ =	shalt  }
0x80: {  	_ =	shalt  }
0x81: {  	_ =	shalt  }
0x82: {  	_ =	shalt  }
0x83: {  	_ =	shalt  }
0x84: {  	_ =	shalt  }
0x85: {  	_ =	shalt  }
0x86: {  	_ =	shalt  }
0x87: {  	_ =	shalt  }
.Lfunc_end0:
.L_simem_size_0:
called_computation_lowered:
.L_overlay_start_0:
0x88: {  	s2 =	sld [smem:$0x3FD9]  }
0x89: {  	s3 =	sld [smem:$0x3FFE];
	_ =	sdelay $0x1  }
0x8a: {  	s1 =	srdreg.scid  }
0x8b: {  	s0 =	sand.u32 $0x1, s1  }
0x8c: {  	s17 =	sshll.u32 s0, $0xA;
	s2 =	sadd.s32 s3, s2  }
0x8d: {  	s2 =	sadd.s32 s2, s17  }
0x8e: {  	[smem:$0x3FC4] =	sst s2  }
0x8f: {  	_ = 	snop  }
0x90: {  	s2 =	sld [smem:$0x3FD0];
	(tm) =	ssettm $0x1  }
0x91: {  	s18 =	sld [smem:$0x3FFB];
	_ =	sdelay $0x3  }
0x92: {  	_ =	strace s18  }
0x93: {  	s3 =	sld [smem:$0x3FFC];
	_ =	sdelay $0x3  }
0x94: {  	_ =	strace s3  }
0x95: {  	s3 =	sld [smem:$0x3FFD];
	_ =	sdelay $0x3  }
0x96: {  	_ =	strace s3  }
0x97: {  	_ =	strace $0x8FFFFFFF  }
0x98: {  	s19 =	sld [smem:$0x3FDB];
	_ =	sdelay $0x1  }
0x99: {  	s4 =	simm.s32 $_scs_section_size  }
0x9a: {  	s5 =	simm.s32 $_size__tile_overlayer_lowered;
	s6 =	simm.s32 $_tile_overlayer_lowered  }
0x9b: {  	s22 =	simm.s32 $0x1BFF;
	s21 =	sshll.u32 s6, $0x1;
	s3 =	sadd.s32 s4, s19  }
0x9c: {  	s7 =	simm.s32 $0x0;
	s20 =	sshll.u32 s5, $0x1;
	s5 =	sadd.s32 s21, s3  }
0x9d: {  	[timem:s7], [sflag:s22] =	dma.local [hbm:s5], s20  }
0x9e: {  	_ =	swait.ge [sflag:s22], s20  }
0x9f: {  	s4 =	ssub.s32 $0x0, s20;
	[sflag:s22] =	ssyncset.done $0x0  }
0xa0: {  	[sflag:s22] =	ssyncadd.s32 s4;
	_ =	sdelay $0x1  }
0xa1: {  	s23 =	simm.s32 $0x1B8B  }
0xa2: {  	_ =	swait.ge [sflag:s23], $0x1  }
0xa3: {  	[sflag:s23] =	ssyncset.done $0x0  }
0xa4: {  	s25 =	simm.s32 $0x1B8E;
	s24 =	sld [smem:$0x3FFE];
	[sflag:s23] =	ssyncadd.s32 $0xFFFFFFFF  }
0xa5: {  	s26 =	simm.s32 $execute0_lowered;
	[smem:$0x3FD2] =	sst s25  }
0xa6: {  	s5 =	sshll.u32 s26, $0x1;
	_ =	strace $0x80000046;
	[dreg:$0x1] =	wrdreg $0xFFFFFFFF  }
0xa7: {  	s28 =	simm.s32 $_size_execute0_lowered;
	s3 =	sadd.s32 s3, s5;
	[dreg:$0x0] =	wrdreg $0x0  }
0xa8: {  	s5 =	sshll.u32 s28, $0x1;
	[dreg:$0x2] =	wrdreg s3  }
0xa9: {  	[dreg:$0x3] =	wrdreg s5  }
0xaa: {  	[dreg:$0x4] =	wrdreg $0xC0  }
0xab: {  	_ =	task [dreg:s7], $0x5FFFF  }
0xac: {  	[dreg:$0x1] =	wrdreg $0xFFFFFFFF  }
0xad: {  	[dreg:$0x0] =	wrdreg $0x60  }
0xae: {  	[dreg:$0x2] =	wrdreg s24  }
0xaf: {  	[dreg:$0x3] =	wrdreg s2  }
0xb0: {  	[dreg:$0x4] =	wrdreg $0x9  }
0xb1: {  	_ =	task.clear_ibuf [dreg:s7], $0x5FFFF;
	_ =	strace $0x90000046  }
0xb2: {  	s29 =	simm.s32 $0x9;
	_ =	strace $0x80000048  }
0xb3: {  	_ =	swait.ge [sflag:s29], $0x1  }
0xb4: {  	[sflag:s29] =	ssyncadd.s32 $0xFFFFFFFF  }
0xb5: {  	_ =	strace $0x90000048  }
0xb6: {  	_ =	sfence  }
0xb7: {  	s30 =	sld [smem:$0x0];
	_ =	sdelay $0x2  }
0xb8: {  	s31 =	sshll.u32 s1, $0xD;
	s1 =	sshrl.u32 s1, $0x2  }
0xb9: {  	s3 =	sand.u32 $0x4000, s31;
	s1 =	sadd.s32 s1, s30  }
0xba: {  	s0 =	sor.u32 s3, s0;
	s1 =	sshll.u32 s1, $0x11  }
0xbb: {  	s0 =	sor.u32 s1, s0  }
0xbc: {  	s0 =	sadd.s32 $0x8F2B, s0  }
0xbd: {  	[sflag:s0] =	ssyncadd.remote.s32 $0x1  }
0xbe: {  	_ =	sfence.sel $0xFFFF  }
0xbf: {  	[dreg:$0x0] =	wrdreg $0xFFFFFFFF;
	(pc) =	sbr.abs _section_cstart, $3  }
0xc0: {  	[dreg:$0x1] =	wrdreg $0xFFFFFFFF  }
0xc1: {  	_ =	task.clear_ibuf [dreg:s7], $0x2FFFF;
	_ =	strace $0x9FFFFFFF  }
0xc2: {  	(tm) =	ssettm $0x7FFFFFFF  }
0xc3: {  	_ =	shalt  }
tec
execute0_lowered:
.L_overlay_start_1:
0x0: {  	(tag) =	ssettag $0x1  }
0x1: {  	s0 =	srdreg.scid  }
0x2: {  	s1 =	stileid.u32;
	s2 =	rddreg [dreg:$0x0]  }
0x3: {  	s4 =	simm.s32 $0x0;
	s16 =	simm.s32 $0xC80;
	s17 =	simm.s32 $0x1900  }
0x4: {  	s18 =	simm.s32 $0x2580;
	s28 =	simm.s32 $0x3640;
	s29 =	simm.s32 $0x3650  }
0x5: {  	s30 =	simm.s32 $0x3660;
	s0 =	sand.u32 $0x1, s0;
	s1 =	sshll.u32 s1, $0x1  }
0x6: {  	s31 =	simm.s32 $0x3670;
	s7 =	simm.s32 $0x0;
	s1 =	sor.u32 s0, s1  }
0x7: {  	[smem:$0x7FF] =	sst s4;
	s19 =	sadd.s32 $0x600, s2;
	s3 =	smul.u32 $0xC80, s1  }
0x8: {  	s20 =	sadd.s32 $0x400, s2;
	s21 =	sadd.s32 $0x800, s2;
	s0 =	ssub.s32 $0x2, s0  }
0x9: {  	s22 =	sadd.s32 $0x200, s2;
	s6 =	sshrl.u32 s0, $0x1;
	[dreg:$0x3] =	wrdreg s3  }
0xa: {  	p0 =	seq.s32 s1, $0x1F;
	_ =	strace $0x80000047;
	[dreg:$0x4] =	wrdreg s19  }
0xb: {  	s1 =	simm.s32 $0x3680;
	s0 =	ssub.s32 s0, s6;
	[dreg:$0x5] =	wrdreg s20  }
0xc: {  	s6 =	simm.s32 $0x36F0;
	s5 =	sshrl.u32 s3, $0x3;
	[dreg:$0x6] =	wrdreg s21  }
0xd: {  	s0 =	smax.u32 s0, $0x1;
	s5 =	sadd.s32 s5, s2;
	[dreg:$0x7] =	wrdreg s22  }
0xe: {  	s2 =	sadd.s32 $0xC00, s2;
	[dreg:$0xd] =	wrdreg s0;
	s0 =	simm.s32 $0x3690  }
0xf: {  	s19 =	simm.s32 $0x36A0;
	[dreg:$0x8] =	wrdreg s2;
	s23 =	sadd.s32 $0x7E00, s5  }
0x10: {  	s20 =	simm.s32 $0x36B0;
	s24 =	sadd.s32 $0x4C00, s5;
	[dreg:$0x9] =	wrdreg s23  }
0x11: {  	s21 =	simm.s32 $0x36C0;
	s25 =	sadd.s32 $0x1A00, s5;
	[dreg:$0xa] =	wrdreg s24  }
0x12: {  	s22 =	simm.s32 $0x36D0;
	s26 =	sadd.s32 $0xB000, s5;
	[dreg:$0xb] =	wrdreg s25  }
0x13: {  	s5 =	simm.s32 $0x36E0;
	[dreg:$0xc] =	wrdreg s26;
	s23 =	simm.s32 $0x3600  }
0x14: {  	v62 =	vlaneseq.u32;
	s24 =	simm.s32 $0x3610;
	s25 =	simm.s32 $0x3620;
	s26 =	simm.s32 $0x3630  }
.LBB2_1:
0x15: {  	[dreg:$0xe] =	wrdreg s7  }
0x16: {  	s2 =	rddreg [dreg:$0x9];
	s3 =	simm.s32 $0x3  }
0x17: {  	[tilespmem:s4], [sflag:$0x3] =	stream.linear.gather [hbm4b:s2+s4], $0xC80, $0x38;
	[tilespmem:$0x1DA00] =	vst v63  }
0x18: {  	_ =	swait.ge [sflag:s3], $0xC80  }
0x19: {  	[sflag:s3] =	ssyncset.done $0x0  }
0x1a: {  	s13 =	rddreg [dreg:$0xa];
	[sflag:s3] =	ssyncadd.s32 $0xFFFFF380  }
0x1b: {  	[tilespmem:s16], [sflag:$0x3] =	stream.linear.gather [hbm4b:s13+s4], $0xC80, $0x38;
	[tilespmem:$0x1DA00] =	vst v63  }
0x1c: {  	_ =	swait.ge [sflag:s3], $0xC80  }
0x1d: {  	[sflag:s3] =	ssyncset.done $0x0  }
0x1e: {  	s14 =	rddreg [dreg:$0xb];
	[sflag:s3] =	ssyncadd.s32 $0xFFFFF380  }
0x1f: {  	[tilespmem:s17], [sflag:$0x3] =	stream.linear.gather [hbm4b:s14+s4], $0xC80, $0x38;
	[tilespmem:$0x1DA00] =	vst v63  }
0x20: {  	_ =	swait.ge [sflag:s3], $0xC80  }
0x21: {  	[sflag:s3] =	ssyncset.done $0x0  }
0x22: {  	s15 =	rddreg [dreg:$0xc];
	[sflag:s3] =	ssyncadd.s32 $0xFFFFF380  }
0x23: {  	[tilespmem:s18], [sflag:$0x3] =	stream.linear.gather [hbm4b:s15+s4], $0xC80, $0x38;
	[tilespmem:$0x1DA00] =	vst v63  }
0x24: {  	_ =	swait.ge [sflag:s3], $0xC80  }
0x25: {  	[sflag:s3] =	ssyncset.done $0x0  }
0x26: {  	s8 =	simm.s32 $0x3200;
	s7 =	rddreg [dreg:$0x4];
	[sflag:s3] =	ssyncadd.s32 $0xFFFFF380  }
0x27: {  	[tilespmem:s8], [sflag:$0x3] =	stream.linear.gather [hbm4b:s7+s4], $0x100, $0x38;
	[tilespmem:$0x1DA00] =	vst v63  }
0x28: {  	_ =	swait.ge [sflag:s3], $0x100  }
0x29: {  	[sflag:s3] =	ssyncset.done $0x0  }
0x2a: {  	s10 =	simm.s32 $0x3300;
	s9 =	rddreg [dreg:$0x5];
	[sflag:s3] =	ssyncadd.s32 $0xFFFFFF00  }
0x2b: {  	[tilespmem:s10], [sflag:$0x3] =	stream.linear.gather [hbm4b:s9+s4], $0x100, $0x38;
	[tilespmem:$0x1DA00] =	vst v63  }
0x2c: {  	_ =	swait.ge [sflag:s3], $0x100  }
0x2d: {  	[sflag:s3] =	ssyncset.done $0x0  }
0x2e: {  	s12 =	simm.s32 $0x3400;
	s11 =	rddreg [dreg:$0x6];
	[sflag:s3] =	ssyncadd.s32 $0xFFFFFF00  }
0x2f: {  	[tilespmem:s12], [sflag:$0x3] =	stream.linear.gather [hbm4b:s11+s4], $0x100, $0x38;
	[tilespmem:$0x1DA00] =	vst v63  }
0x30: {  	_ =	swait.ge [sflag:s3], $0x100  }
0x31: {  	[sflag:s3] =	ssyncset.done $0x0  }
0x32: {  	s14 =	simm.s32 $0x3500;
	s13 =	rddreg [dreg:$0x7];
	[sflag:s3] =	ssyncadd.s32 $0xFFFFFF00  }
0x33: {  	[tilespmem:s14], [sflag:$0x3] =	stream.linear.gather [hbm4b:s13+s4], $0x100, $0x38;
	[tilespmem:$0x1DA00] =	vst v63  }
0x34: {  	_ =	swait.ge [sflag:s3], $0x100  }
0x35: {  	[sflag:s3] =	ssyncset.done $0x0  }
0x36: {  	s15 =	rddreg [dreg:$0x8];
	[sflag:s3] =	ssyncadd.s32 $0xFFFFFF00  }
0x37: {  	[tilespmem:s23], [sflag:$0x3] =	stream.linear.gather [hbm4b:s15+s4], $0x6400, $0x38;
	[tilespmem:$0x1DA00] =	vst v63  }
0x38: {  	_ =	swait.ge [sflag:s3], $0x6400  }
0x39: {  	[sflag:s3] =	ssyncset.done $0x0  }
0x3a: {  	s8 =	simm.s32 $0x0;
	s9 =	simm.s32 $0x0;
	[sflag:s3] =	ssyncadd.s32 $0xFFFF9C00  }
.LBB2_2:
0x3b: {  	s2 =	smul.u32 $0x140, s9  }
0x3c: {  	s3 =	rddreg [dreg:$0x3]  }
0x3d: {  	p1 =	seq.s32 s9, $0x0;
	s10 =	sadd.s32 s3, s2  }
0x3e: {  	s7 =	sadd.s32 $0xFFFFFFFE, s8;
	p2 =	sgt.u32 @!p1 s10, $0x18740  }
0x3f: {  	s11 =	sadd.s32 $0x2, s7;
	p2 =	por p2, p1  }
0x40: {  	[dreg:$0xf] =	wrdreg s9;
	v1 =	vmov s11;
	s2 =	simm.s32 @!p2 $0x1  }
0x41: {  	v1 =	vand.u32 $0xFFFFFFFE, v1;
	_ =	swait.ge @!p2 [sflag:s2], $0xA000  }
0x42: {  	v8 =	vbroadcast v1, $0x0;
	[sflag:s2] =	ssyncset.done @!p2 $0x0  }
0x43: {  	[sflag:s2] =	ssyncadd.s32 @!p2 $0xFFFF6000  }
0x44: {  	s14 =	sadd.s32 $0x3, s7;
	v0 =	vld [tilespmem:$0x3200]  }
0x45: {  	v17 =	vmov s14;
	v3 =	vld [tilespmem:$0x3500]  }
0x46: {  	v4 =	vld [tilespmem:$0x3520]  }
0x47: {  	v5 =	vld [tilespmem:$0x3210]  }
0x48: {  	v19 =	vld.idx.msk [tilespmem:v8+s16+$0x0], $0xffff  }
0x49: {  	v7 =	vld [tilespmem:$0x3220]  }
0x4a: {  	v1 =	vld.idx.msk [tilespmem:v17+s16+$0x0], $0xffff  }
0x4b: {  	v9 =	vld [tilespmem:$0x3250]  }
0x4c: {  	v10 =	vld [tilespmem:$0x3230]  }
0x4d: {  	v12 =	vld [tilespmem:$0x3510];
	v2 =	vmul.f32 v19, v0  }
0x4e: {  	v11 =	vld [tilespmem:$0x3240]  }
0x4f: {  	v16 =	vld.idx.msk [tilespmem:v17+s18+$0x0], $0xffff;
	v2 =	vadd.f32 v2, v3  }
0x50: {  	v14 =	vmul.f32 v1, v7;
	v18 =	vmul.f32 v1, v5  }
0x51: {  	v15 =	vmul.f32 v1, v0;
	v20 =	vmul.f32 v1, v9;
	v13 =	vadd.f32 $1.258291200e+07, v2  }
0x52: {  	v23 =	vmul.f32 v1, v10;
	v22 =	vadd.f32 v14, v4;
	v25 =	vadd.f32 v18, v12  }
0x53: {  	v21 =	vmul.f32 v1, v11;
	v1 =	vld.idx.msk [tilespmem:v8+s18+$0x0], $0xffff;
	v14 =	vadd.f32 v15, v3;
	v13 =	vadd.f32 $-1.258291200e+07, v13  }
0x54: {  	v27 =	vshll.u32 v16, $0x8;
	v26 =	vmul.f32 v19, v10;
	v39 =	vadd.f32 $1.258291200e+07, v25  }
0x55: {  	v15 =	vmul.f32 v19, v7;
	v24 =	vsub.f32 v2, v13;
	v13 =	vadd.f32 $1.258291200e+07, v14  }
0x56: {  	v34 =	vmul.f32 v19, v9;
	v50 =	vadd.f32 $-1.258291200e+07, v39;
	v2 =	vmul.f32 v19, v5  }
0x57: {  	v28 =	vadd.f32 v15, v4;
	v18 =	vmul.f32 v24, v24;
	v16 =	vadd.f32 $-1.258291200e+07, v13  }
0x58: {  	v1 =	vshll.u32 v1, $0x8;
	v25 =	vsub.f32 v25, v50;
	v13 =	vld [tilespmem:$0x3550];
	v29 =	vadd.f32 v2, v12  }
0x59: {  	v2 =	vadd.f32 $1.258291200e+07, v22;
	v15 =	vmul.f32 $5.702565000e+01, v18;
	v30 =	vsub.f32 v14, v16  }
0x5a: {  	v1 =	vor.u32 v62, v1;
	v16 =	vadd.f32 $1.258291200e+07, v28;
	v31 =	vadd.f32 $1.258291200e+07, v29  }
0x5b: {  	v19 =	vmul.f32 v19, v11;
	v14 =	vld [tilespmem:$0x3530];
	v36 =	vadd.f32 $-1.258291200e+07, v2;
	v32 =	vadd.f32 $-3.916185000e+01, v15  }
0x5c: {  	v53 =	vld.idx.msk [tilespmem:v8+s4+$0x0], $0xffff;
	v55 =	vmul.f32 v25, v25;
	v35 =	vadd.f32 $-1.258291200e+07, v16;
	v31 =	vadd.f32 $-1.258291200e+07, v31  }
0x5d: {  	v33 =	vmul.f32 v30, v30;
	v15 =	vld [tilespmem:$0x3350];
	v63 =	vadd.f32 v34, v13;
	v42 =	vadd.f32 v20, v13  }
0x5e: {  	v2 =	vor.u32 v62, v27;
	v28 =	vsub.f32 v28, v35;
	v27 =	vsub.f32 v29, v31;
	v29 =	vld.idx.msk [tilespmem:v17+s4+$0x0], $0xffff  }
0x5f: {  	v18 =	vmul.f32 v32, v18;
	v48 =	vmul.f32 $5.702565000e+01, v33;
	v35 =	vsub.f32 v22, v36;
	v17 =	vld [tilespmem:$0x3540]  }
0x60: {  	v54 =	vld.idx.msk [tilespmem:v1+s23+$0x0], $0xffff;
	v23 =	vadd.f32 v23, v14;
	v26 =	vadd.f32 v26, v14;
	v31 =	vmul.f32 v28, v28  }
0x61: {  	v16 =	vld [tilespmem:$0x3360];
	v34 =	vadd.f32 $-3.916185000e+01, v48;
	v49 =	vmul.f32 v27, v27;
	v37 =	vmul.f32 v35, v35  }
0x62: {  	v20 =	vld [tilespmem:$0x3370];
	v22 =	vadd.f32 $6.253743650e+00, v18;
	v56 =	vmul.f32 v53, v15;
	v40 =	vmul.f32 $5.702565000e+01, v31  }
0x63: {  	v18 =	vld [tilespmem:$0x3560];
	v38 =	vadd.f32 $1.258291200e+07, v23;
	v41 =	vmul.f32 $5.702565000e+01, v49;
	v33 =	vmul.f32 v34, v33  }
0x64: {  	v8 =	vld [tilespmem:$0x3570];
	v22 =	vmul.f32 v22, v24;
	v45 =	vmul.f32 $5.702565000e+01, v37;
	v46 =	vadd.f32 v19, v17  }
0x65: {  	v43 =	vmul.f32 v29, v15;
	v61 =	vadd.f32 v63, v56;
	v21 =	vadd.f32 v21, v17  }
0x66: {  	v44 =	vmul.f32 v29, v16;
	v40 =	vadd.f32 $-3.916185000e+01, v40;
	v51 =	vadd.f32 $-3.916185000e+01, v41  }
0x67: {  	v29 =	vmul.f32 v29, v20;
	v33 =	vadd.f32 $6.253743650e+00, v33;
	v45 =	vadd.f32 $-3.916185000e+01, v45  }
0x68: {  	s15 =	simm.s32 $0x0;
	v22 =	vadd.f32 v22, v54;
	v52 =	vadd.f32 v44, v18  }
0x69: {  	s3 =	simm.s32 $0x0;
	s2 =	sand.u32 $0xF800, s15;
	v60 =	vmul.f32 $5.702565000e+01, v55;
	v19 =	vadd.f32 v42, v43;
	v57 =	vadd.f32 v29, v8  }
0x6a: {  	s7 =	sand.u32 $0x300, s3;
	s2 =	sadd.s32 $0x9A00, s2;
	v62 =	vadd.f32 $1.258291200e+07, v46;
	v44 =	vmul.f32 v53, v20;
	v31 =	vmul.f32 v40, v31  }
0x6b: {  	s11 =	sadd.s32 s7, s2;
	v63 =	vld.idx.msk [tilespmem:v2+s23+$0x0], $0xffff;
	v40 =	vadd.f32 $1.258291200e+07, v26;
	v58 =	vmul.f32 v45, v37;
	v37 =	vadd.f32 $-3.916185000e+01, v60  }
0x6c: {  	[tilespmem:s11+$0x0] =	vst v22;
	v22 =	vadd.f32 $1.258291200e+07, v61;
	v42 =	vadd.f32 $1.258291200e+07, v19  }
0x6d: {  	s9 =	sadd.s32 $0x0, s8;
	v29 =	vmul.f32 v51, v49;
	v54 =	vadd.f32 $1.258291200e+07, v57;
	v39 =	vadd.f32 v44, v8  }
0x6e: {  	s12 =	sadd.s32 $0x2, s9;
	v30 =	vmul.f32 v33, v30;
	v43 =	vadd.f32 $-1.258291200e+07, v62;
	v24 =	vadd.f32 $6.253743650e+00, v31  }
0x6f: {  	v49 =	vmov s12;
	v31 =	vadd.f32 $1.258291200e+07, v52;
	v29 =	vadd.f32 $6.253743650e+00, v29  }
0x70: {  	v49 =	vand.u32 $0xFFFFFFFE, v49;
	v34 =	vadd.f32 $6.253743650e+00, v58;
	v30 =	vadd.f32 v30, v63  }
0x71: {  	v37 =	vmul.f32 v37, v55;
	v56 =	vadd.f32 $-1.258291200e+07, v40;
	v42 =	vadd.f32 $-1.258291200e+07, v42  }
0x72: {  	v36 =	vsub.f32 v46, v43;
	v31 =	vadd.f32 $-1.258291200e+07, v31;
	v27 =	vmul.f32 v29, v27;
	v29 =	vld.idx.msk [tilespmem:v1+s24+$0x0], $0xffff  }
0x73: {  	v32 =	vsub.f32 v19, v42;
	v19 =	vadd.f32 $-1.258291200e+07, v22;
	v22 =	vbroadcast v49, $0x0  }
0x74: {  	v6 =	vsub.f32 v52, v31;
	v31 =	vmul.f32 v53, v16;
	v53 =	vadd.f32 $-1.258291200e+07, v38  }
0x75: {  	s13 =	simm.s32 $0x80;
	s7 =	sadd.s32 $0x3, s9;
	v24 =	vmul.f32 v24, v28;
	v58 =	vadd.f32 $6.253743650e+00, v37;
	v26 =	vsub.f32 v26, v56  }
0x76: {  	v47 =	vadd.f32 v31, v18;
	v31 =	vmov s7;
	v42 =	vsub.f32 v23, v53;
	s7 =	sand.u32 $0x380, s13  }
0x77: {  	v59 =	vmul.f32 v6, v6;
	v23 =	vadd.f32 $-1.258291200e+07, v54;
	v27 =	vadd.f32 v27, v29;
	s12 =	sadd.s32 s7, s2  }
0x78: {  	v34 =	vmul.f32 v34, v35;
	v29 =	vsub.f32 v61, v19;
	v48 =	vadd.f32 $1.258291200e+07, v47;
	[tilespmem:s12+$0x0] =	vst v30  }
0x79: {  	v52 =	vmul.f32 $5.702565000e+01, v59;
	v38 =	vmul.f32 v42, v42;
	v19 =	vsub.f32 v57, v23;
	v23 =	vld.idx.msk [tilespmem:v2+s24+$0x0], $0xffff  }
0x7a: {  	v25 =	vmul.f32 v58, v25;
	v35 =	vmul.f32 v32, v32;
	v37 =	vld.idx.msk [tilespmem:v22+s16+$0x0], $0xffff;
	v55 =	vadd.f32 $-1.258291200e+07, v48  }
0x7b: {  	v53 =	vmul.f32 v26, v26;
	v45 =	vadd.f32 $-3.916185000e+01, v52;
	v57 =	vmul.f32 $5.702565000e+01, v38  }
0x7c: {  	v41 =	vmul.f32 v29, v29;
	v44 =	vld.idx.msk [tilespmem:v31+s16+$0x0], $0xffff;
	v33 =	vsub.f32 v47, v55;
	v47 =	vmul.f32 v19, v19  }
0x7d: {  	[tilespmem:$0x1FFC0] =	vst v0;
	v30 =	vmul.f32 v45, v59;
	v40 =	vadd.f32 $-3.916185000e+01, v57;
	v59 =	vadd.f32 $1.258291200e+07, v21  }
0x7e: {  	[tilespmem:s11+$0x10] =	vst v27;
	v27 =	vadd.f32 $1.258291200e+07, v39;
	v48 =	vmul.f32 v33, v33;
	v62 =	vmul.f32 $5.702565000e+01, v47  }
0x7f: {  	v25 =	vadd.f32 v25, v23;
	v60 =	vmul.f32 v37, v0;
	v38 =	vmul.f32 v40, v38  }
0x80: {  	v54 =	vld.idx.msk [tilespmem:v31+s18+$0x0], $0xffff;
	v45 =	vadd.f32 $-1.258291200e+07, v59;
	v59 =	vmul.f32 $5.702565000e+01, v53;
	v50 =	vmul.f32 $5.702565000e+01, v48  }
0x81: {  	v27 =	vadd.f32 $-1.258291200e+07, v27;
	v51 =	vmul.f32 v44, v7;
	v52 =	vmul.f32 v44, v9  }
0x82: {  	v23 =	vmul.f32 v44, v0;
	v63 =	vadd.f32 $-3.916185000e+01, v62;
	v61 =	vmul.f32 v44, v5  }
0x83: {  	v28 =	vmul.f32 v44, v10;
	v46 =	vadd.f32 v60, v3;
	v45 =	vsub.f32 v21, v45  }
0x84: {  	v21 =	vmul.f32 v37, v5;
	v0 =	vlaneseq.u32;
	v38 =	vadd.f32 $6.253743650e+00, v38  }
0x85: {  	v54 =	vshll.u32 v54, $0x8;
	v51 =	vadd.f32 v51, v4;
	v56 =	vadd.f32 v23, v3  }
0x86: {  	[tilespmem:$0x1FFD0] =	vst v3;
	v40 =	vadd.f32 v61, v12;
	v23 =	vmul.f32 v44, v11;
	v62 =	vadd.f32 $1.258291200e+07, v46  }
0x87: {  	v44 =	vld.idx.msk [tilespmem:v1+s25+$0x0], $0xffff;
	[tilespmem:$0x1FFE0] =	vst v5;
	v50 =	vadd.f32 $-3.916185000e+01, v50;
	v38 =	vmul.f32 v38, v42;
	v42 =	vmul.f32 v37, v9  }
0x88: {  	v43 =	vmul.f32 v63, v47;
	[tilespmem:s12+$0x10] =	vst v25;
	v25 =	vmul.f32 $5.702565000e+01, v41;
	v49 =	vadd.f32 $-1.258291200e+07, v62  }
0x89: {  	v47 =	vmul.f32 v37, v10;
	v58 =	vld.idx.msk [tilespmem:v22+s18+$0x0], $0xffff;
	v57 =	vadd.f32 $1.258291200e+07, v56;
	v42 =	vadd.f32 v42, v13  }
0x8a: {  	v48 =	vmul.f32 v50, v48;
	v25 =	vadd.f32 $-3.916185000e+01, v25;
	v46 =	vsub.f32 v46, v49  }
0x8b: {  	v60 =	vmul.f32 v45, v45;
	v49 =	vadd.f32 v21, v12;
	v21 =	vadd.f32 $-3.916185000e+01, v59  }
0x8c: {  	v61 =	vmul.f32 v36, v36;
	v57 =	vadd.f32 $-1.258291200e+07, v57;
	v48 =	vadd.f32 $6.253743650e+00, v48  }
0x8d: {  	v44 =	vadd.f32 v24, v44;
	v41 =	vmul.f32 v25, v41;
	v25 =	vadd.f32 $6.253743650e+00, v43  }
0x8e: {  	v24 =	vld.idx.msk [tilespmem:v2+s25+$0x0], $0xffff;
	v59 =	vmul.f32 v46, v46;
	v50 =	vshll.u32 v58, $0x8;
	v58 =	vadd.f32 $1.258291200e+07, v51  }
0x8f: {  	v56 =	vsub.f32 v56, v57;
	v57 =	vmul.f32 $5.702565000e+01, v60;
	v53 =	vmul.f32 v21, v53  }
0x90: {  	v21 =	vor.u32 v0, v50;
	v41 =	vadd.f32 $6.253743650e+00, v41;
	v62 =	vmul.f32 $5.702565000e+01, v59  }
0x91: {  	v50 =	vadd.f32 $-1.258291200e+07, v58;
	v63 =	vadd.f32 $6.253743650e+00, v53;
	v53 =	vmul.f32 v37, v7  }
0x92: {  	v37 =	vmul.f32 v37, v11;
	v58 =	vadd.f32 $-3.916185000e+01, v62;
	v62 =	vmul.f32 $5.702565000e+01, v61  }
0x93: {  	v24 =	vadd.f32 v34, v24;
	v34 =	vmul.f32 v63, v26;
	v53 =	vadd.f32 v53, v4  }
0x94: {  	v26 =	vadd.f32 $-3.916185000e+01, v57;
	v58 =	vmul.f32 v58, v59;
	v59 =	vadd.f32 $1.258291200e+07, v49  }
0x95: {  	[tilespmem:$0x1FFF0] =	vst v4;
	v33 =	vmul.f32 v48, v33;
	v37 =	vadd.f32 v37, v17;
	v55 =	vadd.f32 $1.258291200e+07, v53  }
0x96: {  	[tilespmem:s11+$0x20] =	vst v44;
	v63 =	vmul.f32 v56, v56;
	v62 =	vadd.f32 $-3.916185000e+01, v62;
	v57 =	vadd.f32 $-1.258291200e+07, v59  }
0x97: {  	[tilespmem:s12+$0x20] =	vst v24;
	v24 =	vor.u32 v0, v54;
	v54 =	vadd.f32 $6.253743650e+00, v58;
	v59 =	vadd.f32 $6.253743650e+00, v30  }
0x98: {  	v44 =	vld.idx.msk [tilespmem:v2+s26+$0x0], $0xffff;
	v58 =	vmul.f32 v26, v60;
	v26 =	vsub.f32 v39, v27;
	v30 =	vadd.f32 v28, v14  }
0x99: {  	v60 =	vld.idx.msk [tilespmem:v1+s26+$0x0], $0xffff;
	v28 =	vmul.f32 v62, v61;
	v43 =	vsub.f32 v49, v57;
	v49 =	vmul.f32 $5.702565000e+01, v63  }
0x9a: {  	v39 =	vmul.f32 $5.702565000e+01, v35;
	v57 =	vadd.f32 $-1.258291200e+07, v55;
	v55 =	vsub.f32 v51, v50  }
0x9b: {  	v27 =	vmul.f32 v26, v26;
	v28 =	vadd.f32 $6.253743650e+00, v28;
	v49 =	vadd.f32 $-3.916185000e+01, v49  }
0x9c: {  	v54 =	vmul.f32 v54, v46;
	v51 =	vsub.f32 v53, v57;
	v57 =	vadd.f32 $-3.916185000e+01, v39  }
0x9d: {  	v50 =	vmul.f32 v43, v43;
	v53 =	vld.idx.msk [tilespmem:v31+s4+$0x0], $0xffff;
	v38 =	vadd.f32 v38, v44;
	v39 =	vadd.f32 $1.258291200e+07, v40  }
0x9e: {  	v61 =	vmul.f32 v55, v55;
	v44 =	vadd.f32 $6.253743650e+00, v58;
	v58 =	vadd.f32 v34, v60  }
0x9f: {  	v31 =	vmul.f32 v51, v51;
	v46 =	vmul.f32 v49, v63;
	v39 =	vadd.f32 $-1.258291200e+07, v39  }
0xa0: {  	v44 =	vmul.f32 v44, v45;
	v45 =	vmul.f32 $5.702565000e+01, v50;
	v63 =	vadd.f32 v52, v13  }
0xa1: {  	[tilespmem:s12+$0x30] =	vst v38;
	v34 =	vmul.f32 $5.702565000e+01, v31;
	v38 =	vsub.f32 v40, v39;
	v46 =	vadd.f32 $6.253743650e+00, v46  }
0xa2: {  	v40 =	vld.idx.msk [tilespmem:v2+s28+$0x0], $0xffff;
	v45 =	vadd.f32 $-3.916185000e+01, v45;
	v52 =	vmul.f32 v53, v15;
	v62 =	vmul.f32 v53, v16  }
0xa3: {  	v34 =	vadd.f32 $-3.916185000e+01, v34;
	v46 =	vmul.f32 v46, v56;
	v56 =	vmul.f32 $5.702565000e+01, v61  }
0xa4: {  	v60 =	vadd.f32 $1.258291200e+07, v30;
	[tilespmem:s11+$0x30] =	vst v58;
	v58 =	vmul.f32 v38, v38;
	v45 =	vmul.f32 v45, v50  }
0xa5: {  	v50 =	vld.idx.msk [tilespmem:v1+s28+$0x0], $0xffff;
	v39 =	vadd.f32 v63, v52;
	v34 =	vmul.f32 v34, v31;
	v31 =	vadd.f32 v47, v14  }
0xa6: {  	v28 =	vmul.f32 v28, v36;
	v47 =	vadd.f32 v62, v18;
	v63 =	vadd.f32 $-3.916185000e+01, v56  }
0xa7: {  	v52 =	vld.idx.msk [tilespmem:v21+s23+$0x0], $0xffff;
	v56 =	vmul.f32 $5.702565000e+01, v58;
	v45 =	vadd.f32 $6.253743650e+00, v45;
	v40 =	vadd.f32 v44, v40  }
0xa8: {  	v62 =	vld.idx.msk [tilespmem:v22+s4+$0x0], $0xffff;
	v49 =	vadd.f32 $6.253743650e+00, v34;
	v34 =	vmul.f32 v41, v29;
	v41 =	vadd.f32 $1.258291200e+07, v31  }
0xa9: {  	v22 =	vadd.f32 $1.258291200e+07, v47;
	v63 =	vmul.f32 v63, v61;
	[tilespmem:s12+$0x40] =	vst v40;
	v40 =	vmul.f32 v59, v6  }
0xaa: {  	v28 =	vadd.f32 v28, v50;
	v29 =	vmul.f32 v49, v51;
	v51 =	vmul.f32 v57, v35  }
0xab: {  	v57 =	vmul.f32 $5.702565000e+01, v27;
	v35 =	vmul.f32 v53, v20;
	v22 =	vadd.f32 $-1.258291200e+07, v22  }
0xac: {  	v53 =	vadd.f32 v54, v52;
	v49 =	vadd.f32 $1.258291200e+07, v37;
	v52 =	vmul.f32 v45, v43  }
0xad: {  	s7 =	simm.s32 $0x200;
	v61 =	vmul.f32 v62, v15;
	v22 =	vsub.f32 v47, v22;
	v47 =	vadd.f32 $1.258291200e+07, v39  }
0xae: {  	s13 =	simm.s32 $0x100;
	s14 =	sand.u32 $0xF800, s7;
	v54 =	vmul.f32 v62, v16;
	v36 =	vadd.f32 v35, v8;
	v50 =	vadd.f32 $6.253743650e+00, v51  }
0xaf: {  	s15 =	sand.u32 $0x300, s13;
	s3 =	sadd.s32 $0x9A00, s14;
	[tilespmem:s11+$0x40] =	vst v28;
	v28 =	vadd.f32 $-3.916185000e+01, v57;
	v57 =	vadd.f32 $-1.258291200e+07, v60;
	v35 =	vmul.f32 v22, v22  }
0xb0: {  	s14 =	sadd.s32 s15, s3;
	v48 =	vld.idx.msk [tilespmem:v2+s29+$0x0], $0xffff;
	v44 =	vadd.f32 v42, v61;
	v42 =	vmul.f32 v62, v20;
	v62 =	vadd.f32 $-3.916185000e+01, v56  }
0xb1: {  	s15 =	simm.s32 $0x180;
	[tilespmem:s14+$0x0] =	vst v53;
	v61 =	vadd.f32 $6.253743650e+00, v63;
	v56 =	vld.idx.msk [tilespmem:v24+s23+$0x0], $0xffff;
	v50 =	vmul.f32 v50, v32;
	v63 =	vmul.f32 $5.702565000e+01, v35  }
0xb2: {  	s9 =	sand.u32 $0x380, s15;
	v51 =	vadd.f32 $-1.258291200e+07, v47;
	v47 =	vadd.f32 v54, v18;
	v54 =	vld.idx.msk [tilespmem:v21+s24+$0x0], $0xffff;
	v53 =	vmul.f32 v62, v58  }
0xb3: {  	s2 =	simm.s32 $0x2;
	s13 =	sadd.s32 s9, s3;
	v32 =	vld.idx.msk [tilespmem:v1+s29+$0x0], $0xffff;
	v43 =	vmul.f32 v61, v55;
	v55 =	vadd.f32 $1.258291200e+07, v44;
	v45 =	vadd.f32 $-3.916185000e+01, v63  }
.LBB2_3:
0xb4: {  	v25 =	vmul.f32 v25, v19;
	v58 =	vadd.f32 $1.258291200e+07, v36  }
0xb5: {  	s3 =	sadd.s32 s2, s8;
	v19 =	vadd.f32 $1.258291200e+07, v47;
	v62 =	vmul.f32 v28, v27;
	v28 =	vsub.f32 v39, v51  }
0xb6: {  	s9 =	sadd.s32 $0x2, s3;
	v61 =	vadd.f32 $-1.258291200e+07, v55;
	v30 =	vsub.f32 v30, v57  }
0xb7: {  	v59 =	vadd.f32 $-1.258291200e+07, v41;
	v63 =	vmov s9;
	v52 =	vadd.f32 v52, v54  }
0xb8: {  	s3 =	sadd.s32 $0x3, s3;
	v60 =	vand.u32 $0xFFFFFFFE, v63;
	v63 =	vadd.f32 $-1.258291200e+07, v19;
	v48 =	vadd.f32 v48, v50  }
0xb9: {  	v27 =	vmov s3;
	v46 =	vadd.f32 v46, v56;
	v34 =	vadd.f32 v32, v34  }
0xba: {  	v50 =	vadd.f32 $6.253743650e+00, v62;
	v39 =	vbroadcast v60, $0x0;
	v62 =	vadd.f32 $-1.258291200e+07, v58  }
0xbb: {  	v0 =	vld [tilespmem:$0x1FFC0];
	v32 =	vmul.f32 v28, v28;
	v56 =	vmul.f32 v30, v30;
	[tilespmem:s11+$0x50] =	vst v34;
	v34 =	vsub.f32 v44, v61  }
0xbc: {  	v3 =	vld [tilespmem:$0x1FFF0];
	[tilespmem:s12+$0x50] =	vst v48;
	v50 =	vmul.f32 v50, v26;
	v26 =	vadd.f32 v42, v8;
	v19 =	vsub.f32 v36, v62  }
0xbd: {  	v42 =	vmul.f32 v45, v35;
	v35 =	vsub.f32 v47, v63;
	v61 =	vadd.f32 $6.253743650e+00, v53;
	v51 =	vld.idx.msk [tilespmem:v2+s30+$0x0], $0xffff;
	[tilespmem:s13+$0x0] =	vst v46  }
0xbe: {  	v60 =	vmul.f32 $5.702565000e+01, v56;
	v48 =	vsub.f32 v31, v59;
	v58 =	vld.idx.msk [tilespmem:v1+s30+$0x0], $0xffff;
	[tilespmem:s14+$0x10] =	vst v52;
	v52 =	vadd.f32 v23, v17  }
0xbf: {  	v23 =	vadd.f32 $-1.258291200e+07, v49;
	v45 =	vld.idx.msk [tilespmem:v27+s16+$0x0], $0xffff;
	v41 =	vmul.f32 v34, v34;
	v53 =	vmul.f32 v19, v19  }
0xc0: {  	v55 =	vld.idx.msk [tilespmem:v24+s24+$0x0], $0xffff;
	v47 =	vadd.f32 $-3.916185000e+01, v60;
	v49 =	vmul.f32 v35, v35;
	v59 =	vadd.f32 $1.258291200e+07, v26  }
0xc1: {  	v38 =	vmul.f32 v61, v38;
	v62 =	vadd.f32 $1.258291200e+07, v52;
	v36 =	vld.idx.msk [tilespmem:v39+s16+$0x0], $0xffff;
	v63 =	vmul.f32 $5.702565000e+01, v53  }
0xc2: {  	v4 =	vld [tilespmem:$0x1FFE0];
	v54 =	vmul.f32 $5.702565000e+01, v49;
	v59 =	vadd.f32 $-1.258291200e+07, v59;
	v40 =	vadd.f32 v51, v40  }
0xc3: {  	v47 =	vmul.f32 v47, v56;
	v44 =	vadd.f32 v58, v33;
	v33 =	vsub.f32 v37, v23  }
0xc4: {  	v51 =	vadd.f32 $-3.916185000e+01, v63;
	v54 =	vadd.f32 $-3.916185000e+01, v54;
	v60 =	vmul.f32 v45, v7  }
0xc5: {  	v26 =	vsub.f32 v26, v59;
	v31 =	vmul.f32 v45, v9;
	v38 =	vadd.f32 v38, v55  }
0xc6: {  	v57 =	vmul.f32 v45, v0;
	[tilespmem:s12+$0x60] =	vst v40;
	v40 =	vadd.f32 v60, v3;
	v60 =	vmul.f32 v36, v0;
	v0 =	vld [tilespmem:$0x1FFD0]  }
0xc7: {  	v47 =	vadd.f32 $6.253743650e+00, v47;
	v23 =	vmul.f32 v45, v4;
	v58 =	vmul.f32 v45, v10;
	[tilespmem:s11+$0x60] =	vst v44;
	v55 =	vld.idx.msk [tilespmem:v2+s31+$0x0], $0xffff  }
0xc8: {  	v51 =	vmul.f32 v51, v53;
	v49 =	vmul.f32 v54, v49;
	[tilespmem:s13+$0x10] =	vst v38;
	v38 =	vadd.f32 $-1.258291200e+07, v62;
	v44 =	vld.idx.msk [tilespmem:v1+s31+$0x0], $0xffff  }
0xc9: {  	v6 =	vlaneseq.u32;
	v2 =	vmovc v24;
	v24 =	vmul.f32 v48, v48;
	v1 =	vmovc v21;
	v37 =	vadd.f32 v23, v12;
	v21 =	vld.idx.msk [tilespmem:v21+s25+$0x0], $0xffff  }
0xca: {  	v23 =	vmul.f32 v45, v11;
	v63 =	vmul.f32 v36, v7;
	v46 =	vld.idx.msk [tilespmem:v27+s18+$0x0], $0xffff;
	v38 =	vsub.f32 v52, v38  }
0xcb: {  	v49 =	vadd.f32 $6.253743650e+00, v49;
	v52 =	vmul.f32 v36, v4;
	v45 =	vadd.f32 v60, v0  }
0xcc: {  	v53 =	vmul.f32 v38, v38;
	v57 =	vadd.f32 v57, v0;
	v25 =	vadd.f32 v55, v25;
	v55 =	vld.idx.msk [tilespmem:v39+s18+$0x0], $0xffff  }
0xcd: {  	v60 =	vmul.f32 $5.702565000e+01, v24;
	v44 =	vadd.f32 v44, v50;
	v61 =	vadd.f32 $1.258291200e+07, v45  }
0xce: {  	v50 =	vmul.f32 v36, v10;
	v21 =	vadd.f32 v29, v21;
	v56 =	vadd.f32 $1.258291200e+07, v57;
	[tilespmem:s12+$0x70] =	vst v25  }
0xcf: {  	v29 =	vmul.f32 v33, v33;
	v46 =	vshll.u32 v46, $0x8;
	v62 =	vld.idx.msk [tilespmem:v2+s25+$0x0], $0xffff;
	v25 =	vadd.f32 $-1.258291200e+07, v61  }
0xd0: {  	[tilespmem:s11+$0x70] =	vst v44;
	v44 =	vadd.f32 v52, v12;
	v61 =	vmul.f32 $5.702565000e+01, v41;
	v54 =	vadd.f32 $-1.258291200e+07, v56  }
0xd1: {  	v52 =	vshll.u32 v55, $0x8;
	v45 =	vsub.f32 v45, v25;
	v25 =	vadd.f32 $-3.916185000e+01, v60  }
0xd2: {  	s11 =	smov.u32 s14;
	v55 =	vadd.f32 $-3.916185000e+01, v61;
	v60 =	vadd.f32 $1.258291200e+07, v40;
	v61 =	vmul.f32 $5.702565000e+01, v53  }
0xd3: {  	[tilespmem:s11+$0x20] =	vst v21;
	v21 =	vor.u32 v6, v52;
	v52 =	vsub.f32 v57, v54;
	v54 =	vmul.f32 $5.702565000e+01, v29  }
0xd4: {  	v56 =	vmul.f32 v45, v45;
	v60 =	vadd.f32 $-1.258291200e+07, v60;
	v43 =	vadd.f32 v43, v62  }
0xd5: {  	s12 =	smov.u32 s13;
	v62 =	vadd.f32 $1.258291200e+07, v44;
	v24 =	vmul.f32 v25, v24;
	v55 =	vmul.f32 v55, v41  }
0xd6: {  	v57 =	vmul.f32 $5.702565000e+01, v56;
	[tilespmem:s12+$0x20] =	vst v43;
	v43 =	vadd.f32 $-3.916185000e+01, v61;
	v61 =	vadd.f32 v63, v3  }
0xd7: {  	v63 =	vmul.f32 v36, v9;
	v24 =	vadd.f32 $6.253743650e+00, v24;
	v59 =	vsub.f32 v40, v60  }
0xd8: {  	v60 =	vadd.f32 $1.258291200e+07, v37;
	v36 =	vmul.f32 v36, v11;
	v25 =	vadd.f32 $-3.916185000e+01, v57  }
0xd9: {  	v4 =	vadd.f32 $1.258291200e+07, v61;
	v48 =	vmul.f32 v24, v48;
	v24 =	vor.u32 v6, v46  }
0xda: {  	v41 =	vmul.f32 v43, v53;
	v43 =	vadd.f32 $6.253743650e+00, v42;
	v42 =	vadd.f32 $-3.916185000e+01, v54  }
0xdb: {  	v0 =	vld.idx.msk [tilespmem:v1+s26+$0x0], $0xffff;
	v46 =	vmul.f32 v47, v30;
	v30 =	vadd.f32 v58, v14;
	v6 =	vadd.f32 v31, v13  }
0xdc: {  	v57 =	vmul.f32 v52, v52;
	v31 =	vadd.f32 v50, v14;
	v60 =	vadd.f32 $-1.258291200e+07, v60  }
0xdd: {  	v5 =	vld.idx.msk [tilespmem:v2+s26+$0x0], $0xffff;
	v56 =	vmul.f32 v25, v56;
	v25 =	vadd.f32 $6.253743650e+00, v51;
	v51 =	vadd.f32 $-1.258291200e+07, v62  }
0xde: {  	v53 =	vld.idx.msk [tilespmem:v27+s4+$0x0], $0xffff;
	v27 =	vmul.f32 v26, v26;
	v62 =	vadd.f32 v63, v13;
	v4 =	vadd.f32 $-1.258291200e+07, v4  }
0xdf: {  	v63 =	vmul.f32 $5.702565000e+01, v57;
	v58 =	vadd.f32 $1.258291200e+07, v30;
	v41 =	vadd.f32 $6.253743650e+00, v41  }
0xe0: {  	v29 =	vmul.f32 v42, v29;
	v0 =	vadd.f32 v48, v0;
	v48 =	vadd.f32 $6.253743650e+00, v55  }
0xe1: {  	v55 =	vmul.f32 $5.702565000e+01, v27;
	v47 =	vadd.f32 $6.253743650e+00, v56;
	v56 =	vadd.f32 $-3.916185000e+01, v63  }
0xe2: {  	v3 =	vld.idx.msk [tilespmem:v21+s23+$0x0], $0xffff;
	v63 =	vsub.f32 v44, v51;
	v44 =	vmul.f32 $5.702565000e+01, v32;
	v4 =	vsub.f32 v61, v4  }
0xe3: {  	v5 =	vadd.f32 v46, v5;
	[tilespmem:s11+$0x30] =	vst v0;
	v0 =	vmul.f32 v41, v38;
	v38 =	vsub.f32 v37, v60  }
0xe4: {  	v37 =	vadd.f32 v36, v17;
	v46 =	vmul.f32 v53, v15;
	v36 =	vmul.f32 v53, v20  }
0xe5: {  	v41 =	vadd.f32 $1.258291200e+07, v31;
	v51 =	vmul.f32 v63, v63;
	v54 =	vmul.f32 v4, v4  }
0xe6: {  	v40 =	vadd.f32 $-3.916185000e+01, v44;
	v44 =	vmul.f32 v59, v59;
	v50 =	vmul.f32 v56, v57  }
0xe7: {  	v60 =	vadd.f32 $6.253743650e+00, v29;
	[tilespmem:s12+$0x30] =	vst v5;
	v42 =	vmul.f32 $5.702565000e+01, v51;
	v61 =	vmul.f32 $5.702565000e+01, v54  }
0xe8: {  	v57 =	vld.idx.msk [tilespmem:v39+s4+$0x0], $0xffff;
	v56 =	vmul.f32 v53, v16;
	v39 =	vadd.f32 v6, v46;
	v36 =	vadd.f32 v36, v8  }
0xe9: {  	v45 =	vmul.f32 v47, v45;
	v61 =	vadd.f32 $-3.916185000e+01, v61;
	v5 =	vadd.f32 $-3.916185000e+01, v42;
	v42 =	vld.idx.msk [tilespmem:v2+s28+$0x0], $0xffff  }
0xea: {  	v34 =	vmul.f32 v48, v34;
	v50 =	vadd.f32 $6.253743650e+00, v50;
	v6 =	vadd.f32 v56, v18  }
0xeb: {  	v47 =	vmul.f32 $5.702565000e+01, v44;
	v3 =	vadd.f32 v45, v3;
	v61 =	vmul.f32 v61, v54  }
0xec: {  	v46 =	vmul.f32 v50, v52;
	v50 =	vadd.f32 $1.258291200e+07, v39;
	v56 =	vadd.f32 $1.258291200e+07, v6  }
0xed: {  	v52 =	vmul.f32 v57, v15;
	v5 =	vmul.f32 v5, v51;
	v54 =	vadd.f32 $6.253743650e+00, v61  }
0xee: {  	v61 =	vmul.f32 v57, v16;
	v0 =	vadd.f32 v0, v42;
	v42 =	vadd.f32 $-3.916185000e+01, v47  }
0xef: {  	s7 =	sadd.s32 $0x200, s7;
	v53 =	vld.idx.msk [tilespmem:v1+s28+$0x0], $0xffff;
	v51 =	vadd.f32 $-1.258291200e+07, v50;
	v29 =	vmul.f32 v54, v4;
	v4 =	vmul.f32 v38, v38  }
0xf0: {  	s15 =	sadd.s32 $0x100, s15;
	s9 =	sand.u32 $0xF800, s7;
	v54 =	vadd.f32 $-1.258291200e+07, v56;
	[tilespmem:s12+$0x40] =	vst v0;
	v0 =	vmul.f32 v40, v32;
	v32 =	vmul.f32 v42, v44  }
0xf1: {  	s14 =	sadd.s32 $0x9A00, s9;
	s9 =	sadd.s32 $0xFFFFFF80, s15;
	v5 =	vadd.f32 $6.253743650e+00, v5;
	v42 =	vmul.f32 v57, v20;
	v57 =	vmul.f32 v60, v33  }
0xf2: {  	s2 =	sadd.s32 $0x2, s2;
	s13 =	sand.u32 $0x380, s15;
	s3 =	sand.u32 $0x300, s9;
	v44 =	vadd.f32 v62, v52;
	v33 =	vmul.f32 v49, v35;
	v6 =	vsub.f32 v6, v54  }
0xf3: {  	p2 =	slt.u32 s2, $0x9E;
	s13 =	sadd.s32 s13, s14;
	s14 =	sadd.s32 s3, s14;
	v49 =	vadd.f32 $1.258291200e+07, v37;
	v40 =	vmul.f32 v43, v22;
	v47 =	vmul.f32 $5.702565000e+01, v4  }
.Ltmp0:
0xf4: {  	[tilespmem:s14+$0x0] =	vst v3;
	v60 =	vadd.f32 v57, v53;
	v3 =	vadd.f32 $6.253743650e+00, v32;
	v35 =	vmul.f32 v6, v6;
	(pc) =	sbr.rel @p2 .LBB2_3-.Ltmp0, $4  }
0xf5: {  	v52 =	vmul.f32 v5, v63;
	v48 =	vld.idx.msk [tilespmem:v2+s29+$0x0], $0xffff;
	v0 =	vadd.f32 $6.253743650e+00, v0;
	v57 =	vadd.f32 $-1.258291200e+07, v58  }
0xf6: {  	v56 =	vld.idx.msk [tilespmem:v24+s23+$0x0], $0xffff;
	v22 =	vmovc v6;
	v6 =	vadd.f32 $-3.916185000e+01, v47;
	v47 =	vadd.f32 v61, v18;
	v62 =	vmul.f32 $5.702565000e+01, v35  }
0xf7: {  	v54 =	vld.idx.msk [tilespmem:v21+s24+$0x0], $0xffff;
	[tilespmem:s11+$0x40] =	vst v60;
	v50 =	vmul.f32 v0, v28;
	v28 =	vadd.f32 $-3.916185000e+01, v55;
	v55 =	vadd.f32 $1.258291200e+07, v44  }
0xf8: {  	v43 =	vmul.f32 v3, v59;
	v32 =	vld.idx.msk [tilespmem:v1+s29+$0x0], $0xffff;
	v53 =	vmul.f32 v6, v4;
	v45 =	vadd.f32 $-3.916185000e+01, v62  }
0xf9: {  	_ =	sdelay $0x1  }
0xfa: {  	v0 =	vadd.f32 v46, v56;
	_ =	sdelay $0x1  }
0xfb: {  	[tilespmem:s13+$0x0] =	vst v0  }
0xfc: {  	v0 =	vld.idx.msk [tilespmem:v24+s24+$0x0], $0xffff  }
0xfd: {  	v3 =	vadd.f32 $6.253743650e+00, v53;
	_ =	sdelay $0x1  }
0xfe: {  	v3 =	vmul.f32 v3, v38;
	_ =	sdelay $0x1  }
0xff: {  	v0 =	vadd.f32 v3, v0  }
0x100: {  	v5 =	vadd.f32 $-1.258291200e+07, v41;
	v3 =	vadd.f32 v52, v54  }
0x101: {  	v4 =	vsub.f32 v30, v57;
	[tilespmem:s13+$0x10] =	vst v0  }
0x102: {  	v6 =	vadd.f32 v23, v17;
	[tilespmem:s14+$0x10] =	vst v3;
	v3 =	vsub.f32 v31, v5;
	v5 =	vld.idx.msk [tilespmem:v24+s25+$0x0], $0xffff  }
0x103: {  	v0 =	vmul.f32 v4, v4;
	v7 =	vld.idx.msk [tilespmem:v21+s25+$0x0], $0xffff  }
0x104: {  	v11 =	vadd.f32 $1.258291200e+07, v6;
	v10 =	vmul.f32 v3, v3  }
0x105: {  	v9 =	vmul.f32 $5.702565000e+01, v0  }
0x106: {  	v12 =	vadd.f32 $-1.258291200e+07, v49;
	v11 =	vadd.f32 $-1.258291200e+07, v11;
	v13 =	vmul.f32 $5.702565000e+01, v10  }
0x107: {  	v9 =	vadd.f32 $-3.916185000e+01, v9;
	v5 =	vadd.f32 v43, v5  }
0x108: {  	v7 =	vadd.f32 v29, v7;
	v13 =	vadd.f32 $-3.916185000e+01, v13  }
0x109: {  	v6 =	vsub.f32 v6, v11;
	v0 =	vmul.f32 v9, v0;
	[tilespmem:s13+$0x20] =	vst v5  }
0x10a: {  	v5 =	vsub.f32 v37, v12;
	[tilespmem:s14+$0x20] =	vst v7;
	v7 =	vmul.f32 v13, v10;
	v9 =	vld.idx.msk [tilespmem:v24+s26+$0x0], $0xffff  }
0x10b: {  	v10 =	vmul.f32 v6, v6;
	v0 =	vadd.f32 $6.253743650e+00, v0;
	v11 =	vld.idx.msk [tilespmem:v21+s26+$0x0], $0xffff  }
0x10c: {  	v12 =	vmul.f32 v5, v5;
	v7 =	vadd.f32 $6.253743650e+00, v7  }
0x10d: {  	v13 =	vmul.f32 $5.702565000e+01, v10;
	v0 =	vmul.f32 v0, v4  }
0x10e: {  	v4 =	vadd.f32 $-1.258291200e+07, v55;
	v14 =	vmul.f32 $5.702565000e+01, v12;
	v3 =	vmul.f32 v7, v3  }
0x10f: {  	v7 =	vadd.f32 $-3.916185000e+01, v13;
	v0 =	vadd.f32 v0, v9  }
0x110: {  	v9 =	vadd.f32 $-3.916185000e+01, v14;
	v3 =	vadd.f32 v3, v11  }
0x111: {  	v11 =	vsub.f32 v39, v51;
	v7 =	vmul.f32 v7, v10;
	[tilespmem:s13+$0x30] =	vst v0  }
0x112: {  	v0 =	vsub.f32 v44, v4;
	v4 =	vmul.f32 v9, v12;
	[tilespmem:s14+$0x30] =	vst v3;
	v3 =	vld.idx.msk [tilespmem:v24+s28+$0x0], $0xffff  }
0x113: {  	v9 =	vmul.f32 v11, v11;
	v7 =	vadd.f32 $6.253743650e+00, v7;
	v10 =	vld.idx.msk [tilespmem:v21+s28+$0x0], $0xffff  }
0x114: {  	v12 =	vadd.f32 $1.258291200e+07, v47;
	v13 =	vmul.f32 v0, v0;
	v4 =	vadd.f32 $6.253743650e+00, v4  }
0x115: {  	v14 =	vmul.f32 $5.702565000e+01, v9;
	v6 =	vmul.f32 v7, v6  }
0x116: {  	v7 =	vadd.f32 $-1.258291200e+07, v12;
	v12 =	vmul.f32 $5.702565000e+01, v13;
	v4 =	vmul.f32 v4, v5  }
0x117: {  	v5 =	vadd.f32 $-3.916185000e+01, v14;
	v3 =	vadd.f32 v6, v3  }
0x118: {  	v6 =	vadd.f32 $-3.916185000e+01, v12;
	v4 =	vadd.f32 v4, v10  }
0x119: {  	v7 =	vsub.f32 v47, v7;
	[tilespmem:s13+$0x40] =	vst v3;
	v3 =	vmul.f32 v5, v9  }
0x11a: {  	v8 =	vadd.f32 v42, v8;
	v6 =	vmul.f32 v6, v13;
	[tilespmem:s14+$0x40] =	vst v4;
	v9 =	vld.idx.msk [tilespmem:v24+s29+$0x0], $0xffff  }
0x11b: {  	v10 =	vmul.f32 v7, v7;
	v5 =	vadd.f32 $1.258291200e+07, v36;
	v12 =	vld.idx.msk [tilespmem:v21+s29+$0x0], $0xffff;
	v3 =	vadd.f32 $6.253743650e+00, v3  }
0x11c: {  	v4 =	vadd.f32 v48, v50;
	v6 =	vadd.f32 $6.253743650e+00, v6  }
0x11d: {  	v13 =	vadd.f32 v32, v34;
	v14 =	vmul.f32 $5.702565000e+01, v10;
	v3 =	vmul.f32 v3, v11  }
0x11e: {  	v5 =	vadd.f32 $-1.258291200e+07, v5;
	v11 =	vadd.f32 $1.258291200e+07, v8;
	v0 =	vmul.f32 v6, v0  }
0x11f: {  	[tilespmem:s12+$0x50] =	vst v4;
	v4 =	vadd.f32 $-3.916185000e+01, v14;
	v3 =	vadd.f32 v9, v3  }
0x120: {  	[tilespmem:s11+$0x50] =	vst v13;
	v6 =	vld.idx.msk [tilespmem:v2+s30+$0x0], $0xffff;
	v9 =	vadd.f32 $-1.258291200e+07, v11;
	v0 =	vadd.f32 v12, v0  }
0x121: {  	v5 =	vsub.f32 v36, v5;
	v11 =	vmul.f32 v45, v35;
	v12 =	vld.idx.msk [tilespmem:v1+s30+$0x0], $0xffff;
	[tilespmem:s13+$0x50] =	vst v3  }
0x122: {  	v3 =	vmul.f32 v4, v10;
	v4 =	vsub.f32 v8, v9;
	[tilespmem:s14+$0x50] =	vst v0;
	v8 =	vld.idx.msk [tilespmem:v24+s30+$0x0], $0xffff  }
0x123: {  	v0 =	vmul.f32 v5, v5;
	v9 =	vadd.f32 $6.253743650e+00, v11;
	v10 =	vld.idx.msk [tilespmem:v21+s30+$0x0], $0xffff  }
0x124: {  	v3 =	vadd.f32 $6.253743650e+00, v3;
	v11 =	vmul.f32 v4, v4  }
0x125: {  	v6 =	vadd.f32 v6, v40;
	v13 =	vmul.f32 $5.702565000e+01, v0;
	v9 =	vmul.f32 v9, v22  }
0x126: {  	v12 =	vadd.f32 v12, v33;
	v14 =	vmul.f32 $5.702565000e+01, v11;
	v3 =	vmul.f32 v3, v7  }
0x127: {  	[tilespmem:s12+$0x60] =	vst v6;
	v6 =	vadd.f32 $-3.916185000e+01, v13;
	v7 =	vadd.f32 v8, v9  }
0x128: {  	v2 =	vld.idx.msk [tilespmem:v2+s31+$0x0], $0xffff;
	[tilespmem:s11+$0x60] =	vst v12;
	v8 =	vmul.f32 v28, v27;
	v9 =	vadd.f32 $-3.916185000e+01, v14;
	v3 =	vadd.f32 v10, v3  }
0x129: {  	v1 =	vld.idx.msk [tilespmem:v1+s31+$0x0], $0xffff;
	v0 =	vmul.f32 v6, v0;
	[tilespmem:s13+$0x60] =	vst v7  }
0x12a: {  	v6 =	vadd.f32 $6.253743650e+00, v8;
	v7 =	vmul.f32 v9, v11;
	[tilespmem:s14+$0x60] =	vst v3;
	v8 =	vld.idx.msk [tilespmem:v24+s31+$0x0], $0xffff  }
0x12b: {  	v3 =	vmul.f32 v25, v19;
	v0 =	vadd.f32 $6.253743650e+00, v0;
	v9 =	vld.idx.msk [tilespmem:v21+s31+$0x0], $0xffff  }
0x12c: {  	v6 =	vmul.f32 v6, v26;
	v7 =	vadd.f32 $6.253743650e+00, v7  }
0x12d: {  	v2 =	vadd.f32 v2, v3;
	v0 =	vmul.f32 v0, v5  }
0x12e: {  	v1 =	vadd.f32 v1, v6;
	v3 =	vmul.f32 v7, v4  }
0x12f: {  	[tilespmem:s12+$0x70] =	vst v2;
	v0 =	vadd.f32 v8, v0  }
0x130: {  	[tilespmem:s11+$0x70] =	vst v1;
	v1 =	vadd.f32 v9, v3  }
0x131: {  	[tilespmem:s13+$0x70] =	vst v0  }
0x132: {  	[tilespmem:s14+$0x70] =	vst v1  }
0x133: {  	v3 =	vld [tilespmem:$0x3580]  }
0x134: {  	s2 =	sadd.s32 $0xFFFFFFFE, s8;
	v4 =	vld [tilespmem:$0x3590]  }
0x135: {  	s3 =	sadd.s32 $0x2, s2;
	s2 =	sadd.s32 $0x3, s2;
	v5 =	vld [tilespmem:$0x35B0]  }
0x136: {  	v1 =	vmov s2;
	v6 =	vld [tilespmem:$0x35C0]  }
0x137: {  	v0 =	vmov s3;
	v7 =	vld [tilespmem:$0x3380]  }
0x138: {  	v0 =	vand.u32 $0xFFFFFFFE, v0;
	v8 =	vld [tilespmem:$0x3390]  }
0x139: {  	v9 =	vld [tilespmem:$0x34B0];
	v0 =	vbroadcast v0, $0x0  }
0x13a: {  	v10 =	vld [tilespmem:$0x34C0]  }
0x13b: {  	v2 =	vld.idx.msk [tilespmem:v1+s4+$0x0], $0xffff  }
0x13c: {  	v22 =	vld.idx.msk [tilespmem:v1+s17+$0x0], $0xffff  }
0x13d: {  	v11 =	vld [tilespmem:$0x33A0]  }
0x13e: {  	s12 =	simm.s32 $0x0;
	v13 =	vld [tilespmem:$0x35A0]  }
0x13f: {  	s2 =	sand.u32 $0xF800, s12;
	s13 =	simm.s32 $0x0;
	v16 =	vld.idx.msk [tilespmem:v0+s4+$0x0], $0xffff  }
0x140: {  	s14 =	simm.s32 $0x80;
	s2 =	sadd.s32 $0x9A00, s2;
	s3 =	sand.u32 $0x300, s13;
	v18 =	vld.idx.msk [tilespmem:v0+s17+$0x0], $0xffff;
	v14 =	vmul.f32 v2, v7  }
0x141: {  	s15 =	sadd.s32 $0x0, s8;
	v53 =	vlaneseq.u32;
	s11 =	sadd.s32 s3, s2;
	s3 =	sand.u32 $0x380, s14;
	v15 =	vmul.f32 v2, v8;
	v19 =	vmul.f32 v22, v9  }
0x142: {  	s12 =	sadd.s32 s3, s2;
	s2 =	sadd.s32 $0x3, s15;
	v21 =	vmul.f32 v22, v10;
	v2 =	vmul.f32 v2, v11;
	v20 =	vadd.f32 v14, v3  }
0x143: {  	v12 =	vld [tilespmem:$0x34D0];
	v38 =	vmov s2;
	v23 =	vadd.f32 v15, v4;
	v26 =	vadd.f32 v19, v5  }
0x144: {  	v21 =	vadd.f32 v21, v6;
	v62 =	vadd.f32 v2, v13;
	v17 =	vmul.f32 v16, v7  }
0x145: {  	v1 =	vld.idx.msk [tilespmem:v1+s18+$0x0], $0xffff;
	v24 =	vmul.f32 v18, v9;
	v19 =	vmul.f32 v16, v8;
	v25 =	vadd.f32 $1.258291200e+07, v20  }
0x146: {  	v14 =	vld [tilespmem:$0x34A0];
	v16 =	vmul.f32 v16, v11;
	v27 =	vadd.f32 $1.258291200e+07, v23;
	v55 =	vadd.f32 $1.258291200e+07, v26  }
0x147: {  	v0 =	vld.idx.msk [tilespmem:v0+s18+$0x0], $0xffff;
	v61 =	vmul.f32 v18, v10;
	v17 =	vadd.f32 v17, v3;
	v31 =	vadd.f32 v19, v4  }
0x148: {  	v63 =	vmul.f32 v22, v12;
	v15 =	vld [tilespmem:$0x34E0];
	v2 =	vadd.f32 v16, v13;
	v24 =	vadd.f32 v24, v5  }
0x149: {  	v29 =	vmul.f32 v18, v12;
	v48 =	vadd.f32 v61, v6;
	v27 =	vadd.f32 $-1.258291200e+07, v27  }
0x14a: {  	v16 =	vshll.u32 v1, $0x8;
	v40 =	vadd.f32 $-1.258291200e+07, v55;
	v28 =	vadd.f32 $1.258291200e+07, v17  }
0x14b: {  	v30 =	vmul.f32 v18, v14;
	v1 =	vadd.f32 $1.258291200e+07, v31;
	v23 =	vsub.f32 v23, v27  }
0x14c: {  	v0 =	vshll.u32 v0, $0x8;
	v26 =	vsub.f32 v26, v40;
	v28 =	vadd.f32 $-1.258291200e+07, v28  }
0x14d: {  	v19 =	vmul.f32 v22, v15;
	v30 =	vadd.f32 v2, v30;
	v27 =	vadd.f32 $-1.258291200e+07, v1  }
0x14e: {  	v1 =	vor.u32 v53, v0;
	v0 =	vadd.f32 $1.258291200e+07, v24;
	v2 =	vor.u32 v53, v16  }
0x14f: {  	v47 =	vmul.f32 v23, v23;
	v40 =	vmul.f32 v26, v26;
	v28 =	vsub.f32 v17, v28  }
0x150: {  	v16 =	vld [tilespmem:$0x34F0];
	v17 =	vadd.f32 $-1.258291200e+07, v25;
	v25 =	vmul.f32 v22, v14;
	v27 =	vsub.f32 v31, v27  }
0x151: {  	v31 =	vadd.f32 $1.258291200e+07, v30;
	v0 =	vadd.f32 $-1.258291200e+07, v0;
	v56 =	vmul.f32 $5.702565000e+01, v47  }
0x152: {  	v43 =	vmul.f32 v28, v28;
	v20 =	vsub.f32 v20, v17;
	v25 =	vadd.f32 v62, v25  }
0x153: {  	v31 =	vadd.f32 $-1.258291200e+07, v31;
	v52 =	vmul.f32 v27, v27;
	v0 =	vsub.f32 v24, v0  }
0x154: {  	v24 =	vadd.f32 $1.258291200e+07, v21;
	v44 =	vmul.f32 $5.702565000e+01, v43;
	v45 =	vmul.f32 v20, v20  }
0x155: {  	v58 =	vadd.f32 $-3.916185000e+01, v56;
	v22 =	vmul.f32 v22, v16;
	v46 =	vadd.f32 $1.258291200e+07, v25  }
0x156: {  	v57 =	vmul.f32 $5.702565000e+01, v52;
	v17 =	vadd.f32 $-3.916185000e+01, v44;
	v51 =	vmul.f32 $5.702565000e+01, v45  }
0x157: {  	v30 =	vsub.f32 v30, v31;
	v42 =	vadd.f32 $-1.258291200e+07, v24;
	v24 =	vmul.f32 v58, v47  }
0x158: {  	v35 =	vadd.f32 $-1.258291200e+07, v46;
	v34 =	vmul.f32 v17, v43;
	v17 =	vld [tilespmem:$0x35D0];
	v37 =	vadd.f32 $-3.916185000e+01, v51  }
0x159: {  	v54 =	vld.idx.msk [tilespmem:v1+s1+$0x0], $0xffff;
	v61 =	vmul.f32 v0, v0;
	v59 =	vadd.f32 $-3.916185000e+01, v57;
	v24 =	vadd.f32 $6.253743650e+00, v24  }
0x15a: {  	v25 =	vsub.f32 v25, v35;
	v34 =	vadd.f32 $6.253743650e+00, v34;
	v32 =	vmul.f32 v37, v45  }
0x15b: {  	v43 =	vmul.f32 v18, v16;
	v51 =	vadd.f32 $1.258291200e+07, v48;
	v37 =	vmul.f32 v18, v15  }
0x15c: {  	v60 =	vld.idx.msk [tilespmem:v2+s1+$0x0], $0xffff;
	v39 =	vmul.f32 v25, v25;
	v28 =	vmul.f32 v34, v28;
	v32 =	vadd.f32 $6.253743650e+00, v32  }
0x15d: {  	v18 =	vld [tilespmem:$0x35E0];
	v34 =	vmul.f32 v59, v52;
	v52 =	vmul.f32 $5.702565000e+01, v40;
	v31 =	vadd.f32 v63, v17  }
0x15e: {  	v59 =	vmul.f32 $5.702565000e+01, v39;
	v29 =	vadd.f32 v29, v17;
	v28 =	vadd.f32 v28, v54  }
0x15f: {  	v63 =	vmul.f32 v30, v30;
	v62 =	vadd.f32 $6.253743650e+00, v34;
	v54 =	vadd.f32 $-1.258291200e+07, v51  }
0x160: {  	v32 =	vmul.f32 v32, v20;
	v55 =	vadd.f32 $-3.916185000e+01, v52;
	v36 =	vadd.f32 $-3.916185000e+01, v59  }
0x161: {  	v24 =	vmul.f32 v24, v23;
	v35 =	vadd.f32 $1.258291200e+07, v31;
	v56 =	vadd.f32 $1.258291200e+07, v29  }
0x162: {  	v20 =	vld [tilespmem:$0x35F0];
	v50 =	vmul.f32 $5.702565000e+01, v63;
	v37 =	vadd.f32 v37, v18;
	[tilespmem:s11+$0x400] =	vst v28;
	v28 =	vadd.f32 v32, v60  }
0x163: {  	v27 =	vmul.f32 v62, v27;
	v32 =	vsub.f32 v48, v54;
	v58 =	vmul.f32 v55, v40  }
0x164: {  	v48 =	vmul.f32 v36, v39;
	v39 =	vsub.f32 v21, v42;
	v49 =	vld.idx.msk [tilespmem:v1+s0+$0x0], $0xffff;
	v41 =	vadd.f32 $-3.916185000e+01, v50;
	[tilespmem:s12+$0x400] =	vst v28  }
0x165: {  	v23 =	vadd.f32 $-1.258291200e+07, v56;
	v51 =	vadd.f32 $-1.258291200e+07, v35;
	v60 =	vmul.f32 v32, v32;
	v57 =	vld.idx.msk [tilespmem:v2+s0+$0x0], $0xffff  }
0x166: {  	v50 =	vadd.f32 $6.253743650e+00, v48;
	v42 =	vmul.f32 v39, v39;
	v28 =	vmul.f32 v41, v63  }
0x167: {  	v22 =	vadd.f32 v22, v20;
	v23 =	vsub.f32 v29, v23;
	v62 =	vmul.f32 $5.702565000e+01, v60  }
0x168: {  	v29 =	vadd.f32 $6.253743650e+00, v58;
	v63 =	vmul.f32 $5.702565000e+01, v61;
	v28 =	vadd.f32 $6.253743650e+00, v28  }
0x169: {  	v25 =	vmul.f32 v50, v25;
	v27 =	vadd.f32 v27, v49;
	v47 =	vadd.f32 $-3.916185000e+01, v62  }
0x16a: {  	v28 =	vmul.f32 v28, v30;
	v30 =	vadd.f32 $1.258291200e+07, v37;
	v24 =	vadd.f32 v24, v57  }
0x16b: {  	v55 =	vadd.f32 v43, v20;
	v44 =	vmul.f32 v23, v23;
	v26 =	vmul.f32 v29, v26;
	[tilespmem:s11+$0x410] =	vst v27  }
0x16c: {  	v57 =	vsub.f32 v31, v51;
	v30 =	vadd.f32 $-1.258291200e+07, v30;
	v31 =	vld.idx.msk [tilespmem:v1+s19+$0x0], $0xffff;
	[tilespmem:s12+$0x410] =	vst v24;
	v24 =	vmul.f32 v47, v60  }
0x16d: {  	s7 =	sadd.s32 $0x2, s15;
	v41 =	vld.idx.msk [tilespmem:v38+s4+$0x0], $0xffff;
	v49 =	vadd.f32 $-3.916185000e+01, v63;
	v52 =	vmul.f32 $5.702565000e+01, v44;
	v27 =	vadd.f32 $1.258291200e+07, v55  }
0x16e: {  	v54 =	vld.idx.msk [tilespmem:v2+s19+$0x0], $0xffff;
	v56 =	vadd.f32 $6.253743650e+00, v24;
	v24 =	vsub.f32 v37, v30;
	v30 =	vmov s7  }
0x16f: {  	v36 =	vmul.f32 v49, v61;
	v29 =	vand.u32 $0xFFFFFFFE, v30;
	v30 =	vadd.f32 v19, v18  }
0x170: {  	v34 =	vmul.f32 v57, v57;
	v19 =	vadd.f32 $-1.258291200e+07, v27;
	v27 =	vadd.f32 $1.258291200e+07, v22  }
0x171: {  	v37 =	vbroadcast v29, $0x0;
	v28 =	vadd.f32 v28, v31;
	v31 =	vadd.f32 $6.253743650e+00, v36  }
0x172: {  	v29 =	vmul.f32 $5.702565000e+01, v34;
	v58 =	vadd.f32 $1.258291200e+07, v30;
	v19 =	vsub.f32 v55, v19  }
0x173: {  	v27 =	vadd.f32 $-1.258291200e+07, v27;
	v55 =	vmul.f32 v41, v7;
	v25 =	vadd.f32 v25, v54  }
0x174: {  	v21 =	vadd.f32 $-3.916185000e+01, v29;
	v29 =	vmul.f32 v24, v24;
	[tilespmem:s11+$0x420] =	vst v28;
	v28 =	vmul.f32 $5.702565000e+01, v42  }
0x175: {  	v0 =	vmul.f32 v31, v0;
	v31 =	vmul.f32 v19, v19;
	v46 =	vadd.f32 v55, v3  }
0x176: {  	[tilespmem:s12+$0x420] =	vst v25;
	v25 =	vadd.f32 $-1.258291200e+07, v58;
	v21 =	vmul.f32 v21, v34;
	v34 =	vmul.f32 v56, v32  }
0x177: {  	v62 =	vld.idx.msk [tilespmem:v1+s20+$0x0], $0xffff;
	v60 =	vmul.f32 $5.702565000e+01, v29;
	v28 =	vadd.f32 $-3.916185000e+01, v28;
	v56 =	vmul.f32 v41, v8  }
0x178: {  	v41 =	vmul.f32 v41, v11;
	v59 =	vld.idx.msk [tilespmem:v2+s20+$0x0], $0xffff;
	v25 =	vsub.f32 v30, v25;
	v61 =	vadd.f32 $6.253743650e+00, v21  }
0x179: {  	v43 =	vmul.f32 $5.702565000e+01, v31;
	v36 =	vld.idx.msk [tilespmem:v37+s4+$0x0], $0xffff;
	v21 =	vsub.f32 v22, v27;
	v22 =	vadd.f32 $-3.916185000e+01, v52  }
0x17a: {  	v27 =	vld.idx.msk [tilespmem:v38+s17+$0x0], $0xffff;
	v40 =	vadd.f32 $-3.916185000e+01, v60;
	v28 =	vmul.f32 v28, v42;
	v47 =	vadd.f32 v56, v4  }
0x17b: {  	v30 =	vld.idx.msk [tilespmem:v37+s17+$0x0], $0xffff;
	v56 =	vadd.f32 v41, v13;
	v43 =	vadd.f32 $-3.916185000e+01, v43;
	v63 =	vmul.f32 v25, v25  }
0x17c: {  	v32 =	vmul.f32 v61, v57;
	v0 =	vadd.f32 v0, v62;
	v28 =	vadd.f32 $6.253743650e+00, v28  }
0x17d: {  	v38 =	vld.idx.msk [tilespmem:v38+s18+$0x0], $0xffff;
	v61 =	vadd.f32 $1.258291200e+07, v47;
	v22 =	vmul.f32 v22, v44;
	v40 =	vmul.f32 v40, v29  }
0x17e: {  	v29 =	vmul.f32 v43, v31;
	v26 =	vadd.f32 v26, v59;
	v52 =	vmul.f32 $5.702565000e+01, v63  }
0x17f: {  	v35 =	vadd.f32 $-1.258291200e+07, v61;
	v28 =	vmul.f32 v28, v39;
	v54 =	vmul.f32 v36, v7  }
0x180: {  	v55 =	vadd.f32 $6.253743650e+00, v22;
	v58 =	vmul.f32 v27, v9;
	v48 =	vmul.f32 v30, v9  }
0x181: {  	[tilespmem:s11+$0x430] =	vst v0;
	v40 =	vadd.f32 $6.253743650e+00, v40;
	v60 =	vmul.f32 v36, v8;
	v36 =	vmul.f32 v36, v11  }
0x182: {  	v38 =	vshll.u32 v38, $0x8;
	v33 =	vadd.f32 $-3.916185000e+01, v52;
	[tilespmem:s12+$0x430] =	vst v26;
	v35 =	vsub.f32 v47, v35  }
0x183: {  	v0 =	vmul.f32 v27, v10;
	v57 =	vadd.f32 v54, v3;
	v62 =	vld.idx.msk [tilespmem:v2+s21+$0x0], $0xffff;
	v45 =	vadd.f32 v58, v5  }
0x184: {  	v36 =	vadd.f32 v36, v13;
	v58 =	vmul.f32 v30, v14;
	v48 =	vadd.f32 v48, v5  }
0x185: {  	v22 =	vld.idx.msk [tilespmem:v37+s18+$0x0], $0xffff;
	v26 =	vmul.f32 v33, v63;
	v33 =	vadd.f32 v60, v4;
	v59 =	vadd.f32 $1.258291200e+07, v57  }
0x186: {  	v49 =	vmul.f32 v27, v16;
	v63 =	vadd.f32 $1.258291200e+07, v46;
	v36 =	vadd.f32 v36, v58  }
0x187: {  	v47 =	vmul.f32 v55, v23;
	v54 =	vadd.f32 $-1.258291200e+07, v59;
	v59 =	vadd.f32 $1.258291200e+07, v33  }
0x188: {  	v23 =	vor.u32 v53, v38;
	v50 =	vadd.f32 v28, v62;
	v28 =	vadd.f32 $-1.258291200e+07, v63  }
0x189: {  	v26 =	vadd.f32 $6.253743650e+00, v26;
	v37 =	vsub.f32 v57, v54;
	v57 =	vmul.f32 v27, v14  }
0x18a: {  	v22 =	vshll.u32 v22, $0x8;
	v61 =	vadd.f32 $-1.258291200e+07, v59;
	v28 =	vsub.f32 v46, v28  }
0x18b: {  	v22 =	vor.u32 v53, v22;
	v42 =	vmul.f32 v37, v37;
	v39 =	vadd.f32 v56, v57  }
0x18c: {  	v52 =	vmul.f32 v26, v25;
	v33 =	vsub.f32 v33, v61;
	v63 =	vmul.f32 v28, v28  }
0x18d: {  	v56 =	vmul.f32 v35, v35;
	v60 =	vmul.f32 $5.702565000e+01, v42;
	v62 =	vadd.f32 $1.258291200e+07, v39  }
0x18e: {  	v25 =	vadd.f32 $1.258291200e+07, v48;
	v59 =	vmul.f32 v33, v33;
	v58 =	vmul.f32 $5.702565000e+01, v63  }
0x18f: {  	v61 =	vmul.f32 $5.702565000e+01, v56;
	v41 =	vadd.f32 $-3.916185000e+01, v60;
	v57 =	vadd.f32 $-1.258291200e+07, v62  }
0x190: {  	v53 =	vmul.f32 v30, v10;
	v62 =	vadd.f32 $1.258291200e+07, v36;
	v46 =	vadd.f32 $-3.916185000e+01, v58  }
0x191: {  	v55 =	vmul.f32 $5.702565000e+01, v59;
	v44 =	vsub.f32 v39, v57;
	v39 =	vadd.f32 $-3.916185000e+01, v61  }
0x192: {  	v41 =	vmul.f32 v41, v42;
	v38 =	vadd.f32 $-1.258291200e+07, v62;
	v57 =	vadd.f32 $1.258291200e+07, v45  }
0x193: {  	v63 =	vmul.f32 v46, v63;
	v46 =	vadd.f32 $-3.916185000e+01, v55;
	v55 =	vadd.f32 v53, v6  }
0x194: {  	v60 =	vld.idx.msk [tilespmem:v22+s1+$0x0], $0xffff;
	v41 =	vadd.f32 $6.253743650e+00, v41;
	v39 =	vmul.f32 v39, v56;
	v36 =	vsub.f32 v36, v38  }
0x195: {  	v56 =	vld.idx.msk [tilespmem:v1+s21+$0x0], $0xffff;
	v38 =	vmul.f32 v30, v12;
	v26 =	vmul.f32 v46, v59;
	v59 =	vadd.f32 $-1.258291200e+07, v57  }
0x196: {  	v58 =	vld.idx.msk [tilespmem:v23+s1+$0x0], $0xffff;
	v57 =	vadd.f32 $1.258291200e+07, v55;
	v37 =	vmul.f32 v41, v37;
	v41 =	vadd.f32 $6.253743650e+00, v63  }
0x197: {  	s13 =	simm.s32 $0x200;
	v63 =	vmul.f32 v36, v36;
	v39 =	vadd.f32 $6.253743650e+00, v39;
	v45 =	vsub.f32 v45, v59  }
0x198: {  	s9 =	sand.u32 $0xF800, s13;
	s14 =	simm.s32 $0x100;
	v61 =	vadd.f32 $6.253743650e+00, v26;
	v26 =	vadd.f32 v0, v6;
	v41 =	vmul.f32 v41, v28  }
0x199: {  	s3 =	sand.u32 $0x300, s14;
	s2 =	sadd.s32 $0x9A00, s9;
	v37 =	vadd.f32 v37, v60;
	v60 =	vmul.f32 v27, v12;
	v54 =	vmul.f32 $5.702565000e+01, v63  }
0x19a: {  	s7 =	sadd.s32 s3, s2;
	[tilespmem:s12+$0x440] =	vst v50;
	v28 =	vadd.f32 $-1.258291200e+07, v25;
	v34 =	vadd.f32 v34, v56;
	v56 =	vmul.f32 v45, v45  }
0x19b: {  	v0 =	vmul.f32 v61, v33;
	[tilespmem:s7+$0x400] =	vst v37;
	v41 =	vadd.f32 v41, v58;
	v33 =	vadd.f32 $-3.916185000e+01, v54;
	v58 =	vld.idx.msk [tilespmem:v2+s22+$0x0], $0xffff  }
0x19c: {  	v38 =	vadd.f32 v38, v17;
	v25 =	vmul.f32 v27, v15;
	v62 =	vld.idx.msk [tilespmem:v22+s0+$0x0], $0xffff;
	v31 =	vmul.f32 $5.702565000e+01, v56  }
0x19d: {  	s14 =	simm.s32 $0x180;
	v39 =	vmul.f32 v39, v35;
	v28 =	vsub.f32 v48, v28;
	v33 =	vmul.f32 v33, v63  }
0x19e: {  	s15 =	sand.u32 $0x380, s14;
	[tilespmem:s11+$0x440] =	vst v34;
	v53 =	vadd.f32 $-3.916185000e+01, v31;
	v31 =	vmul.f32 v40, v24;
	v24 =	vadd.f32 $1.258291200e+07, v38  }
0x19f: {  	s15 =	sadd.s32 s15, s2;
	v48 =	vmul.f32 v30, v15;
	v37 =	vadd.f32 v60, v17;
	v63 =	vld.idx.msk [tilespmem:v1+s22+$0x0], $0xffff;
	v33 =	vadd.f32 $6.253743650e+00, v33  }
0x1a0: {  	v54 =	vmul.f32 v44, v44;
	[tilespmem:s15+$0x400] =	vst v41;
	v24 =	vadd.f32 $-1.258291200e+07, v24;
	v32 =	vadd.f32 v58, v32  }
0x1a1: {  	v46 =	vmul.f32 v28, v28;
	v59 =	vld.idx.msk [tilespmem:v23+s0+$0x0], $0xffff;
	v0 =	vadd.f32 v0, v62;
	v62 =	vadd.f32 $-1.258291200e+07, v57  }
0x1a2: {  	v41 =	vmul.f32 v53, v56;
	v27 =	vsub.f32 v38, v24;
	v24 =	vmul.f32 $5.702565000e+01, v54  }
0x1a3: {  	v56 =	vadd.f32 $1.258291200e+07, v26;
	v43 =	vmul.f32 v33, v36;
	[tilespmem:s12+$0x450] =	vst v32;
	v35 =	vsub.f32 v55, v62  }
0x1a4: {  	v42 =	vadd.f32 v63, v47;
	v55 =	vmul.f32 v21, v21;
	v58 =	vld.idx.msk [tilespmem:v2+s5+$0x0], $0xffff;
	v24 =	vadd.f32 $-3.916185000e+01, v24  }
0x1a5: {  	v63 =	vadd.f32 v48, v18;
	v38 =	vadd.f32 $-1.258291200e+07, v56;
	v60 =	vmul.f32 v35, v35  }
0x1a6: {  	v51 =	vadd.f32 v39, v59;
	v62 =	vmul.f32 $5.702565000e+01, v55;
	v24 =	vmul.f32 v24, v54  }
0x1a7: {  	[tilespmem:s7+$0x410] =	vst v0;
	v0 =	vmul.f32 $5.702565000e+01, v46;
	v59 =	vadd.f32 $1.258291200e+07, v63;
	v61 =	vmul.f32 $5.702565000e+01, v60  }
0x1a8: {  	v34 =	vadd.f32 $-3.916185000e+01, v62;
	v62 =	vmul.f32 v30, v16;
	v30 =	vadd.f32 $6.253743650e+00, v24  }
0x1a9: {  	v33 =	vmul.f32 v27, v27;
	v40 =	vadd.f32 v58, v52;
	v57 =	vadd.f32 $-3.916185000e+01, v61  }
0x1aa: {  	v39 =	vmul.f32 v34, v55;
	v61 =	vadd.f32 $-1.258291200e+07, v59;
	v34 =	vadd.f32 v49, v20  }
0x1ab: {  	v49 =	vadd.f32 $-3.916185000e+01, v0;
	v50 =	vmul.f32 v57, v60;
	v60 =	vadd.f32 $1.258291200e+07, v37  }
0x1ac: {  	[tilespmem:s11+$0x450] =	vst v42;
	v42 =	vld.idx.msk [tilespmem:v22+s19+$0x0], $0xffff;
	v32 =	vmul.f32 $5.702565000e+01, v33;
	v24 =	vsub.f32 v63, v61;
	v63 =	vadd.f32 $6.253743650e+00, v41  }
0x1ad: {  	[tilespmem:s15+$0x410] =	vst v51;
	v36 =	vadd.f32 v62, v20;
	v47 =	vmul.f32 v30, v44;
	v41 =	vld.idx.msk [tilespmem:v1+s5+$0x0], $0xffff;
	v30 =	vadd.f32 $-1.258291200e+07, v60  }
0x1ae: {  	s2 =	simm.s32 $0x2;
	v48 =	vld.idx.msk [tilespmem:v23+s19+$0x0], $0xffff;
	v59 =	vlaneseq.u32;
	v44 =	vmul.f32 v63, v45;
	v45 =	vadd.f32 $6.253743650e+00, v50  }
.LBB2_5:
0x1af: {  	v0 =	vmul.f32 v49, v46;
	v46 =	vsub.f32 v37, v30  }
0x1b0: {  	v37 =	vadd.f32 $1.258291200e+07, v34;
	v49 =	vadd.f32 $1.258291200e+07, v36  }
0x1b1: {  	s3 =	sadd.s32 s2, s8;
	s2 =	sadd.s32 $0x2, s2;
	v39 =	vadd.f32 $6.253743650e+00, v39;
	v25 =	vadd.f32 v25, v18  }
0x1b2: {  	v31 =	vadd.f32 v41, v31;
	v29 =	vadd.f32 $6.253743650e+00, v29;
	s9 =	sadd.s32 $0x2, s3;
	s3 =	sadd.s32 $0x3, s3;
	p2 =	slt.u32 s2, $0x9E;
	v30 =	vmul.f32 v24, v24;
	[tilespmem:s12+$0x460] =	vst v40  }
0x1b3: {  	v40 =	vmov s9;
	v50 =	vmov s3;
	v51 =	vmul.f32 v46, v46;
	v52 =	vld.idx.msk [tilespmem:v2+s6+$0x0], $0xffff;
	v2 =	vmovc v23  }
0x1b4: {  	v41 =	vadd.f32 v47, v48;
	v48 =	vadd.f32 $1.258291200e+07, v25;
	v23 =	vand.u32 $0xFFFFFFFE, v40  }
0x1b5: {  	v21 =	vmul.f32 v39, v21;
	v40 =	vadd.f32 $-1.258291200e+07, v49;
	v23 =	vbroadcast v23, $0x0  }
0x1b6: {  	v0 =	vadd.f32 $6.253743650e+00, v0;
	v49 =	vsub.f32 v26, v38;
	v47 =	vmul.f32 $5.702565000e+01, v51;
	[tilespmem:s11+$0x460] =	vst v31  }
0x1b7: {  	v26 =	vmul.f32 v29, v19;
	v38 =	vadd.f32 v43, v42;
	v19 =	vsub.f32 v36, v40;
	v29 =	vld.idx.msk [tilespmem:v1+s6+$0x0], $0xffff  }
0x1b8: {  	v35 =	vmul.f32 v45, v35;
	v36 =	vadd.f32 $-1.258291200e+07, v48;
	v31 =	vadd.f32 $-3.916185000e+01, v47;
	v1 =	vmovc v22;
	[tilespmem:s15+$0x420] =	vst v41  }
0x1b9: {  	v40 =	vmul.f32 v49, v49;
	v41 =	vadd.f32 $-1.258291200e+07, v37;
	v45 =	vadd.f32 v52, v21;
	v39 =	vld.idx.msk [tilespmem:v2+s20+$0x0], $0xffff  }
0x1ba: {  	v37 =	vsub.f32 v25, v36;
	v25 =	vmul.f32 $5.702565000e+01, v30;
	v43 =	vmul.f32 v31, v51;
	v42 =	vld.idx.msk [tilespmem:v50+s4+$0x0], $0xffff  }
0x1bb: {  	v21 =	vsub.f32 v34, v41;
	v41 =	vadd.f32 $-3.916185000e+01, v32;
	v31 =	vld.idx.msk [tilespmem:v50+s17+$0x0], $0xffff;
	[tilespmem:s7+$0x420] =	vst v38;
	v38 =	vmul.f32 $5.702565000e+01, v40  }
0x1bc: {  	v0 =	vmul.f32 v0, v28;
	v34 =	vadd.f32 $-3.916185000e+01, v25;
	v36 =	vadd.f32 $6.253743650e+00, v43;
	v22 =	vld.idx.msk [tilespmem:v22+s20+$0x0], $0xffff;
	[tilespmem:s12+$0x470] =	vst v45;
	s12 =	smov.u32 s15  }
0x1bd: {  	v45 =	vmul.f32 v37, v37;
	v26 =	vadd.f32 v29, v26;
	v29 =	vmul.f32 v19, v19;
	v43 =	vld.idx.msk [tilespmem:v23+s17+$0x0], $0xffff  }
0x1be: {  	v33 =	vmul.f32 v41, v33;
	v30 =	vmul.f32 v34, v30;
	v28 =	vadd.f32 $-3.916185000e+01, v38;
	v47 =	vld.idx.msk [tilespmem:v23+s4+$0x0], $0xffff  }
0x1bf: {  	v32 =	vmul.f32 v36, v46;
	v39 =	vadd.f32 v44, v39;
	v36 =	vmul.f32 $5.702565000e+01, v45;
	[tilespmem:s11+$0x470] =	vst v26;
	s11 =	smov.u32 s7  }
0x1c0: {  	v38 =	vmul.f32 $5.702565000e+01, v29;
	v33 =	vadd.f32 $6.253743650e+00, v33;
	v25 =	vmul.f32 v28, v40  }
0x1c1: {  	v26 =	vmul.f32 v42, v7;
	v28 =	vmul.f32 v31, v9;
	v36 =	vadd.f32 $-3.916185000e+01, v36;
	[tilespmem:s12+$0x430] =	vst v39  }
0x1c2: {  	v40 =	vmul.f32 v31, v10;
	v39 =	vmul.f32 v42, v8;
	v0 =	vadd.f32 v0, v22;
	v22 =	vld.idx.msk [tilespmem:v2+s21+$0x0], $0xffff  }
0x1c3: {  	v48 =	vadd.f32 v26, v3;
	v25 =	vadd.f32 $6.253743650e+00, v25;
	v44 =	vmul.f32 v43, v9;
	v46 =	vld.idx.msk [tilespmem:v50+s18+$0x0], $0xffff  }
0x1c4: {  	v26 =	vmul.f32 v47, v7;
	v50 =	vadd.f32 v39, v4;
	[tilespmem:s11+$0x430] =	vst v0;
	v0 =	vmul.f32 v36, v45  }
0x1c5: {  	v28 =	vadd.f32 v28, v5;
	v36 =	vmul.f32 v47, v8;
	v45 =	vadd.f32 $1.258291200e+07, v48  }
0x1c6: {  	v30 =	vadd.f32 $6.253743650e+00, v30;
	v39 =	vmul.f32 v43, v12;
	v51 =	vadd.f32 $1.258291200e+07, v50  }
0x1c7: {  	v47 =	vmul.f32 v47, v11;
	v41 =	vadd.f32 v26, v3;
	v26 =	vadd.f32 v40, v6  }
0x1c8: {  	v54 =	vmul.f32 v31, v12;
	v42 =	vmul.f32 v42, v11;
	v40 =	vadd.f32 $-1.258291200e+07, v51  }
0x1c9: {  	v52 =	vmul.f32 v43, v14;
	v49 =	vmul.f32 v25, v49;
	v51 =	vld.idx.msk [tilespmem:v23+s18+$0x0], $0xffff;
	v23 =	vadd.f32 $1.258291200e+07, v41  }
0x1ca: {  	v55 =	vmul.f32 v31, v14;
	v42 =	vadd.f32 v42, v13;
	v53 =	vadd.f32 v36, v4  }
0x1cb: {  	v25 =	vmul.f32 v31, v15;
	v47 =	vadd.f32 v47, v13;
	v46 =	vshll.u32 v46, $0x8  }
0x1cc: {  	v36 =	vmul.f32 v43, v16;
	v22 =	vadd.f32 v49, v22;
	v23 =	vadd.f32 $-1.258291200e+07, v23  }
0x1cd: {  	v33 =	vmul.f32 v33, v27;
	v45 =	vadd.f32 $-1.258291200e+07, v45;
	v49 =	vadd.f32 $1.258291200e+07, v53  }
0x1ce: {  	v44 =	vadd.f32 v44, v5;
	v56 =	vsub.f32 v41, v23;
	v23 =	vor.u32 v59, v46;
	[tilespmem:s12+$0x440] =	vst v22  }
0x1cf: {  	v46 =	vadd.f32 v47, v52;
	v47 =	vsub.f32 v50, v40;
	v22 =	vshll.u32 v51, $0x8;
	v41 =	vld.idx.msk [tilespmem:v2+s22+$0x0], $0xffff  }
0x1d0: {  	v42 =	vadd.f32 v42, v55;
	v49 =	vadd.f32 $-1.258291200e+07, v49;
	v40 =	vmul.f32 v56, v56  }
0x1d1: {  	v27 =	vadd.f32 $1.258291200e+07, v44;
	v0 =	vadd.f32 $6.253743650e+00, v0;
	v22 =	vor.u32 v59, v22  }
0x1d2: {  	v45 =	vsub.f32 v48, v45;
	v49 =	vsub.f32 v53, v49;
	v50 =	vmul.f32 $5.702565000e+01, v40  }
0x1d3: {  	s13 =	sadd.s32 $0x200, s13;
	v52 =	vadd.f32 $1.258291200e+07, v42;
	v51 =	vmul.f32 v43, v15;
	v48 =	vadd.f32 $1.258291200e+07, v46  }
0x1d4: {  	s14 =	sadd.s32 $0x100, s14;
	v27 =	vadd.f32 $-1.258291200e+07, v27;
	v53 =	vmul.f32 v45, v45;
	v50 =	vadd.f32 $-3.916185000e+01, v50  }
0x1d5: {  	v55 =	vmul.f32 v47, v47;
	v52 =	vadd.f32 $-1.258291200e+07, v52;
	v48 =	vadd.f32 $-1.258291200e+07, v48  }
0x1d6: {  	s3 =	sand.u32 $0xF800, s13;
	v58 =	vmul.f32 $5.702565000e+01, v53;
	v59 =	vadd.f32 $1.258291200e+07, v28;
	v50 =	vmul.f32 v50, v40;
	v57 =	vld.idx.msk [tilespmem:v22+s1+$0x0], $0xffff  }
0x1d7: {  	s3 =	sadd.s32 $0x9A00, s3;
	s7 =	sand.u32 $0x380, s14;
	v60 =	vmul.f32 v49, v49;
	v61 =	vmul.f32 $5.702565000e+01, v55;
	v40 =	vsub.f32 v42, v52;
	v42 =	vld.idx.msk [tilespmem:v1+s21+$0x0], $0xffff  }
0x1d8: {  	s15 =	sadd.s32 s7, s3;
	v43 =	vmul.f32 v43, v10;
	v52 =	vadd.f32 $-3.916185000e+01, v58;
	v50 =	vadd.f32 $6.253743650e+00, v50;
	v58 =	vld.idx.msk [tilespmem:v23+s1+$0x0], $0xffff  }
0x1d9: {  	v62 =	vmul.f32 $5.702565000e+01, v60;
	v61 =	vadd.f32 $-3.916185000e+01, v61;
	v63 =	vmul.f32 v40, v40  }
0x1da: {  	v52 =	vmul.f32 v52, v53;
	v53 =	vadd.f32 $-1.258291200e+07, v59;
	v50 =	vmul.f32 v50, v56  }
0x1db: {  	s7 =	sadd.s32 $0xFFFFFF80, s14;
	v55 =	vmul.f32 v61, v55;
	v59 =	vlaneseq.u32;
	v56 =	vadd.f32 $-3.916185000e+01, v62  }
0x1dc: {  	s7 =	sand.u32 $0x300, s7;
	v0 =	vmul.f32 v0, v37;
	v52 =	vadd.f32 $6.253743650e+00, v52;
	v50 =	vadd.f32 v50, v57  }
0x1dd: {  	s7 =	sadd.s32 s7, s3;
	v37 =	vadd.f32 v54, v17;
	v48 =	vsub.f32 v46, v48;
	v56 =	vmul.f32 v56, v60  }
0x1de: {  	v45 =	vmul.f32 v52, v45;
	v35 =	vadd.f32 v35, v42;
	[tilespmem:s7+$0x400] =	vst v50;
	v50 =	vsub.f32 v28, v53  }
0x1df: {  	v52 =	vmul.f32 v48, v48;
	v42 =	vadd.f32 $6.253743650e+00, v56;
	v53 =	vmul.f32 v21, v21;
	v46 =	vld.idx.msk [tilespmem:v22+s0+$0x0], $0xffff  }
0x1e0: {  	v28 =	vsub.f32 v44, v27;
	v27 =	vadd.f32 v45, v58;
	v44 =	vmul.f32 v31, v16;
	[tilespmem:s11+$0x440] =	vst v35  }
0x1e1: {  	v31 =	vmul.f32 v42, v49;
	v45 =	vmul.f32 v50, v50;
	v35 =	vadd.f32 $1.258291200e+07, v26  }
0x1e2: {  	v43 =	vadd.f32 v43, v6;
	v42 =	vmul.f32 $5.702565000e+01, v52;
	[tilespmem:s15+$0x400] =	vst v27;
	v27 =	vadd.f32 $-3.916185000e+01, v38  }
0x1e3: {  	v54 =	vadd.f32 $1.258291200e+07, v37;
	v38 =	vadd.f32 $-1.258291200e+07, v35;
	v49 =	vld.idx.msk [tilespmem:v23+s0+$0x0], $0xffff  }
0x1e4: {  	v34 =	vadd.f32 $-3.916185000e+01, v42;
	v35 =	vadd.f32 $6.253743650e+00, v55;
	v42 =	vmul.f32 $5.702565000e+01, v45  }
0x1e5: {  	v31 =	vadd.f32 v31, v46;
	v46 =	vadd.f32 $1.258291200e+07, v43;
	v29 =	vmul.f32 v27, v29  }
0x1e6: {  	v39 =	vadd.f32 v39, v17;
	v51 =	vadd.f32 v51, v18;
	v27 =	vmul.f32 v34, v52;
	v52 =	vld.idx.msk [tilespmem:v1+s22+$0x0], $0xffff  }
0x1e7: {  	v47 =	vmul.f32 v35, v47;
	v34 =	vadd.f32 $-1.258291200e+07, v46;
	v46 =	vadd.f32 $-3.916185000e+01, v42;
	[tilespmem:s7+$0x410] =	vst v31  }
0x1e8: {  	v55 =	vadd.f32 $1.258291200e+07, v39;
	v31 =	vmul.f32 v30, v24;
	v24 =	vmul.f32 $5.702565000e+01, v53;
	v42 =	vld.idx.msk [tilespmem:v22+s19+$0x0], $0xffff  }
0x1e9: {  	v30 =	vadd.f32 $6.253743650e+00, v27;
	v35 =	vsub.f32 v43, v34;
	v27 =	vmul.f32 v46, v45  }
0x1ea: {  	v43 =	vadd.f32 $-1.258291200e+07, v55;
	v45 =	vmul.f32 $5.702565000e+01, v63;
	v34 =	vadd.f32 v44, v20  }
0x1eb: {  	v32 =	vadd.f32 v41, v32;
	v44 =	vmul.f32 v35, v35;
	v55 =	vadd.f32 $6.253743650e+00, v27  }
0x1ec: {  	v46 =	vmul.f32 v28, v28;
	v27 =	vsub.f32 v39, v43;
	v39 =	vadd.f32 v52, v33  }
0x1ed: {  	v47 =	vadd.f32 v47, v49;
	v45 =	vadd.f32 $-3.916185000e+01, v45;
	v41 =	vmul.f32 $5.702565000e+01, v44;
	[tilespmem:s12+$0x450] =	vst v32  }
0x1ee: {  	v24 =	vadd.f32 $-3.916185000e+01, v24;
	v52 =	vmul.f32 $5.702565000e+01, v46;
	v33 =	vmul.f32 v27, v27;
	[tilespmem:s11+$0x450] =	vst v39;
	v56 =	vld.idx.msk [tilespmem:v2+s5+$0x0], $0xffff  }
0x1ef: {  	v43 =	vmul.f32 v30, v48;
	v30 =	vadd.f32 $-3.916185000e+01, v41;
	v39 =	vmul.f32 v45, v63;
	v41 =	vld.idx.msk [tilespmem:v1+s5+$0x0], $0xffff  }
.Ltmp1:
0x1f0: {  	v32 =	vmul.f32 $5.702565000e+01, v33;
	v45 =	vadd.f32 $1.258291200e+07, v51;
	[tilespmem:s15+$0x410] =	vst v47;
	(pc) =	sbr.rel @p2 .LBB2_5-.Ltmp1, $4  }
0x1f1: {  	v49 =	vadd.f32 $-3.916185000e+01, v52;
	v44 =	vmul.f32 v30, v44;
	v47 =	vadd.f32 $6.253743650e+00, v39  }
0x1f2: {  	v52 =	vadd.f32 $-1.258291200e+07, v45;
	v30 =	vadd.f32 $-1.258291200e+07, v54;
	v39 =	vmul.f32 v24, v53;
	v48 =	vld.idx.msk [tilespmem:v23+s19+$0x0], $0xffff  }
0x1f3: {  	v36 =	vadd.f32 v36, v20;
	v45 =	vadd.f32 $6.253743650e+00, v44;
	v47 =	vmul.f32 v47, v40  }
0x1f4: {  	v24 =	vsub.f32 v51, v52;
	v44 =	vmul.f32 v55, v50;
	v40 =	vadd.f32 v56, v0  }
0x1f5: {  	_ =	sdelay $0x1  }
0x1f6: {  	v0 =	vadd.f32 v47, v48  }
0x1f7: {  	v3 =	vadd.f32 v43, v42  }
0x1f8: {  	v4 =	vsub.f32 v26, v38;
	[tilespmem:s15+$0x420] =	vst v0  }
0x1f9: {  	[tilespmem:s7+$0x420] =	vst v3;
	v0 =	vmul.f32 v49, v46;
	v5 =	vld.idx.msk [tilespmem:v23+s20+$0x0], $0xffff  }
0x1fa: {  	v3 =	vmul.f32 v4, v4;
	v6 =	vld.idx.msk [tilespmem:v22+s20+$0x0], $0xffff  }
0x1fb: {  	v0 =	vadd.f32 $6.253743650e+00, v0  }
0x1fc: {  	v7 =	vmul.f32 $5.702565000e+01, v3  }
0x1fd: {  	v0 =	vmul.f32 v0, v28  }
0x1fe: {  	v7 =	vadd.f32 $-3.916185000e+01, v7;
	v5 =	vadd.f32 v44, v5  }
0x1ff: {  	v8 =	vsub.f32 v37, v30;
	v0 =	vadd.f32 v0, v6  }
0x200: {  	v3 =	vmul.f32 v7, v3;
	[tilespmem:s15+$0x430] =	vst v5  }
0x201: {  	v5 =	vmul.f32 v8, v8;
	[tilespmem:s7+$0x430] =	vst v0;
	v6 =	vld.idx.msk [tilespmem:v23+s21+$0x0], $0xffff  }
0x202: {  	v3 =	vadd.f32 $6.253743650e+00, v3;
	v0 =	vadd.f32 v25, v18;
	v7 =	vld.idx.msk [tilespmem:v22+s21+$0x0], $0xffff  }
0x203: {  	v9 =	vmul.f32 $5.702565000e+01, v5  }
0x204: {  	v3 =	vmul.f32 v3, v4;
	v10 =	vadd.f32 $1.258291200e+07, v0  }
0x205: {  	v4 =	vadd.f32 $-3.916185000e+01, v9;
	v9 =	vmul.f32 v45, v35  }
0x206: {  	v10 =	vadd.f32 $-1.258291200e+07, v10;
	v3 =	vadd.f32 v3, v6  }
0x207: {  	v6 =	vadd.f32 $-3.916185000e+01, v32;
	v7 =	vadd.f32 v9, v7  }
0x208: {  	v4 =	vmul.f32 v4, v5;
	v0 =	vsub.f32 v0, v10;
	[tilespmem:s15+$0x440] =	vst v3  }
0x209: {  	v11 =	vmul.f32 v24, v24;
	v3 =	vmul.f32 v6, v33;
	[tilespmem:s7+$0x440] =	vst v7;
	v5 =	vld.idx.msk [tilespmem:v23+s22+$0x0], $0xffff  }
0x20a: {  	v10 =	vadd.f32 $1.258291200e+07, v34;
	v4 =	vadd.f32 $6.253743650e+00, v4;
	v7 =	vmul.f32 v0, v0;
	v9 =	vld.idx.msk [tilespmem:v22+s22+$0x0], $0xffff  }
0x20b: {  	v12 =	vmul.f32 $5.702565000e+01, v11;
	v6 =	vadd.f32 $1.258291200e+07, v36;
	v3 =	vadd.f32 $6.253743650e+00, v3  }
0x20c: {  	v4 =	vmul.f32 v4, v8;
	v8 =	vmul.f32 $5.702565000e+01, v7  }
0x20d: {  	v10 =	vadd.f32 $-1.258291200e+07, v10;
	v6 =	vadd.f32 $-1.258291200e+07, v6;
	v3 =	vmul.f32 v3, v27  }
0x20e: {  	v8 =	vadd.f32 $-3.916185000e+01, v8;
	v4 =	vadd.f32 v5, v4  }
0x20f: {  	v5 =	vadd.f32 $-3.916185000e+01, v12;
	v3 =	vadd.f32 v9, v3  }
0x210: {  	v9 =	vsub.f32 v34, v10;
	v7 =	vmul.f32 v8, v7;
	[tilespmem:s15+$0x450] =	vst v4  }
0x211: {  	v4 =	vsub.f32 v36, v6;
	v5 =	vmul.f32 v5, v11;
	[tilespmem:s7+$0x450] =	vst v3;
	v3 =	vld.idx.msk [tilespmem:v23+s5+$0x0], $0xffff  }
0x212: {  	v6 =	vadd.f32 $6.253743650e+00, v7;
	v7 =	vmul.f32 v9, v9;
	v8 =	vld.idx.msk [tilespmem:v22+s5+$0x0], $0xffff  }
0x213: {  	v10 =	vmul.f32 v4, v4;
	v5 =	vadd.f32 $6.253743650e+00, v5  }
0x214: {  	v0 =	vmul.f32 v6, v0;
	v6 =	vmul.f32 $5.702565000e+01, v7  }
0x215: {  	v11 =	vadd.f32 v41, v31;
	v12 =	vmul.f32 $5.702565000e+01, v10;
	v5 =	vmul.f32 v5, v24  }
0x216: {  	[tilespmem:s12+$0x460] =	vst v40;
	v6 =	vadd.f32 $-3.916185000e+01, v6;
	v0 =	vadd.f32 v3, v0  }
0x217: {  	v2 =	vld.idx.msk [tilespmem:v2+s6+$0x0], $0xffff;
	[tilespmem:s11+$0x460] =	vst v11;
	v3 =	vadd.f32 $-3.916185000e+01, v12;
	v5 =	vadd.f32 v8, v5  }
0x218: {  	v1 =	vld.idx.msk [tilespmem:v1+s6+$0x0], $0xffff;
	v8 =	vadd.f32 $6.253743650e+00, v39;
	v6 =	vmul.f32 v6, v7;
	[tilespmem:s15+$0x460] =	vst v0  }
0x219: {  	v0 =	vadd.f32 $6.253743650e+00, v29;
	v3 =	vmul.f32 v3, v10;
	[tilespmem:s7+$0x460] =	vst v5;
	v7 =	vld.idx.msk [tilespmem:v23+s6+$0x0], $0xffff  }
0x21a: {  	v5 =	vmul.f32 v8, v21;
	v6 =	vadd.f32 $6.253743650e+00, v6;
	v8 =	vld.idx.msk [tilespmem:v22+s6+$0x0], $0xffff  }
0x21b: {  	v0 =	vmul.f32 v0, v19;
	v3 =	vadd.f32 $6.253743650e+00, v3  }
0x21c: {  	v2 =	vadd.f32 v2, v5;
	v5 =	vmul.f32 v6, v9  }
0x21d: {  	v0 =	vadd.f32 v1, v0;
	v1 =	vmul.f32 v3, v4  }
0x21e: {  	[tilespmem:s12+$0x470] =	vst v2;
	v2 =	vadd.f32 v7, v5  }
0x21f: {  	p2 =	sgt.u32 s10, $0x18600;
	[tilespmem:s11+$0x470] =	vst v0;
	v0 =	vadd.f32 v8, v1  }
0x220: {  	s3 =	rddreg [dreg:$0x1];
	s2 =	sshll.u32 @!p2 s10, $0x5;
	[tilespmem:s15+$0x470] =	vst v2  }
0x221: {  	s2 =	sadd.s32 @!p2 s3, s2;
	s3 =	simm.s32 @!p2 $0x0;
	[tilespmem:s7+$0x470] =	vst v0;
	s7 =	simm.s32 @!p2 $0x9A00  }
0x222: {  	[hbm4b:s2+s3] =	stream.linear.scatter @!p2 [tilespmem:s7], [sflag:$0x1], $0xA000, $0x38;
	[tilespmem:$0x1DA00] =	vst v63  }
0x223: {  	p2 =	sgt.u32 @!p1 s10, $0x186A0  }
0x224: {  	p1 =	por p2, p1  }
0x225: {  	s13 =	sadd.s32 $0xFFFFFFFE, s8;
	s2 =	simm.s32 @!p1 $0x2  }
0x226: {  	s14 =	sadd.s32 $0xA2, s13;
	_ =	swait.ge @!p1 [sflag:s2], $0xA000  }
0x227: {  	v0 =	vmov s14;
	[sflag:s2] =	ssyncset.done @!p1 $0x0  }
0x228: {  	s15 =	sadd.s32 $0xA3, s13;
	v0 =	vand.u32 $0xFFFFFFFE, v0;
	[sflag:s2] =	ssyncadd.s32 @!p1 $0xFFFF6000  }
0x229: {  	v12 =	vmov s15;
	v0 =	vbroadcast v0, $0x0;
	v2 =	vld [tilespmem:$0x3500]  }
0x22a: {  	v4 =	vld [tilespmem:$0x3530]  }
0x22b: {  	v5 =	vld [tilespmem:$0x3200]  }
0x22c: {  	v6 =	vld [tilespmem:$0x3210]  }
0x22d: {  	v7 =	vld [tilespmem:$0x3230]  }
0x22e: {  	v14 =	vld.idx.msk [tilespmem:v12+s16+$0x0], $0xffff  }
0x22f: {  	v1 =	vld.idx.msk [tilespmem:v0+s16+$0x0], $0xffff  }
0x230: {  	v9 =	vld [tilespmem:$0x3240]  }
0x231: {  	v8 =	vld [tilespmem:$0x3220]  }
0x232: {  	v3 =	vld [tilespmem:$0x3510]  }
0x233: {  	v11 =	vld [tilespmem:$0x3540];
	v15 =	vmul.f32 v14, v5  }
0x234: {  	v10 =	vld [tilespmem:$0x3520];
	v16 =	vmul.f32 v14, v6;
	v13 =	vmul.f32 v1, v7  }
0x235: {  	v53 =	vmul.f32 v14, v7;
	v54 =	vmul.f32 v14, v9  }
0x236: {  	v49 =	vld.idx.msk [tilespmem:v12+s4+$0x0], $0xffff;
	v18 =	vmul.f32 v1, v8;
	v15 =	vadd.f32 v15, v2;
	v17 =	vadd.f32 v13, v4  }
0x237: {  	v12 =	vld.idx.msk [tilespmem:v12+s18+$0x0], $0xffff;
	v16 =	vadd.f32 v16, v3;
	v38 =	vadd.f32 v53, v4;
	v13 =	vmul.f32 v1, v9  }
0x238: {  	v19 =	vld.idx.msk [tilespmem:v0+s18+$0x0], $0xffff;
	v39 =	vadd.f32 v54, v11;
	v20 =	vadd.f32 $1.258291200e+07, v17  }
0x239: {  	v18 =	vadd.f32 v18, v10;
	v21 =	vadd.f32 v13, v11;
	v13 =	vld [tilespmem:$0x3250]  }
0x23a: {  	v23 =	vmul.f32 v1, v5;
	v22 =	vadd.f32 $1.258291200e+07, v15;
	v20 =	vadd.f32 $-1.258291200e+07, v20  }
0x23b: {  	v24 =	vmul.f32 v1, v6;
	v26 =	vadd.f32 $1.258291200e+07, v18;
	v25 =	vadd.f32 $1.258291200e+07, v21  }
0x23c: {  	v12 =	vshll.u32 v12, $0x8;
	v27 =	vsub.f32 v17, v20;
	v17 =	vadd.f32 v23, v2  }
0x23d: {  	v19 =	vshll.u32 v19, $0x8;
	v23 =	vadd.f32 v24, v3;
	v20 =	vadd.f32 $1.258291200e+07, v16  }
0x23e: {  	v24 =	vadd.f32 $-1.258291200e+07, v26;
	v25 =	vadd.f32 $-1.258291200e+07, v25;
	v29 =	vmul.f32 v1, v13  }
0x23f: {  	v1 =	vadd.f32 $-1.258291200e+07, v22;
	v26 =	vmul.f32 v27, v27;
	v28 =	vadd.f32 $1.258291200e+07, v17  }
0x240: {  	v12 =	vor.u32 v59, v12;
	v22 =	vadd.f32 $1.258291200e+07, v23;
	v20 =	vadd.f32 $-1.258291200e+07, v20  }
0x241: {  	v24 =	vsub.f32 v18, v24;
	v32 =	vsub.f32 v15, v1;
	v30 =	vmul.f32 $5.702565000e+01, v26  }
0x242: {  	v31 =	vmul.f32 v14, v13;
	v28 =	vadd.f32 $-1.258291200e+07, v28;
	v20 =	vsub.f32 v16, v20  }
0x243: {  	v15 =	vld [tilespmem:$0x3350];
	v16 =	vadd.f32 $-1.258291200e+07, v22;
	v22 =	vmul.f32 v24, v24;
	v18 =	vadd.f32 $-3.916185000e+01, v30  }
0x244: {  	v28 =	vsub.f32 v17, v28;
	v30 =	vmul.f32 v32, v32;
	v17 =	vmul.f32 v14, v8  }
0x245: {  	v50 =	vmul.f32 $5.702565000e+01, v22;
	v23 =	vsub.f32 v23, v16;
	v60 =	vmul.f32 v20, v20  }
0x246: {  	v1 =	vor.u32 v59, v19;
	v16 =	vld [tilespmem:$0x3360];
	v19 =	vmul.f32 v28, v28;
	v18 =	vmul.f32 v18, v26  }
0x247: {  	v0 =	vld.idx.msk [tilespmem:v0+s4+$0x0], $0xffff;
	v21 =	vsub.f32 v21, v25;
	v26 =	vmul.f32 $5.702565000e+01, v30;
	v25 =	vmul.f32 v23, v23  }
0x248: {  	v52 =	vadd.f32 v17, v10;
	v17 =	vld [tilespmem:$0x3550];
	v34 =	vadd.f32 $-3.916185000e+01, v50;
	v56 =	vmul.f32 v49, v15  }
0x249: {  	v51 =	vmul.f32 $5.702565000e+01, v19;
	v36 =	vadd.f32 $6.253743650e+00, v18;
	v55 =	vmul.f32 $5.702565000e+01, v25  }
0x24a: {  	v18 =	vld [tilespmem:$0x3560];
	v14 =	vadd.f32 $1.258291200e+07, v52;
	v26 =	vadd.f32 $-3.916185000e+01, v26;
	v22 =	vmul.f32 v34, v22  }
0x24b: {  	v61 =	vmul.f32 v49, v16;
	v35 =	vadd.f32 $-3.916185000e+01, v51;
	v62 =	vadd.f32 $-3.916185000e+01, v55  }
0x24c: {  	v26 =	vmul.f32 v26, v30;
	v30 =	vadd.f32 $-1.258291200e+07, v14;
	v22 =	vadd.f32 $6.253743650e+00, v22  }
0x24d: {  	v51 =	vmul.f32 v0, v16;
	v29 =	vadd.f32 v29, v17;
	v31 =	vadd.f32 v31, v17  }
0x24e: {  	v50 =	vmul.f32 v0, v15;
	v26 =	vadd.f32 $6.253743650e+00, v26;
	v30 =	vsub.f32 v52, v30  }
0x24f: {  	v19 =	vmul.f32 v35, v19;
	v63 =	vadd.f32 v61, v18;
	v34 =	vadd.f32 v51, v18  }
0x250: {  	v25 =	vmul.f32 v62, v25;
	v37 =	vadd.f32 v29, v50;
	v29 =	vadd.f32 $1.258291200e+07, v38  }
0x251: {  	v48 =	vmul.f32 $5.702565000e+01, v60;
	v40 =	vadd.f32 v31, v56;
	v58 =	vadd.f32 $6.253743650e+00, v19  }
0x252: {  	v57 =	vld.idx.msk [tilespmem:v1+s23+$0x0], $0xffff;
	v35 =	vmul.f32 v21, v21;
	v25 =	vadd.f32 $6.253743650e+00, v25;
	v45 =	vadd.f32 $1.258291200e+07, v63  }
0x253: {  	v27 =	vmul.f32 v36, v27;
	v19 =	vld [tilespmem:$0x3370];
	v53 =	vadd.f32 $1.258291200e+07, v37;
	v29 =	vadd.f32 $-1.258291200e+07, v29  }
0x254: {  	v42 =	vmul.f32 $5.702565000e+01, v35;
	v62 =	vadd.f32 $1.258291200e+07, v34;
	v50 =	vadd.f32 $1.258291200e+07, v40  }
0x255: {  	s3 =	simm.s32 $0x0;
	v28 =	vmul.f32 v58, v28;
	v23 =	vmul.f32 v25, v23;
	v25 =	vadd.f32 $1.258291200e+07, v39  }
0x256: {  	s7 =	simm.s32 $0x0;
	s2 =	sand.u32 $0xF800, s3;
	v14 =	vld [tilespmem:$0x3570];
	v32 =	vmul.f32 v26, v32;
	v42 =	vadd.f32 $-3.916185000e+01, v42;
	v26 =	vadd.f32 $-1.258291200e+07, v45  }
0x257: {  	s3 =	sand.u32 $0x300, s7;
	s2 =	sadd.s32 $0x13A00, s2;
	v22 =	vmul.f32 v22, v24;
	v44 =	vadd.f32 $-1.258291200e+07, v53;
	v28 =	vadd.f32 v28, v57  }
0x258: {  	s11 =	sadd.s32 s3, s2;
	v38 =	vsub.f32 v38, v29;
	v33 =	vmul.f32 v49, v19;
	v49 =	vadd.f32 $-3.916185000e+01, v48  }
0x259: {  	v55 =	vmul.f32 v30, v30;
	v50 =	vadd.f32 $-1.258291200e+07, v50;
	v25 =	vadd.f32 $-1.258291200e+07, v25;
	[tilespmem:s11+$0x0] =	vst v28  }
0x25a: {  	s9 =	sadd.s32 $0x0, s8;
	v35 =	vmul.f32 v42, v35;
	v26 =	vsub.f32 v63, v26;
	v28 =	vmul.f32 v49, v60;
	v52 =	vld.idx.msk [tilespmem:v1+s24+$0x0], $0xffff  }
0x25b: {  	s12 =	sadd.s32 $0xA2, s9;
	v0 =	vmul.f32 v0, v19;
	v25 =	vsub.f32 v39, v25;
	v33 =	vadd.f32 v33, v14  }
0x25c: {  	v60 =	vmul.f32 $5.702565000e+01, v55;
	v48 =	vadd.f32 $6.253743650e+00, v28;
	v28 =	vmov s12  }
0x25d: {  	v43 =	vmul.f32 v26, v26;
	v61 =	vadd.f32 $1.258291200e+07, v33;
	v28 =	vand.u32 $0xFFFFFFFE, v28  }
0x25e: {  	s3 =	sadd.s32 $0xA3, s9;
	v24 =	vadd.f32 v0, v14;
	v0 =	vld.idx.msk [tilespmem:v12+s23+$0x0], $0xffff;
	v29 =	vbroadcast v28, $0x0;
	v28 =	vadd.f32 $-3.916185000e+01, v60  }
0x25f: {  	v31 =	vadd.f32 $-1.258291200e+07, v61;
	v58 =	vadd.f32 v23, v52;
	v23 =	vmov s3  }
0x260: {  	v36 =	vmul.f32 v38, v38;
	v37 =	vsub.f32 v37, v44;
	v54 =	vmul.f32 $5.702565000e+01, v43  }
0x261: {  	v63 =	vmul.f32 v25, v25;
	v46 =	vmul.f32 v28, v55;
	v28 =	vsub.f32 v33, v31  }
0x262: {  	s13 =	simm.s32 $0x80;
	v56 =	vadd.f32 $1.258291200e+07, v24;
	v45 =	vadd.f32 $-3.916185000e+01, v54;
	v60 =	vmul.f32 $5.702565000e+01, v36;
	[tilespmem:s11+$0x10] =	vst v58  }
0x263: {  	v0 =	vadd.f32 v32, v0;
	s3 =	sand.u32 $0x380, s13;
	v31 =	vadd.f32 $-1.258291200e+07, v62;
	v57 =	vld.idx.msk [tilespmem:v1+s25+$0x0], $0xffff;
	v52 =	vmul.f32 v28, v28  }
0x264: {  	v20 =	vmul.f32 v48, v20;
	v33 =	vadd.f32 $-1.258291200e+07, v56;
	s12 =	sadd.s32 s3, s2;
	v58 =	vmul.f32 $5.702565000e+01, v63;
	v51 =	vld.idx.msk [tilespmem:v23+s16+$0x0], $0xffff  }
0x265: {  	v39 =	vadd.f32 $-3.916185000e+01, v60;
	[tilespmem:s12+$0x0] =	vst v0;
	v31 =	vsub.f32 v34, v31;
	v62 =	vld.idx.msk [tilespmem:v29+s16+$0x0], $0xffff;
	v0 =	vmul.f32 $5.702565000e+01, v52  }
0x266: {  	v43 =	vmul.f32 v45, v43;
	v46 =	vadd.f32 $6.253743650e+00, v46;
	v32 =	vadd.f32 $-3.916185000e+01, v58  }
0x267: {  	v36 =	vmul.f32 v39, v36;
	v41 =	vmul.f32 v31, v31;
	v0 =	vadd.f32 $-3.916185000e+01, v0  }
0x268: {  	v40 =	vsub.f32 v40, v50;
	v30 =	vmul.f32 v46, v30;
	v32 =	vmul.f32 v32, v63;
	v63 =	vld.idx.msk [tilespmem:v12+s24+$0x0], $0xffff  }
0x269: {  	v24 =	vsub.f32 v24, v33;
	v0 =	vmul.f32 v0, v52;
	v56 =	vmul.f32 v51, v5  }
0x26a: {  	v22 =	vadd.f32 v22, v57;
	v57 =	vmul.f32 v51, v6;
	v58 =	vmul.f32 v62, v7  }
0x26b: {  	v36 =	vadd.f32 $6.253743650e+00, v36;
	v60 =	vmul.f32 v62, v9;
	v54 =	vmul.f32 v62, v5  }
0x26c: {  	v61 =	vld.idx.msk [tilespmem:v29+s18+$0x0], $0xffff;
	v32 =	vadd.f32 $6.253743650e+00, v32;
	v49 =	vmul.f32 v62, v13;
	v55 =	vmul.f32 v62, v8  }
0x26d: {  	v34 =	vmul.f32 v62, v6;
	v62 =	vadd.f32 $6.253743650e+00, v35;
	v20 =	vadd.f32 v20, v63  }
0x26e: {  	v36 =	vmul.f32 v36, v38;
	v38 =	vadd.f32 $6.253743650e+00, v0;
	v39 =	vadd.f32 v56, v2  }
0x26f: {  	v35 =	vmul.f32 $5.702565000e+01, v41;
	v48 =	vadd.f32 v57, v3;
	v42 =	vadd.f32 v58, v4  }
0x270: {  	v45 =	vadd.f32 v60, v11;
	v57 =	vmul.f32 v32, v25;
	v25 =	vadd.f32 v55, v10  }
0x271: {  	v47 =	vshll.u32 v61, $0x8;
	[tilespmem:s11+$0x20] =	vst v22;
	v46 =	vadd.f32 v34, v3;
	v35 =	vadd.f32 $-3.916185000e+01, v35  }
0x272: {  	[tilespmem:s12+$0x10] =	vst v20;
	v20 =	vor.u32 v59, v47;
	v47 =	vadd.f32 v54, v2;
	v53 =	vadd.f32 $1.258291200e+07, v39  }
0x273: {  	v32 =	vmul.f32 v62, v21;
	v21 =	vld.idx.msk [tilespmem:v1+s26+$0x0], $0xffff;
	v61 =	vadd.f32 $1.258291200e+07, v42;
	v44 =	vadd.f32 $1.258291200e+07, v45  }
0x274: {  	v58 =	vadd.f32 $1.258291200e+07, v25;
	v0 =	vadd.f32 $1.258291200e+07, v48  }
0x275: {  	v56 =	vmul.f32 v51, v13;
	v62 =	vadd.f32 $1.258291200e+07, v46;
	v63 =	vadd.f32 $-1.258291200e+07, v61  }
0x276: {  	v38 =	vmul.f32 v38, v28;
	v60 =	vld.idx.msk [tilespmem:v12+s25+$0x0], $0xffff;
	v22 =	vadd.f32 $-1.258291200e+07, v58;
	v61 =	vadd.f32 $-1.258291200e+07, v53  }
0x277: {  	v35 =	vmul.f32 v35, v41;
	v0 =	vadd.f32 $-1.258291200e+07, v0;
	v34 =	vsub.f32 v42, v63  }
0x278: {  	v53 =	vmul.f32 v37, v37;
	v44 =	vadd.f32 $-1.258291200e+07, v44;
	v21 =	vadd.f32 v27, v21  }
0x279: {  	v27 =	vadd.f32 $-1.258291200e+07, v62;
	v25 =	vsub.f32 v25, v22;
	v42 =	vmul.f32 v34, v34  }
0x27a: {  	v39 =	vsub.f32 v39, v61;
	v63 =	vmul.f32 $5.702565000e+01, v53;
	v61 =	vmul.f32 v51, v8  }
0x27b: {  	[tilespmem:$0x1FFB0] =	vst v2;
	v30 =	vadd.f32 v30, v60;
	v46 =	vsub.f32 v46, v27;
	v22 =	vmul.f32 $5.702565000e+01, v42  }
0x27c: {  	[tilespmem:s11+$0x30] =	vst v21;
	v21 =	vsub.f32 v45, v44;
	v27 =	vadd.f32 $6.253743650e+00, v43;
	v52 =	vmul.f32 v25, v25  }
0x27d: {  	v54 =	vadd.f32 $-3.916185000e+01, v63;
	v63 =	vmul.f32 v51, v7;
	v60 =	vadd.f32 $-3.916185000e+01, v22  }
0x27e: {  	v58 =	vmul.f32 v39, v39;
	[tilespmem:s12+$0x20] =	vst v30;
	v22 =	vsub.f32 v48, v0;
	v0 =	vadd.f32 $1.258291200e+07, v47  }
0x27f: {  	v26 =	vmul.f32 v27, v26;
	v62 =	vmul.f32 $5.702565000e+01, v52;
	v30 =	vadd.f32 v63, v4;
	v43 =	vld.idx.msk [tilespmem:v12+s26+$0x0], $0xffff  }
0x280: {  	v55 =	vmul.f32 $5.702565000e+01, v58;
	v63 =	vadd.f32 $6.253743650e+00, v35;
	v0 =	vadd.f32 $-1.258291200e+07, v0  }
0x281: {  	v27 =	vmul.f32 v21, v21;
	v41 =	vadd.f32 $-3.916185000e+01, v62;
	v42 =	vmul.f32 v60, v42  }
0x282: {  	v55 =	vadd.f32 $-3.916185000e+01, v55;
	v31 =	vmul.f32 v63, v31;
	v0 =	vsub.f32 v47, v0  }
0x283: {  	v60 =	vmul.f32 v40, v40;
	v59 =	vadd.f32 $6.253743650e+00, v42;
	v42 =	vmul.f32 v54, v53;
	v53 =	vld.idx.msk [tilespmem:v1+s28+$0x0], $0xffff  }
0x284: {  	v41 =	vmul.f32 v41, v52;
	v52 =	vld.idx.msk [tilespmem:v29+s4+$0x0], $0xffff;
	v35 =	vadd.f32 v36, v43;
	v50 =	vmul.f32 v0, v0  }
0x285: {  	v36 =	vmul.f32 v22, v22;
	v47 =	vadd.f32 v61, v10;
	v54 =	vmul.f32 v51, v9  }
0x286: {  	v43 =	vadd.f32 v56, v17;
	v51 =	vmul.f32 v46, v46;
	v48 =	vmul.f32 $5.702565000e+01, v50  }
0x287: {  	v45 =	vld.idx.msk [tilespmem:v23+s4+$0x0], $0xffff;
	v61 =	vmul.f32 v24, v24;
	v44 =	vadd.f32 $1.258291200e+07, v47;
	v42 =	vadd.f32 $6.253743650e+00, v42  }
0x288: {  	v32 =	vadd.f32 v32, v53;
	v53 =	vmul.f32 $5.702565000e+01, v60;
	v33 =	vadd.f32 $-3.916185000e+01, v48  }
0x289: {  	v41 =	vadd.f32 $6.253743650e+00, v41;
	v56 =	vmul.f32 v52, v15;
	v29 =	vadd.f32 $-1.258291200e+07, v44  }
0x28a: {  	v62 =	vld.idx.msk [tilespmem:v20+s23+$0x0], $0xffff;
	v37 =	vmul.f32 v42, v37;
	v53 =	vadd.f32 $-3.916185000e+01, v53;
	[tilespmem:s11+$0x40] =	vst v32;
	v50 =	vmul.f32 v33, v50  }
0x28b: {  	v44 =	vmul.f32 $5.702565000e+01, v36;
	v48 =	vmul.f32 $5.702565000e+01, v51;
	v29 =	vsub.f32 v47, v29;
	v42 =	vld.idx.msk [tilespmem:v1+s29+$0x0], $0xffff  }
0x28c: {  	[tilespmem:s12+$0x30] =	vst v35;
	v33 =	vmul.f32 v45, v15;
	v53 =	vmul.f32 v53, v60;
	v32 =	vadd.f32 $6.253743650e+00, v50  }
0x28d: {  	v35 =	vld.idx.msk [tilespmem:v12+s28+$0x0], $0xffff;
	v50 =	vadd.f32 v49, v17;
	v49 =	vmul.f32 v55, v58;
	v58 =	vmul.f32 v45, v16  }
0x28e: {  	v48 =	vadd.f32 $-3.916185000e+01, v48;
	v60 =	vmul.f32 v52, v16;
	v0 =	vmul.f32 v32, v0  }
0x28f: {  	v45 =	vmul.f32 v45, v19;
	v49 =	vadd.f32 $6.253743650e+00, v49;
	v55 =	vadd.f32 v58, v18  }
0x290: {  	v32 =	vmul.f32 $5.702565000e+01, v27;
	v37 =	vadd.f32 v42, v37;
	v0 =	vadd.f32 v0, v62  }
0x291: {  	v47 =	vmul.f32 v49, v39;
	v39 =	vadd.f32 $-3.916185000e+01, v44;
	v49 =	vadd.f32 $6.253743650e+00, v53  }
0x292: {  	v62 =	vlaneseq.u32;
	v53 =	vld.idx.msk [tilespmem:v23+s18+$0x0], $0xffff;
	v23 =	vadd.f32 $1.258291200e+07, v55;
	v44 =	vadd.f32 v57, v35  }
0x293: {  	v35 =	vadd.f32 v45, v14;
	v45 =	vmul.f32 v48, v51;
	v57 =	vadd.f32 $1.258291200e+07, v30  }
0x294: {  	v48 =	vmul.f32 v29, v29;
	v58 =	vmul.f32 v49, v40;
	v23 =	vadd.f32 $-1.258291200e+07, v23;
	[tilespmem:s12+$0x40] =	vst v44  }
0x295: {  	[tilespmem:s11+$0x50] =	vst v37;
	v49 =	vmul.f32 v39, v36;
	v40 =	vadd.f32 v60, v18;
	v37 =	vadd.f32 $6.253743650e+00, v45;
	v60 =	vld.idx.msk [tilespmem:v12+s29+$0x0], $0xffff  }
0x296: {  	v44 =	vmul.f32 v52, v19;
	v52 =	vld.idx.msk [tilespmem:v1+s30+$0x0], $0xffff;
	v39 =	vadd.f32 v50, v56;
	v23 =	vsub.f32 v55, v23  }
0x297: {  	s13 =	simm.s32 $0x200;
	v36 =	vmul.f32 $5.702565000e+01, v61;
	v50 =	vadd.f32 v54, v11;
	v51 =	vmul.f32 v37, v46  }
0x298: {  	s15 =	simm.s32 $0x100;
	s14 =	sand.u32 $0xF800, s13;
	v46 =	vadd.f32 $1.258291200e+07, v39;
	v45 =	vshll.u32 v53, $0x8;
	v42 =	vmul.f32 v23, v23  }
0x299: {  	s3 =	sand.u32 $0x300, s15;
	s7 =	sadd.s32 $0x13A00, s14;
	v54 =	vadd.f32 $-3.916185000e+01, v36;
	v55 =	vadd.f32 $1.258291200e+07, v50;
	v37 =	vor.u32 v62, v45  }
0x29a: {  	s14 =	simm.s32 $0x180;
	s15 =	sadd.s32 s3, s7;
	v45 =	vadd.f32 $-1.258291200e+07, v46;
	v53 =	vmul.f32 $5.702565000e+01, v42;
	v63 =	vadd.f32 v60, v58  }
0x29b: {  	s9 =	sand.u32 $0x380, s14;
	[tilespmem:s15+$0x0] =	vst v0;
	v36 =	vmul.f32 v59, v34;
	v34 =	vadd.f32 v52, v31;
	v52 =	vadd.f32 $-1.258291200e+07, v55  }
0x29c: {  	s10 =	sadd.s32 $0xA0, s10;
	s2 =	simm.s32 $0x2;
	s7 =	sadd.s32 s9, s7;
	v28 =	vmul.f32 v54, v61;
	v31 =	vld.idx.msk [tilespmem:v20+s24+$0x0], $0xffff;
	v46 =	vadd.f32 $-3.916185000e+01, v53;
	v53 =	vadd.f32 $-1.258291200e+07, v57;
	[tilespmem:s12+$0x50] =	vst v63  }
.LBB2_7:
0x29d: {  	v54 =	vadd.f32 $1.258291200e+07, v35;
	v49 =	vadd.f32 $6.253743650e+00, v49  }
0x29e: {  	v57 =	vadd.f32 $1.258291200e+07, v40;
	v39 =	vsub.f32 v39, v45  }
0x29f: {  	s3 =	sadd.s32 s2, s8;
	v25 =	vmul.f32 v41, v25;
	v44 =	vadd.f32 v44, v14;
	v53 =	vsub.f32 v30, v53  }
0x2a0: {  	v56 =	vld.idx.msk [tilespmem:v37+s23+$0x0], $0xffff;
	v63 =	vmul.f32 $5.702565000e+01, v48;
	s9 =	sadd.s32 $0xA2, s3;
	v50 =	vsub.f32 v50, v52;
	v30 =	vadd.f32 v43, v33  }
0x2a1: {  	v32 =	vadd.f32 $-3.916185000e+01, v32;
	v59 =	vmov s9;
	v60 =	vadd.f32 $-1.258291200e+07, v54  }
0x2a2: {  	v55 =	vld.idx.msk [tilespmem:v12+s30+$0x0], $0xffff;
	v33 =	vadd.f32 $-1.258291200e+07, v57;
	v22 =	vmul.f32 v49, v22;
	v52 =	vmul.f32 v53, v53  }
0x2a3: {  	s3 =	sadd.s32 $0xA3, s3;
	v54 =	vmul.f32 v50, v50;
	v61 =	vadd.f32 $1.258291200e+07, v44;
	v0 =	vadd.f32 v51, v31  }
0x2a4: {  	v43 =	vadd.f32 $1.258291200e+07, v30;
	v27 =	vmul.f32 v32, v27;
	v31 =	vmov s3  }
0x2a5: {  	v47 =	vadd.f32 v47, v56;
	[tilespmem:s15+$0x10] =	vst v0;
	v0 =	vadd.f32 $6.253743650e+00, v28;
	v28 =	vand.u32 $0xFFFFFFFE, v59  }
0x2a6: {  	v27 =	vadd.f32 $6.253743650e+00, v27;
	v41 =	vbroadcast v28, $0x0;
	v28 =	vadd.f32 $-3.916185000e+01, v63;
	v51 =	vld.idx.msk [tilespmem:v20+s25+$0x0], $0xffff;
	[tilespmem:s11+$0x60] =	vst v34  }
0x2a7: {  	v63 =	vmul.f32 $5.702565000e+01, v52;
	v0 =	vmul.f32 v0, v24;
	v58 =	vld.idx.msk [tilespmem:v1+s31+$0x0], $0xffff;
	v24 =	vadd.f32 v55, v26  }
0x2a8: {  	v2 =	vld [tilespmem:$0x1FFB0];
	v34 =	vsub.f32 v40, v33;
	v33 =	vmul.f32 v46, v42;
	v1 =	vmovc v20;
	v20 =	vmul.f32 $5.702565000e+01, v54  }
0x2a9: {  	v43 =	vadd.f32 $-1.258291200e+07, v43;
	v26 =	vld.idx.msk [tilespmem:v31+s16+$0x0], $0xffff;
	v48 =	vmul.f32 v28, v48;
	v28 =	vsub.f32 v35, v60;
	[tilespmem:s12+$0x60] =	vst v24  }
0x2aa: {  	v27 =	vmul.f32 v27, v21;
	v35 =	vadd.f32 $-3.916185000e+01, v63;
	v20 =	vadd.f32 $-3.916185000e+01, v20;
	v60 =	vld.idx.msk [tilespmem:v12+s31+$0x0], $0xffff;
	[tilespmem:s7+$0x0] =	vst v47  }
0x2ab: {  	v42 =	vmul.f32 v34, v34;
	v24 =	vadd.f32 $-1.258291200e+07, v61;
	v12 =	vmovc v37;
	v57 =	vmul.f32 v28, v28;
	v37 =	vld.idx.msk [tilespmem:v37+s24+$0x0], $0xffff  }
0x2ac: {  	v35 =	vmul.f32 v35, v52;
	v20 =	vmul.f32 v20, v54;
	v61 =	vld.idx.msk [tilespmem:v41+s18+$0x0], $0xffff;
	v0 =	vadd.f32 v58, v0  }
0x2ad: {  	v25 =	vadd.f32 v25, v51;
	v51 =	vmul.f32 $5.702565000e+01, v42;
	v59 =	vld.idx.msk [tilespmem:v41+s16+$0x0], $0xffff;
	v63 =	vmul.f32 $5.702565000e+01, v57  }
0x2ae: {  	v24 =	vsub.f32 v44, v24;
	v47 =	vadd.f32 $6.253743650e+00, v35;
	v54 =	vmul.f32 v26, v5;
	[tilespmem:s11+$0x70] =	vst v0;
	s11 =	smov.u32 s15  }
0x2af: {  	v20 =	vadd.f32 $6.253743650e+00, v20;
	v0 =	vmul.f32 v26, v6;
	[tilespmem:s11+$0x20] =	vst v25;
	v25 =	vadd.f32 $-3.916185000e+01, v63  }
0x2b0: {  	v32 =	vmul.f32 v26, v13;
	v38 =	vadd.f32 v60, v38;
	v46 =	vadd.f32 v54, v2  }
0x2b1: {  	v0 =	vadd.f32 v0, v3;
	v22 =	vadd.f32 v22, v37;
	v40 =	vshll.u32 v61, $0x8  }
0x2b2: {  	v58 =	vmul.f32 v59, v7;
	v60 =	vmul.f32 v59, v9;
	v49 =	vadd.f32 $1.258291200e+07, v46  }
0x2b3: {  	[tilespmem:s12+$0x70] =	vst v38;
	s12 =	smov.u32 s7;
	v61 =	vadd.f32 $6.253743650e+00, v48;
	v48 =	vmul.f32 v59, v5;
	v25 =	vmul.f32 v25, v57  }
0x2b4: {  	v37 =	vmul.f32 v59, v13;
	[tilespmem:s12+$0x10] =	vst v22;
	v22 =	vmul.f32 v59, v6;
	v63 =	vadd.f32 v58, v4  }
0x2b5: {  	v52 =	vadd.f32 v60, v11;
	v29 =	vmul.f32 v61, v29;
	v61 =	vld.idx.msk [tilespmem:v12+s25+$0x0], $0xffff;
	v38 =	vadd.f32 $6.253743650e+00, v25  }
0x2b6: {  	v58 =	vmul.f32 v59, v8;
	v25 =	vadd.f32 $1.258291200e+07, v0;
	v48 =	vadd.f32 v48, v2  }
0x2b7: {  	v47 =	vmul.f32 v47, v53;
	v37 =	vadd.f32 v37, v17;
	v59 =	vadd.f32 $1.258291200e+07, v63  }
0x2b8: {  	v35 =	vmul.f32 v20, v50;
	v55 =	vadd.f32 v22, v3;
	v60 =	vadd.f32 v58, v10  }
0x2b9: {  	v57 =	vmul.f32 v26, v7;
	v54 =	vadd.f32 $1.258291200e+07, v52;
	v20 =	vadd.f32 $-1.258291200e+07, v59  }
0x2ba: {  	v58 =	vmul.f32 v26, v9;
	v22 =	vadd.f32 $1.258291200e+07, v60;
	v29 =	vadd.f32 v29, v61  }
0x2bb: {  	v61 =	vmul.f32 v26, v8;
	v26 =	vadd.f32 $6.253743650e+00, v33;
	v45 =	vsub.f32 v63, v20  }
0x2bc: {  	v38 =	vmul.f32 v38, v28;
	v21 =	vadd.f32 $-1.258291200e+07, v22;
	v22 =	vadd.f32 $-1.258291200e+07, v49  }
0x2bd: {  	v20 =	vor.u32 v62, v40;
	v49 =	vadd.f32 $1.258291200e+07, v55;
	v62 =	vadd.f32 $-1.258291200e+07, v25  }
0x2be: {  	v63 =	vmul.f32 v39, v39;
	v26 =	vmul.f32 v26, v23;
	v25 =	vsub.f32 v60, v21  }
0x2bf: {  	v40 =	vld.idx.msk [tilespmem:v1+s26+$0x0], $0xffff;
	v53 =	vmul.f32 v45, v45;
	v46 =	vsub.f32 v46, v22;
	v22 =	vsub.f32 v0, v62  }
0x2c0: {  	[tilespmem:s12+$0x20] =	vst v29;
	v60 =	vmul.f32 $5.702565000e+01, v63;
	v0 =	vadd.f32 $1.258291200e+07, v48;
	v29 =	vadd.f32 $-1.258291200e+07, v49  }
0x2c1: {  	v62 =	vadd.f32 $-3.916185000e+01, v51;
	v51 =	vadd.f32 $-1.258291200e+07, v54;
	v21 =	vmul.f32 $5.702565000e+01, v53  }
0x2c2: {  	v56 =	vmul.f32 v46, v46;
	v0 =	vadd.f32 $-1.258291200e+07, v0;
	v50 =	vadd.f32 $-3.916185000e+01, v60  }
0x2c3: {  	v49 =	vmul.f32 v25, v25;
	v55 =	vsub.f32 v55, v29;
	v60 =	vsub.f32 v30, v43  }
0x2c4: {  	v2 =	vmul.f32 v22, v22;
	v36 =	vadd.f32 v36, v40;
	v40 =	vmul.f32 v62, v42  }
0x2c5: {  	v21 =	vadd.f32 $-3.916185000e+01, v21;
	v54 =	vmul.f32 $5.702565000e+01, v56;
	v0 =	vsub.f32 v48, v0  }
0x2c6: {  	v42 =	vmul.f32 $5.702565000e+01, v49;
	v50 =	vmul.f32 v50, v63;
	v48 =	vadd.f32 v61, v10  }
0x2c7: {  	v30 =	vadd.f32 v57, v4;
	v57 =	vmul.f32 v60, v60;
	[tilespmem:s11+$0x30] =	vst v36;
	v29 =	vmul.f32 v0, v0  }
0x2c8: {  	v21 =	vmul.f32 v21, v53;
	v59 =	vld.idx.msk [tilespmem:v1+s28+$0x0], $0xffff;
	v43 =	vadd.f32 $1.258291200e+07, v48;
	v42 =	vadd.f32 $-3.916185000e+01, v42  }
0x2c9: {  	v33 =	vmul.f32 $5.702565000e+01, v57;
	v50 =	vadd.f32 $6.253743650e+00, v50;
	v63 =	vmul.f32 $5.702565000e+01, v29  }
0x2ca: {  	v36 =	vadd.f32 $6.253743650e+00, v21;
	v21 =	vsub.f32 v52, v51;
	v51 =	vmul.f32 v55, v55;
	v52 =	vld.idx.msk [tilespmem:v12+s26+$0x0], $0xffff  }
0x2cb: {  	v53 =	vld.idx.msk [tilespmem:v31+s4+$0x0], $0xffff;
	v62 =	vadd.f32 $-3.916185000e+01, v33;
	v39 =	vmul.f32 v50, v39;
	v23 =	vadd.f32 $-3.916185000e+01, v63  }
0x2cc: {  	v50 =	vmul.f32 v42, v49;
	v44 =	vmul.f32 $5.702565000e+01, v51;
	v63 =	vadd.f32 $6.253743650e+00, v40  }
0x2cd: {  	v40 =	vadd.f32 $-1.258291200e+07, v43;
	v59 =	vadd.f32 v27, v59;
	v23 =	vmul.f32 v23, v29  }
0x2ce: {  	v61 =	vld.idx.msk [tilespmem:v20+s23+$0x0], $0xffff;
	v57 =	vmul.f32 v62, v57;
	v36 =	vmul.f32 v36, v45;
	v29 =	vadd.f32 $-3.916185000e+01, v54  }
0x2cf: {  	v27 =	vmul.f32 v21, v21;
	[tilespmem:s11+$0x40] =	vst v59;
	v47 =	vadd.f32 v47, v52;
	v23 =	vadd.f32 $6.253743650e+00, v23  }
0x2d0: {  	s14 =	sadd.s32 $0x100, s14;
	v43 =	vadd.f32 v32, v17;
	v33 =	vmul.f32 v53, v15;
	v34 =	vmul.f32 v63, v34;
	v54 =	vld.idx.msk [tilespmem:v1+s29+$0x0], $0xffff  }
0x2d1: {  	s13 =	sadd.s32 $0x200, s13;
	s9 =	sadd.s32 $0xFFFFFF80, s14;
	v62 =	vlaneseq.u32;
	v52 =	vld.idx.msk [tilespmem:v41+s4+$0x0], $0xffff;
	v29 =	vmul.f32 v29, v56;
	[tilespmem:s12+$0x30] =	vst v47;
	v0 =	vmul.f32 v23, v0  }
0x2d2: {  	s3 =	sand.u32 $0x300, s9;
	s15 =	sand.u32 $0xF800, s13;
	v41 =	vadd.f32 $6.253743650e+00, v50;
	v56 =	vmul.f32 v53, v16;
	v50 =	vadd.f32 v58, v11;
	v42 =	vld.idx.msk [tilespmem:v12+s28+$0x0], $0xffff  }
0x2d3: {  	s15 =	sadd.s32 $0x13A00, s15;
	s7 =	sand.u32 $0x380, s14;
	v23 =	vadd.f32 $-3.916185000e+01, v44;
	v44 =	vmul.f32 $5.702565000e+01, v2;
	v0 =	vadd.f32 v0, v61  }
0x2d4: {  	s7 =	sadd.s32 s7, s15;
	s15 =	sadd.s32 s3, s15;
	v59 =	vmul.f32 v24, v24;
	v61 =	vadd.f32 $6.253743650e+00, v29;
	v29 =	vsub.f32 v48, v40  }
0x2d5: {  	v53 =	vmul.f32 v53, v19;
	v44 =	vadd.f32 $-3.916185000e+01, v44;
	[tilespmem:s15+$0x0] =	vst v0;
	v0 =	vadd.f32 v56, v18  }
0x2d6: {  	v23 =	vmul.f32 v23, v51;
	v39 =	vadd.f32 v54, v39;
	v48 =	vmul.f32 v52, v15  }
0x2d7: {  	v47 =	vmul.f32 v61, v46;
	v56 =	vadd.f32 v35, v42;
	v61 =	vadd.f32 $1.258291200e+07, v0  }
0x2d8: {  	v31 =	vld.idx.msk [tilespmem:v31+s18+$0x0], $0xffff;
	v46 =	vadd.f32 $6.253743650e+00, v57;
	v57 =	vmul.f32 v52, v16;
	v49 =	vmul.f32 v44, v2  }
0x2d9: {  	v44 =	vmul.f32 v52, v19;
	v35 =	vadd.f32 v53, v14;
	[tilespmem:s12+$0x40] =	vst v56;
	v2 =	vadd.f32 $-1.258291200e+07, v61  }
0x2da: {  	v32 =	vmul.f32 $5.702565000e+01, v27;
	[tilespmem:s11+$0x50] =	vst v39;
	v39 =	vadd.f32 v37, v48;
	v40 =	vadd.f32 v57, v18;
	v57 =	vld.idx.msk [tilespmem:v12+s29+$0x0], $0xffff  }
0x2db: {  	s2 =	sadd.s32 $0x2, s2;
	v53 =	vld.idx.msk [tilespmem:v1+s30+$0x0], $0xffff;
	v46 =	vmul.f32 v46, v60;
	v60 =	vadd.f32 $6.253743650e+00, v23;
	v23 =	vsub.f32 v0, v2  }
0x2dc: {  	p1 =	slt.u32 s2, $0x9E;
	v54 =	vadd.f32 $1.258291200e+07, v30;
	v48 =	vmul.f32 v29, v29;
	v61 =	vmul.f32 $5.702565000e+01, v59  }
.Ltmp2:
0x2dd: {  	v0 =	vshll.u32 v31, $0x8;
	v2 =	vadd.f32 $1.258291200e+07, v39;
	v42 =	vmul.f32 v23, v23;
	(pc) =	sbr.rel @p1 .LBB2_7-.Ltmp2, $4  }
0x2de: {  	v61 =	vadd.f32 $-3.916185000e+01, v61;
	v37 =	vor.u32 v62, v0;
	v0 =	vadd.f32 $1.258291200e+07, v50  }
0x2df: {  	v45 =	vadd.f32 $-1.258291200e+07, v2;
	v2 =	vadd.f32 v57, v46;
	v63 =	vmul.f32 $5.702565000e+01, v42  }
0x2e0: {  	v51 =	vmul.f32 v60, v55;
	v34 =	vadd.f32 v53, v34;
	v53 =	vadd.f32 $-1.258291200e+07, v54  }
0x2e1: {  	v31 =	vld.idx.msk [tilespmem:v20+s24+$0x0], $0xffff;
	v28 =	vmul.f32 v61, v59;
	v52 =	vadd.f32 $-1.258291200e+07, v0;
	[tilespmem:s12+$0x50] =	vst v2;
	v46 =	vadd.f32 $-3.916185000e+01, v63  }
0x2e2: {  	_ =	sdelay $0x3  }
0x2e3: {  	v0 =	vld.idx.msk [tilespmem:v37+s23+$0x0], $0xffff;
	_ =	sdelay $0x4  }
0x2e4: {  	v0 =	vadd.f32 v47, v0;
	_ =	sdelay $0x1  }
0x2e5: {  	[tilespmem:s7+$0x0] =	vst v0  }
0x2e6: {  	v0 =	vld.idx.msk [tilespmem:v37+s24+$0x0], $0xffff  }
0x2e7: {  	v2 =	vadd.f32 $6.253743650e+00, v49;
	_ =	sdelay $0x1  }
0x2e8: {  	v3 =	vmul.f32 $5.702565000e+01, v48;
	v2 =	vmul.f32 v2, v22  }
0x2e9: {  	v4 =	vadd.f32 v51, v31  }
0x2ea: {  	v3 =	vadd.f32 $-3.916185000e+01, v3;
	v0 =	vadd.f32 v2, v0  }
0x2eb: {  	[tilespmem:s15+$0x10] =	vst v4  }
0x2ec: {  	v3 =	vmul.f32 v3, v48;
	v4 =	vld.idx.msk [tilespmem:v20+s25+$0x0], $0xffff;
	v2 =	vsub.f32 v30, v53;
	[tilespmem:s7+$0x10] =	vst v0  }
0x2ed: {  	v0 =	vld.idx.msk [tilespmem:v37+s25+$0x0], $0xffff  }
0x2ee: {  	v3 =	vadd.f32 $6.253743650e+00, v3;
	v5 =	vmul.f32 v2, v2  }
0x2ef: {  	v6 =	vmul.f32 v41, v25  }
0x2f0: {  	v3 =	vmul.f32 v3, v29;
	v7 =	vmul.f32 $5.702565000e+01, v5  }
0x2f1: {  	v8 =	vsub.f32 v50, v52;
	v4 =	vadd.f32 v6, v4  }
0x2f2: {  	v6 =	vadd.f32 $-3.916185000e+01, v7;
	v0 =	vadd.f32 v3, v0  }
0x2f3: {  	[tilespmem:s15+$0x20] =	vst v4  }
0x2f4: {  	v3 =	vmul.f32 v8, v8;
	v4 =	vmul.f32 v6, v5;
	v5 =	vld.idx.msk [tilespmem:v20+s26+$0x0], $0xffff;
	[tilespmem:s7+$0x20] =	vst v0  }
0x2f5: {  	v0 =	vld.idx.msk [tilespmem:v37+s26+$0x0], $0xffff  }
0x2f6: {  	v6 =	vadd.f32 v43, v33;
	v7 =	vmul.f32 $5.702565000e+01, v3;
	v4 =	vadd.f32 $6.253743650e+00, v4;
	_ =	sdelay $0x1  }
0x2f7: {  	v9 =	vadd.f32 $1.258291200e+07, v6;
	v7 =	vadd.f32 $-3.916185000e+01, v7;
	v2 =	vmul.f32 v4, v2  }
0x2f8: {  	v4 =	vadd.f32 $-3.916185000e+01, v32;
	v5 =	vadd.f32 v36, v5  }
0x2f9: {  	v9 =	vadd.f32 $-1.258291200e+07, v9;
	v0 =	vadd.f32 v2, v0  }
0x2fa: {  	[tilespmem:s15+$0x30] =	vst v5;
	v2 =	vmul.f32 v4, v27;
	v4 =	vsub.f32 v39, v45  }
0x2fb: {  	v3 =	vmul.f32 v7, v3;
	v6 =	vsub.f32 v6, v9;
	v5 =	vld.idx.msk [tilespmem:v20+s28+$0x0], $0xffff;
	[tilespmem:s7+$0x30] =	vst v0  }
0x2fc: {  	v0 =	vadd.f32 $6.253743650e+00, v2;
	v2 =	vmul.f32 v4, v4;
	v7 =	vld.idx.msk [tilespmem:v37+s28+$0x0], $0xffff  }
0x2fd: {  	v9 =	vadd.f32 $1.258291200e+07, v40;
	v3 =	vadd.f32 $6.253743650e+00, v3;
	v10 =	vmul.f32 v6, v6  }
0x2fe: {  	v0 =	vmul.f32 v0, v21;
	v11 =	vmul.f32 $5.702565000e+01, v2  }
0x2ff: {  	v9 =	vadd.f32 $-1.258291200e+07, v9;
	v3 =	vmul.f32 v3, v8;
	v8 =	vmul.f32 $5.702565000e+01, v10  }
0x300: {  	v11 =	vadd.f32 $-3.916185000e+01, v11;
	v0 =	vadd.f32 v0, v5  }
0x301: {  	v5 =	vadd.f32 $-3.916185000e+01, v8;
	v3 =	vadd.f32 v3, v7  }
0x302: {  	v7 =	vsub.f32 v40, v9;
	v2 =	vmul.f32 v11, v2;
	[tilespmem:s15+$0x40] =	vst v0  }
0x303: {  	v0 =	vadd.f32 v44, v14;
	v5 =	vmul.f32 v5, v10;
	v8 =	vld.idx.msk [tilespmem:v20+s29+$0x0], $0xffff;
	[tilespmem:s7+$0x40] =	vst v3  }
0x304: {  	v3 =	vmul.f32 v7, v7;
	v2 =	vadd.f32 $6.253743650e+00, v2;
	v9 =	vld.idx.msk [tilespmem:v37+s29+$0x0], $0xffff  }
0x305: {  	v10 =	vadd.f32 $1.258291200e+07, v0;
	v5 =	vadd.f32 $6.253743650e+00, v5  }
0x306: {  	v11 =	vmul.f32 $5.702565000e+01, v3;
	v2 =	vmul.f32 v2, v4  }
0x307: {  	v4 =	vadd.f32 $1.258291200e+07, v35;
	v10 =	vadd.f32 $-1.258291200e+07, v10;
	v5 =	vmul.f32 v5, v6  }
0x308: {  	v6 =	vadd.f32 $-3.916185000e+01, v11;
	v2 =	vadd.f32 v8, v2  }
0x309: {  	v4 =	vadd.f32 $-1.258291200e+07, v4;
	v5 =	vadd.f32 v9, v5  }
0x30a: {  	v8 =	vld.idx.msk [tilespmem:v12+s30+$0x0], $0xffff;
	v0 =	vsub.f32 v0, v10;
	v3 =	vmul.f32 v6, v3;
	[tilespmem:s15+$0x50] =	vst v2  }
0x30b: {  	v2 =	vsub.f32 v35, v4;
	v4 =	vmul.f32 v46, v42;
	v6 =	vld.idx.msk [tilespmem:v20+s30+$0x0], $0xffff;
	[tilespmem:s7+$0x50] =	vst v5  }
0x30c: {  	v5 =	vmul.f32 v0, v0;
	v3 =	vadd.f32 $6.253743650e+00, v3;
	v9 =	vld.idx.msk [tilespmem:v37+s30+$0x0], $0xffff  }
0x30d: {  	v10 =	vmul.f32 v2, v2;
	v4 =	vadd.f32 $6.253743650e+00, v4  }
0x30e: {  	v11 =	vmul.f32 $5.702565000e+01, v5;
	v3 =	vmul.f32 v3, v7  }
0x30f: {  	v7 =	vadd.f32 v8, v26;
	v8 =	vmul.f32 $5.702565000e+01, v10;
	v4 =	vmul.f32 v4, v23  }
0x310: {  	[tilespmem:s11+$0x60] =	vst v34;
	v11 =	vadd.f32 $-3.916185000e+01, v11;
	v3 =	vadd.f32 v6, v3  }
0x311: {  	v1 =	vld.idx.msk [tilespmem:v1+s31+$0x0], $0xffff;
	[tilespmem:s12+$0x60] =	vst v7;
	v6 =	vadd.f32 $-3.916185000e+01, v8;
	v4 =	vadd.f32 v9, v4  }
0x312: {  	v7 =	vadd.f32 $6.253743650e+00, v28;
	v8 =	vld.idx.msk [tilespmem:v12+s31+$0x0], $0xffff;
	v5 =	vmul.f32 v11, v5;
	[tilespmem:s15+$0x60] =	vst v3  }
0x313: {  	v3 =	vmul.f32 v6, v10;
	v6 =	vld.idx.msk [tilespmem:v20+s31+$0x0], $0xffff;
	[tilespmem:s7+$0x60] =	vst v4  }
0x314: {  	v4 =	vmul.f32 v7, v24;
	v5 =	vadd.f32 $6.253743650e+00, v5;
	v7 =	vld.idx.msk [tilespmem:v37+s31+$0x0], $0xffff  }
0x315: {  	v3 =	vadd.f32 $6.253743650e+00, v3  }
0x316: {  	v1 =	vadd.f32 v1, v4;
	v0 =	vmul.f32 v5, v0  }
0x317: {  	v4 =	vadd.f32 v8, v38;
	v2 =	vmul.f32 v3, v2  }
0x318: {  	[tilespmem:s11+$0x70] =	vst v1;
	v0 =	vadd.f32 v6, v0  }
0x319: {  	[tilespmem:s12+$0x70] =	vst v4;
	v1 =	vadd.f32 v7, v2  }
0x31a: {  	[tilespmem:s15+$0x70] =	vst v0  }
0x31b: {  	[tilespmem:s7+$0x70] =	vst v1  }
0x31c: {  	v3 =	vld [tilespmem:$0x3580]  }
0x31d: {  	v4 =	vld [tilespmem:$0x3590]  }
0x31e: {  	s2 =	sadd.s32 $0xFFFFFFFE, s8;
	v5 =	vld [tilespmem:$0x35B0]  }
0x31f: {  	s3 =	sadd.s32 $0xA2, s2;
	s2 =	sadd.s32 $0xA3, s2;
	v6 =	vld [tilespmem:$0x35C0]  }
0x320: {  	v0 =	vmov s3;
	v1 =	vmov s2;
	v7 =	vld [tilespmem:$0x3380]  }
0x321: {  	v0 =	vand.u32 $0xFFFFFFFE, v0;
	v8 =	vld [tilespmem:$0x3390]  }
0x322: {  	v0 =	vbroadcast v0, $0x0;
	v9 =	vld [tilespmem:$0x34B0]  }
0x323: {  	v10 =	vld [tilespmem:$0x34C0]  }
0x324: {  	v11 =	vld [tilespmem:$0x33A0]  }
0x325: {  	v2 =	vld.idx.msk [tilespmem:v1+s4+$0x0], $0xffff  }
0x326: {  	v22 =	vld.idx.msk [tilespmem:v1+s17+$0x0], $0xffff  }
0x327: {  	s12 =	simm.s32 $0x0;
	v12 =	vld [tilespmem:$0x34D0]  }
0x328: {  	s13 =	simm.s32 $0x0;
	s2 =	sand.u32 $0xF800, s12;
	v16 =	vld.idx.msk [tilespmem:v0+s4+$0x0], $0xffff  }
0x329: {  	s14 =	simm.s32 $0x80;
	s3 =	sand.u32 $0x300, s13;
	s2 =	sadd.s32 $0x13A00, s2;
	v18 =	vld.idx.msk [tilespmem:v0+s17+$0x0], $0xffff  }
0x32a: {  	s15 =	sadd.s32 $0x0, s8;
	v13 =	vld [tilespmem:$0x35A0];
	s11 =	sadd.s32 s3, s2;
	s3 =	sand.u32 $0x380, s14;
	v14 =	vmul.f32 v2, v7  }
0x32b: {  	s12 =	sadd.s32 s3, s2;
	s2 =	sadd.s32 $0xA3, s15;
	v15 =	vmul.f32 v2, v8;
	v19 =	vmul.f32 v22, v9  }
0x32c: {  	v38 =	vmov s2;
	v21 =	vmul.f32 v22, v10;
	v2 =	vmul.f32 v2, v11  }
0x32d: {  	v0 =	vld.idx.msk [tilespmem:v0+s18+$0x0], $0xffff;
	v57 =	vmul.f32 v22, v12;
	v17 =	vmul.f32 v16, v7;
	v20 =	vadd.f32 v14, v3  }
0x32e: {  	v24 =	vmul.f32 v18, v9;
	v23 =	vadd.f32 v15, v4;
	v26 =	vadd.f32 v19, v5  }
0x32f: {  	v1 =	vld.idx.msk [tilespmem:v1+s18+$0x0], $0xffff;
	v19 =	vmul.f32 v16, v8;
	v21 =	vadd.f32 v21, v6;
	v56 =	vadd.f32 v2, v13  }
0x330: {  	v14 =	vld [tilespmem:$0x34A0];
	v16 =	vmul.f32 v16, v11;
	v17 =	vadd.f32 v17, v3;
	v24 =	vadd.f32 v24, v5  }
0x331: {  	v29 =	vmul.f32 v18, v12;
	v15 =	vld [tilespmem:$0x34E0];
	v25 =	vadd.f32 $1.258291200e+07, v20;
	v27 =	vadd.f32 $1.258291200e+07, v23  }
0x332: {  	v0 =	vshll.u32 v0, $0x8;
	v31 =	vadd.f32 v19, v4;
	v2 =	vadd.f32 v16, v13  }
0x333: {  	v54 =	vmul.f32 v18, v10;
	v48 =	vadd.f32 $1.258291200e+07, v26;
	v28 =	vadd.f32 $1.258291200e+07, v17  }
0x334: {  	v16 =	vshll.u32 v1, $0x8;
	v27 =	vadd.f32 $-1.258291200e+07, v27;
	v1 =	vadd.f32 $1.258291200e+07, v31  }
0x335: {  	v40 =	vadd.f32 $-1.258291200e+07, v48;
	v28 =	vadd.f32 $-1.258291200e+07, v28;
	v30 =	vmul.f32 v18, v14  }
0x336: {  	v19 =	vmul.f32 v22, v15;
	v23 =	vsub.f32 v23, v27;
	v27 =	vadd.f32 $-1.258291200e+07, v1  }
0x337: {  	v1 =	vor.u32 v62, v0;
	v0 =	vadd.f32 $1.258291200e+07, v24;
	v26 =	vsub.f32 v26, v40  }
0x338: {  	v28 =	vsub.f32 v17, v28;
	v17 =	vadd.f32 $-1.258291200e+07, v25;
	v25 =	vmul.f32 v22, v14  }
0x339: {  	v30 =	vadd.f32 v2, v30;
	v2 =	vor.u32 v62, v16;
	v27 =	vsub.f32 v31, v27  }
0x33a: {  	v16 =	vld [tilespmem:$0x34F0];
	v63 =	vmul.f32 v23, v23;
	v0 =	vadd.f32 $-1.258291200e+07, v0;
	v40 =	vmul.f32 v26, v26  }
0x33b: {  	v58 =	vmul.f32 v28, v28;
	v20 =	vsub.f32 v20, v17;
	v25 =	vadd.f32 v56, v25  }
0x33c: {  	v31 =	vadd.f32 $1.258291200e+07, v30;
	v46 =	vmul.f32 v27, v27;
	v49 =	vmul.f32 $5.702565000e+01, v63  }
0x33d: {  	v0 =	vsub.f32 v24, v0;
	v24 =	vadd.f32 $1.258291200e+07, v21;
	v59 =	vmul.f32 $5.702565000e+01, v58  }
0x33e: {  	v60 =	vmul.f32 v20, v20;
	v61 =	vadd.f32 $1.258291200e+07, v25;
	v31 =	vadd.f32 $-1.258291200e+07, v31  }
0x33f: {  	v50 =	vmul.f32 $5.702565000e+01, v46;
	v43 =	vmul.f32 v18, v16;
	v51 =	vadd.f32 $-3.916185000e+01, v49  }
0x340: {  	v42 =	vadd.f32 $-1.258291200e+07, v24;
	v17 =	vadd.f32 $-3.916185000e+01, v59;
	v45 =	vmul.f32 $5.702565000e+01, v60  }
0x341: {  	v35 =	vadd.f32 $-1.258291200e+07, v61;
	v30 =	vsub.f32 v30, v31;
	v61 =	vmul.f32 $5.702565000e+01, v40  }
0x342: {  	v52 =	vadd.f32 $-3.916185000e+01, v50;
	v34 =	vmul.f32 v17, v58;
	v17 =	vld [tilespmem:$0x35D0];
	v37 =	vadd.f32 $-3.916185000e+01, v45  }
0x343: {  	v24 =	vmul.f32 v51, v63;
	v25 =	vsub.f32 v25, v35;
	v56 =	vmul.f32 v30, v30  }
0x344: {  	v47 =	vld.idx.msk [tilespmem:v1+s1+$0x0], $0xffff;
	v48 =	vadd.f32 $-3.916185000e+01, v61;
	v34 =	vadd.f32 $6.253743650e+00, v34;
	v32 =	vmul.f32 v37, v60  }
0x345: {  	v24 =	vadd.f32 $6.253743650e+00, v24;
	v37 =	vmul.f32 v18, v15;
	v59 =	vmul.f32 $5.702565000e+01, v56  }
0x346: {  	v39 =	vmul.f32 v25, v25;
	v28 =	vmul.f32 v34, v28;
	v32 =	vadd.f32 $6.253743650e+00, v32  }
0x347: {  	v53 =	vld.idx.msk [tilespmem:v2+s1+$0x0], $0xffff;
	v34 =	vmul.f32 v52, v46;
	v41 =	vadd.f32 $-3.916185000e+01, v59;
	v31 =	vadd.f32 v57, v17  }
0x348: {  	v18 =	vld [tilespmem:$0x35E0];
	v52 =	vmul.f32 $5.702565000e+01, v39;
	v57 =	vadd.f32 v54, v6;
	v29 =	vadd.f32 v29, v17  }
0x349: {  	v22 =	vmul.f32 v22, v16;
	v28 =	vadd.f32 v28, v47;
	v55 =	vadd.f32 $6.253743650e+00, v34  }
0x34a: {  	v32 =	vmul.f32 v32, v20;
	v20 =	vld [tilespmem:$0x35F0];
	v36 =	vadd.f32 $-3.916185000e+01, v52;
	v60 =	vadd.f32 $1.258291200e+07, v57  }
0x34b: {  	v51 =	vmul.f32 v48, v40;
	v35 =	vadd.f32 $1.258291200e+07, v31;
	v49 =	vadd.f32 $1.258291200e+07, v29  }
0x34c: {  	v24 =	vmul.f32 v24, v23;
	[tilespmem:s11+$0x400] =	vst v28;
	v28 =	vadd.f32 v32, v53;
	v63 =	vadd.f32 $-1.258291200e+07, v60  }
0x34d: {  	v54 =	vmul.f32 v0, v0;
	v37 =	vadd.f32 v37, v18;
	v58 =	vld.idx.msk [tilespmem:v1+s0+$0x0], $0xffff;
	v23 =	vadd.f32 $-1.258291200e+07, v49  }
0x34e: {  	v61 =	vadd.f32 $-1.258291200e+07, v35;
	[tilespmem:s12+$0x400] =	vst v28;
	v28 =	vmul.f32 v41, v56;
	v32 =	vsub.f32 v57, v63  }
0x34f: {  	v56 =	vmul.f32 $5.702565000e+01, v54;
	v22 =	vadd.f32 v22, v20;
	v23 =	vsub.f32 v29, v23  }
0x350: {  	v27 =	vmul.f32 v55, v27;
	v50 =	vld.idx.msk [tilespmem:v2+s0+$0x0], $0xffff;
	v29 =	vadd.f32 $6.253743650e+00, v51;
	v28 =	vadd.f32 $6.253743650e+00, v28  }
0x351: {  	v41 =	vld.idx.msk [tilespmem:v38+s4+$0x0], $0xffff;
	v59 =	vadd.f32 $-3.916185000e+01, v56;
	v53 =	vmul.f32 v32, v32;
	v44 =	vmul.f32 v23, v23  }
0x352: {  	v26 =	vmul.f32 v29, v26;
	v27 =	vadd.f32 v27, v58;
	v58 =	vmul.f32 v36, v39  }
0x353: {  	v48 =	vadd.f32 v43, v20;
	v28 =	vmul.f32 v28, v30;
	v55 =	vmul.f32 $5.702565000e+01, v53  }
0x354: {  	v30 =	vadd.f32 $1.258291200e+07, v37;
	v36 =	vmul.f32 v59, v54;
	v39 =	vsub.f32 v21, v42  }
0x355: {  	v63 =	vmul.f32 $5.702565000e+01, v44;
	v24 =	vadd.f32 v24, v50;
	v57 =	vadd.f32 $-3.916185000e+01, v55  }
0x356: {  	v59 =	vmul.f32 v41, v7;
	v60 =	vadd.f32 $6.253743650e+00, v58;
	v30 =	vadd.f32 $-1.258291200e+07, v30;
	[tilespmem:s11+$0x410] =	vst v27  }
0x357: {  	v50 =	vsub.f32 v31, v61;
	v27 =	vadd.f32 $1.258291200e+07, v48;
	v31 =	vld.idx.msk [tilespmem:v1+s19+$0x0], $0xffff;
	[tilespmem:s12+$0x410] =	vst v24;
	v24 =	vmul.f32 v57, v53  }
0x358: {  	s7 =	sadd.s32 $0xA2, s15;
	v42 =	vmul.f32 v39, v39;
	v46 =	vadd.f32 v59, v3;
	v25 =	vmul.f32 v60, v25;
	v47 =	vld.idx.msk [tilespmem:v2+s19+$0x0], $0xffff  }
0x359: {  	v49 =	vadd.f32 $6.253743650e+00, v24;
	v24 =	vsub.f32 v37, v30;
	v30 =	vmov s7  }
0x35a: {  	v34 =	vmul.f32 v50, v50;
	v29 =	vand.u32 $0xFFFFFFFE, v30;
	v30 =	vadd.f32 v19, v18  }
0x35b: {  	v60 =	vmul.f32 v41, v8;
	v19 =	vadd.f32 $-1.258291200e+07, v27;
	v27 =	vadd.f32 $1.258291200e+07, v22  }
0x35c: {  	v28 =	vadd.f32 v28, v31;
	v31 =	vadd.f32 $6.253743650e+00, v36;
	v37 =	vbroadcast v29, $0x0  }
0x35d: {  	v29 =	vmul.f32 $5.702565000e+01, v34;
	v25 =	vadd.f32 v25, v47;
	v51 =	vadd.f32 $1.258291200e+07, v30  }
0x35e: {  	v41 =	vmul.f32 v41, v11;
	v19 =	vsub.f32 v48, v19;
	v27 =	vadd.f32 $-1.258291200e+07, v27  }
0x35f: {  	[tilespmem:s11+$0x420] =	vst v28;
	v28 =	vmul.f32 $5.702565000e+01, v42;
	v0 =	vmul.f32 v31, v0;
	v21 =	vadd.f32 $-3.916185000e+01, v29  }
0x360: {  	v47 =	vadd.f32 v60, v4;
	v29 =	vmul.f32 v24, v24;
	[tilespmem:s12+$0x420] =	vst v25;
	v25 =	vadd.f32 $-1.258291200e+07, v51  }
0x361: {  	v55 =	vld.idx.msk [tilespmem:v1+s20+$0x0], $0xffff;
	v31 =	vmul.f32 v19, v19;
	v28 =	vadd.f32 $-3.916185000e+01, v28;
	v21 =	vmul.f32 v21, v34  }
0x362: {  	v60 =	vadd.f32 v41, v13;
	v52 =	vld.idx.msk [tilespmem:v2+s20+$0x0], $0xffff;
	v34 =	vmul.f32 v49, v32;
	v53 =	vmul.f32 $5.702565000e+01, v29  }
0x363: {  	v25 =	vsub.f32 v30, v25;
	v28 =	vmul.f32 v28, v42;
	v36 =	vld.idx.msk [tilespmem:v37+s4+$0x0], $0xffff;
	v54 =	vadd.f32 $6.253743650e+00, v21  }
0x364: {  	v43 =	vmul.f32 $5.702565000e+01, v31;
	v21 =	vsub.f32 v22, v27;
	v22 =	vadd.f32 $-3.916185000e+01, v63;
	v27 =	vld.idx.msk [tilespmem:v38+s17+$0x0], $0xffff  }
0x365: {  	v30 =	vld.idx.msk [tilespmem:v37+s17+$0x0], $0xffff;
	v40 =	vadd.f32 $-3.916185000e+01, v53;
	v56 =	vmul.f32 v25, v25;
	v28 =	vadd.f32 $6.253743650e+00, v28  }
0x366: {  	v43 =	vadd.f32 $-3.916185000e+01, v43;
	v32 =	vmul.f32 v54, v50;
	v22 =	vmul.f32 v22, v44  }
0x367: {  	v0 =	vadd.f32 v0, v55;
	v40 =	vmul.f32 v40, v29;
	v57 =	vmul.f32 $5.702565000e+01, v56  }
0x368: {  	v38 =	vld.idx.msk [tilespmem:v38+s18+$0x0], $0xffff;
	v26 =	vadd.f32 v26, v52;
	v28 =	vmul.f32 v28, v39;
	v29 =	vmul.f32 v43, v31  }
0x369: {  	v49 =	vadd.f32 $6.253743650e+00, v22;
	v40 =	vadd.f32 $6.253743650e+00, v40;
	v58 =	vmul.f32 v36, v7  }
0x36a: {  	v22 =	vld.idx.msk [tilespmem:v37+s18+$0x0], $0xffff;
	v33 =	vadd.f32 $-3.916185000e+01, v57;
	v63 =	vmul.f32 v27, v9;
	v48 =	vmul.f32 v30, v9  }
0x36b: {  	[tilespmem:s12+$0x430] =	vst v26;
	v55 =	vmul.f32 v36, v8;
	v36 =	vmul.f32 v36, v11;
	v61 =	vadd.f32 v58, v3  }
0x36c: {  	v57 =	vld.idx.msk [tilespmem:v2+s21+$0x0], $0xffff;
	v26 =	vmul.f32 v33, v56;
	v56 =	vadd.f32 $1.258291200e+07, v47;
	v58 =	vadd.f32 $1.258291200e+07, v46  }
0x36d: {  	v38 =	vshll.u32 v38, $0x8;
	v45 =	vadd.f32 v63, v5;
	v33 =	vadd.f32 v55, v4  }
0x36e: {  	v36 =	vadd.f32 v36, v13;
	v63 =	vmul.f32 v30, v14;
	v48 =	vadd.f32 v48, v5  }
0x36f: {  	[tilespmem:s11+$0x430] =	vst v0;
	v0 =	vmul.f32 v27, v10;
	v54 =	vadd.f32 $1.258291200e+07, v61;
	v35 =	vadd.f32 $-1.258291200e+07, v56  }
0x370: {  	v51 =	vmul.f32 v27, v12;
	v36 =	vadd.f32 v36, v63;
	v26 =	vadd.f32 $6.253743650e+00, v26  }
0x371: {  	v22 =	vshll.u32 v22, $0x8;
	v59 =	vadd.f32 $-1.258291200e+07, v54;
	v50 =	vadd.f32 v28, v57  }
0x372: {  	v22 =	vor.u32 v62, v22;
	v28 =	vadd.f32 $-1.258291200e+07, v58;
	v54 =	vadd.f32 $1.258291200e+07, v33  }
0x373: {  	v35 =	vsub.f32 v47, v35;
	v37 =	vsub.f32 v61, v59;
	v61 =	vmul.f32 v27, v14  }
0x374: {  	v47 =	vmul.f32 v49, v23;
	v28 =	vsub.f32 v46, v28;
	v56 =	vadd.f32 $-1.258291200e+07, v54  }
0x375: {  	v23 =	vor.u32 v62, v38;
	v42 =	vmul.f32 v37, v37;
	v39 =	vadd.f32 v60, v61  }
0x376: {  	v58 =	vmul.f32 v28, v28;
	v33 =	vsub.f32 v33, v56;
	v56 =	vadd.f32 $1.258291200e+07, v36  }
0x377: {  	v52 =	vmul.f32 v26, v25;
	v55 =	vmul.f32 $5.702565000e+01, v42;
	v57 =	vadd.f32 $1.258291200e+07, v39  }
0x378: {  	v25 =	vadd.f32 $1.258291200e+07, v48;
	v60 =	vmul.f32 $5.702565000e+01, v58;
	v38 =	vadd.f32 $-1.258291200e+07, v56  }
0x379: {  	v61 =	vmul.f32 v33, v33;
	v41 =	vadd.f32 $-3.916185000e+01, v55;
	v59 =	vadd.f32 $-1.258291200e+07, v57  }
0x37a: {  	v46 =	vadd.f32 $-3.916185000e+01, v60;
	v36 =	vsub.f32 v36, v38;
	v38 =	vmul.f32 v30, v12  }
0x37b: {  	v41 =	vmul.f32 v41, v42;
	v42 =	vmul.f32 v35, v35;
	v44 =	vsub.f32 v39, v59;
	v59 =	vld.idx.msk [tilespmem:v1+s21+$0x0], $0xffff  }
0x37c: {  	v63 =	vld.idx.msk [tilespmem:v22+s1+$0x0], $0xffff;
	v60 =	vadd.f32 $1.258291200e+07, v45;
	v57 =	vmul.f32 v46, v58;
	v58 =	vmul.f32 $5.702565000e+01, v61  }
0x37d: {  	v56 =	vmul.f32 v36, v36;
	v41 =	vadd.f32 $6.253743650e+00, v41;
	v55 =	vmul.f32 $5.702565000e+01, v42  }
0x37e: {  	v49 =	vmul.f32 v27, v16;
	v38 =	vadd.f32 v38, v17;
	v46 =	vadd.f32 $-3.916185000e+01, v58  }
0x37f: {  	v58 =	vmul.f32 $5.702565000e+01, v56;
	v37 =	vmul.f32 v41, v37;
	v39 =	vadd.f32 $-3.916185000e+01, v55  }
0x380: {  	v26 =	vmul.f32 v46, v61;
	v41 =	vadd.f32 $6.253743650e+00, v57;
	v34 =	vadd.f32 v34, v59  }
0x381: {  	s13 =	simm.s32 $0x200;
	v57 =	vmul.f32 v30, v10;
	v37 =	vadd.f32 v37, v63;
	v63 =	vadd.f32 $-1.258291200e+07, v60  }
0x382: {  	s9 =	sand.u32 $0xF800, s13;
	s14 =	simm.s32 $0x100;
	[tilespmem:s12+$0x440] =	vst v50;
	v41 =	vmul.f32 v41, v28;
	v28 =	vadd.f32 $-1.258291200e+07, v25;
	v54 =	vadd.f32 $6.253743650e+00, v26  }
0x383: {  	s3 =	sand.u32 $0x300, s14;
	s2 =	sadd.s32 $0x13A00, s9;
	v61 =	vld.idx.msk [tilespmem:v23+s1+$0x0], $0xffff;
	v39 =	vmul.f32 v39, v42;
	v26 =	vadd.f32 v0, v6;
	v59 =	vadd.f32 v57, v6  }
0x384: {  	s7 =	sadd.s32 s3, s2;
	v25 =	vmul.f32 v27, v15;
	v45 =	vsub.f32 v45, v63;
	v28 =	vsub.f32 v48, v28;
	v63 =	vld.idx.msk [tilespmem:v2+s22+$0x0], $0xffff  }
0x385: {  	[tilespmem:s7+$0x400] =	vst v37;
	v48 =	vmul.f32 v30, v15;
	v0 =	vmul.f32 v54, v33;
	v33 =	vadd.f32 $-3.916185000e+01, v58  }
0x386: {  	v39 =	vadd.f32 $6.253743650e+00, v39;
	v58 =	vmul.f32 v44, v44;
	v55 =	vld.idx.msk [tilespmem:v22+s0+$0x0], $0xffff;
	v60 =	vmul.f32 v45, v45  }
0x387: {  	s14 =	simm.s32 $0x180;
	[tilespmem:s11+$0x440] =	vst v34;
	v37 =	vadd.f32 v51, v17;
	v54 =	vmul.f32 v21, v21;
	v33 =	vmul.f32 v33, v56  }
0x388: {  	s15 =	sand.u32 $0x380, s14;
	v41 =	vadd.f32 v41, v61;
	v61 =	vadd.f32 $1.258291200e+07, v59;
	v56 =	vld.idx.msk [tilespmem:v1+s22+$0x0], $0xffff;
	v31 =	vmul.f32 $5.702565000e+01, v60  }
0x389: {  	s15 =	sadd.s32 s15, s2;
	v39 =	vmul.f32 v39, v35;
	v33 =	vadd.f32 $6.253743650e+00, v33;
	v32 =	vadd.f32 v63, v32  }
0x38a: {  	[tilespmem:s15+$0x400] =	vst v41;
	v57 =	vadd.f32 $-3.916185000e+01, v31;
	v31 =	vmul.f32 v40, v24;
	v24 =	vadd.f32 $1.258291200e+07, v38  }
0x38b: {  	v46 =	vmul.f32 v28, v28;
	v53 =	vld.idx.msk [tilespmem:v23+s0+$0x0], $0xffff;
	v0 =	vadd.f32 v0, v55;
	v55 =	vadd.f32 $-1.258291200e+07, v61  }
0x38c: {  	v63 =	vadd.f32 v48, v18;
	v61 =	vmul.f32 $5.702565000e+01, v54;
	v24 =	vadd.f32 $-1.258291200e+07, v24  }
0x38d: {  	v42 =	vadd.f32 v56, v47;
	v35 =	vsub.f32 v59, v55;
	v41 =	vmul.f32 v57, v60  }
0x38e: {  	v55 =	vadd.f32 $1.258291200e+07, v26;
	v27 =	vsub.f32 v38, v24;
	v24 =	vmul.f32 $5.702565000e+01, v58  }
0x38f: {  	v34 =	vadd.f32 $-3.916185000e+01, v61;
	v61 =	vmul.f32 v30, v16;
	v59 =	vmul.f32 v35, v35  }
0x390: {  	[tilespmem:s7+$0x410] =	vst v0;
	v0 =	vmul.f32 $5.702565000e+01, v46;
	v51 =	vadd.f32 v39, v53;
	v24 =	vadd.f32 $-3.916185000e+01, v24  }
0x391: {  	v38 =	vadd.f32 $-1.258291200e+07, v55;
	v39 =	vmul.f32 v34, v54;
	v60 =	vmul.f32 $5.702565000e+01, v59  }
0x392: {  	[tilespmem:s12+$0x450] =	vst v32;
	v34 =	vadd.f32 v49, v20;
	v24 =	vmul.f32 v24, v58;
	v58 =	vadd.f32 $1.258291200e+07, v63  }
0x393: {  	v43 =	vmul.f32 v33, v36;
	v57 =	vld.idx.msk [tilespmem:v2+s5+$0x0], $0xffff;
	v49 =	vadd.f32 $-3.916185000e+01, v0;
	v56 =	vadd.f32 $-3.916185000e+01, v60  }
0x394: {  	v36 =	vadd.f32 v61, v20;
	v33 =	vmul.f32 v27, v27;
	v60 =	vadd.f32 $-1.258291200e+07, v58  }
0x395: {  	v50 =	vmul.f32 v56, v59;
	v59 =	vadd.f32 $1.258291200e+07, v37;
	v30 =	vadd.f32 $6.253743650e+00, v24  }
0x396: {  	[tilespmem:s11+$0x450] =	vst v42;
	v42 =	vld.idx.msk [tilespmem:v22+s19+$0x0], $0xffff;
	v24 =	vsub.f32 v63, v60;
	v63 =	vadd.f32 $6.253743650e+00, v41  }
0x397: {  	[tilespmem:s15+$0x410] =	vst v51;
	v32 =	vmul.f32 $5.702565000e+01, v33;
	v47 =	vmul.f32 v30, v44;
	v41 =	vld.idx.msk [tilespmem:v1+s5+$0x0], $0xffff;
	v30 =	vadd.f32 $-1.258291200e+07, v59  }
0x398: {  	s2 =	simm.s32 $0x2;
	v48 =	vld.idx.msk [tilespmem:v23+s19+$0x0], $0xffff;
	v44 =	vadd.f32 v57, v52;
	v40 =	vmul.f32 v63, v45;
	v45 =	vadd.f32 $6.253743650e+00, v50  }
.LBB2_9:
0x399: {  	v0 =	vmul.f32 v49, v46;
	v46 =	vsub.f32 v37, v30  }
0x39a: {  	v37 =	vadd.f32 $1.258291200e+07, v34;
	v49 =	vadd.f32 $1.258291200e+07, v36  }
0x39b: {  	s3 =	sadd.s32 s2, s8;
	s2 =	sadd.s32 $0x2, s2;
	v39 =	vadd.f32 $6.253743650e+00, v39;
	v25 =	vadd.f32 v25, v18  }
0x39c: {  	v31 =	vadd.f32 v41, v31;
	v29 =	vadd.f32 $6.253743650e+00, v29;
	s9 =	sadd.s32 $0xA2, s3;
	s3 =	sadd.s32 $0xA3, s3;
	v30 =	vmul.f32 v24, v24;
	[tilespmem:s12+$0x460] =	vst v44  }
0x39d: {  	p1 =	slt.u32 s2, $0x9E;
	v44 =	vmov s9;
	v50 =	vmov s3;
	v51 =	vmul.f32 v46, v46;
	v52 =	vld.idx.msk [tilespmem:v2+s6+$0x0], $0xffff;
	v2 =	vmovc v23  }
0x39e: {  	v35 =	vmul.f32 v45, v35;
	v41 =	vadd.f32 $-1.258291200e+07, v49;
	v23 =	vand.u32 $0xFFFFFFFE, v44  }
0x39f: {  	v44 =	vadd.f32 v47, v48;
	v48 =	vadd.f32 $1.258291200e+07, v25;
	v23 =	vbroadcast v23, $0x0  }
0x3a0: {  	v49 =	vsub.f32 v26, v38;
	v38 =	vadd.f32 v43, v42;
	v47 =	vmul.f32 $5.702565000e+01, v51;
	[tilespmem:s11+$0x460] =	vst v31  }
0x3a1: {  	v26 =	vmul.f32 v29, v19;
	v19 =	vsub.f32 v36, v41;
	v36 =	vadd.f32 $-1.258291200e+07, v48;
	v29 =	vld.idx.msk [tilespmem:v1+s6+$0x0], $0xffff  }
0x3a2: {  	v21 =	vmul.f32 v39, v21;
	v42 =	vadd.f32 $-1.258291200e+07, v37;
	v31 =	vadd.f32 $-3.916185000e+01, v47;
	v1 =	vmovc v22;
	[tilespmem:s15+$0x420] =	vst v44  }
0x3a3: {  	v41 =	vmul.f32 v49, v49;
	v37 =	vsub.f32 v25, v36;
	v25 =	vmul.f32 $5.702565000e+01, v30;
	v39 =	vld.idx.msk [tilespmem:v2+s20+$0x0], $0xffff  }
0x3a4: {  	v0 =	vadd.f32 $6.253743650e+00, v0;
	v45 =	vadd.f32 v52, v21;
	v44 =	vmul.f32 v31, v51;
	v43 =	vld.idx.msk [tilespmem:v50+s4+$0x0], $0xffff  }
0x3a5: {  	v21 =	vsub.f32 v34, v42;
	v34 =	vadd.f32 $-3.916185000e+01, v25;
	v31 =	vld.idx.msk [tilespmem:v50+s17+$0x0], $0xffff;
	[tilespmem:s7+$0x420] =	vst v38;
	v38 =	vmul.f32 $5.702565000e+01, v41  }
0x3a6: {  	v0 =	vmul.f32 v0, v28;
	v36 =	vadd.f32 $6.253743650e+00, v44;
	v44 =	vadd.f32 $-3.916185000e+01, v32;
	v22 =	vld.idx.msk [tilespmem:v22+s20+$0x0], $0xffff;
	[tilespmem:s12+$0x470] =	vst v45;
	s12 =	smov.u32 s15  }
0x3a7: {  	v45 =	vmul.f32 v37, v37;
	v26 =	vadd.f32 v29, v26;
	v29 =	vmul.f32 v19, v19;
	v42 =	vld.idx.msk [tilespmem:v23+s17+$0x0], $0xffff  }
0x3a8: {  	v30 =	vmul.f32 v34, v30;
	v28 =	vadd.f32 $-3.916185000e+01, v38;
	v32 =	vmul.f32 v36, v46;
	v47 =	vld.idx.msk [tilespmem:v23+s4+$0x0], $0xffff  }
0x3a9: {  	v33 =	vmul.f32 v44, v33;
	v39 =	vadd.f32 v40, v39;
	v36 =	vmul.f32 $5.702565000e+01, v45;
	[tilespmem:s11+$0x470] =	vst v26;
	s11 =	smov.u32 s7  }
0x3aa: {  	v38 =	vmul.f32 $5.702565000e+01, v29;
	v30 =	vadd.f32 $6.253743650e+00, v30;
	v25 =	vmul.f32 v28, v41  }
0x3ab: {  	v26 =	vmul.f32 v43, v7;
	v28 =	vmul.f32 v31, v9;
	v36 =	vadd.f32 $-3.916185000e+01, v36;
	[tilespmem:s12+$0x430] =	vst v39  }
0x3ac: {  	v40 =	vmul.f32 v31, v10;
	v39 =	vmul.f32 v43, v8;
	v0 =	vadd.f32 v0, v22;
	v22 =	vld.idx.msk [tilespmem:v2+s21+$0x0], $0xffff  }
0x3ad: {  	v48 =	vadd.f32 v26, v3;
	v25 =	vadd.f32 $6.253743650e+00, v25;
	v41 =	vmul.f32 v42, v9;
	v46 =	vld.idx.msk [tilespmem:v50+s18+$0x0], $0xffff  }
0x3ae: {  	v26 =	vmul.f32 v47, v7;
	v50 =	vadd.f32 v39, v4;
	[tilespmem:s11+$0x430] =	vst v0;
	v0 =	vmul.f32 v36, v45  }
0x3af: {  	v28 =	vadd.f32 v28, v5;
	v36 =	vmul.f32 v47, v8;
	v45 =	vadd.f32 $1.258291200e+07, v48  }
0x3b0: {  	v33 =	vadd.f32 $6.253743650e+00, v33;
	v39 =	vmul.f32 v42, v12;
	v51 =	vadd.f32 $1.258291200e+07, v50  }
0x3b1: {  	v47 =	vmul.f32 v47, v11;
	v44 =	vadd.f32 v26, v3;
	v26 =	vadd.f32 v40, v6  }
0x3b2: {  	v54 =	vmul.f32 v31, v12;
	v43 =	vmul.f32 v43, v11;
	v40 =	vadd.f32 $-1.258291200e+07, v51  }
0x3b3: {  	v52 =	vmul.f32 v42, v14;
	v49 =	vmul.f32 v25, v49;
	v51 =	vld.idx.msk [tilespmem:v23+s18+$0x0], $0xffff;
	v23 =	vadd.f32 $1.258291200e+07, v44  }
0x3b4: {  	v55 =	vmul.f32 v31, v14;
	v43 =	vadd.f32 v43, v13;
	v53 =	vadd.f32 v36, v4  }
0x3b5: {  	v25 =	vmul.f32 v31, v15;
	v47 =	vadd.f32 v47, v13;
	v46 =	vshll.u32 v46, $0x8  }
0x3b6: {  	v36 =	vmul.f32 v42, v16;
	v22 =	vadd.f32 v49, v22;
	v23 =	vadd.f32 $-1.258291200e+07, v23  }
0x3b7: {  	v33 =	vmul.f32 v33, v27;
	v45 =	vadd.f32 $-1.258291200e+07, v45;
	v49 =	vadd.f32 $1.258291200e+07, v53  }
0x3b8: {  	v56 =	vadd.f32 v41, v5;
	v44 =	vsub.f32 v44, v23;
	v23 =	vor.u32 v62, v46;
	[tilespmem:s12+$0x440] =	vst v22  }
0x3b9: {  	v46 =	vadd.f32 v47, v52;
	v47 =	vsub.f32 v50, v40;
	v22 =	vshll.u32 v51, $0x8;
	v41 =	vld.idx.msk [tilespmem:v2+s22+$0x0], $0xffff  }
0x3ba: {  	v59 =	vadd.f32 $1.258291200e+07, v28;
	v49 =	vadd.f32 $-1.258291200e+07, v49;
	v40 =	vmul.f32 v44, v44  }
0x3bb: {  	v43 =	vadd.f32 v43, v55;
	v27 =	vadd.f32 $1.258291200e+07, v56;
	v22 =	vor.u32 v62, v22  }
0x3bc: {  	v45 =	vsub.f32 v48, v45;
	v49 =	vsub.f32 v53, v49;
	v50 =	vmul.f32 $5.702565000e+01, v40  }
0x3bd: {  	s13 =	sadd.s32 $0x200, s13;
	v52 =	vadd.f32 $1.258291200e+07, v43;
	v51 =	vmul.f32 v42, v15;
	v48 =	vadd.f32 $1.258291200e+07, v46  }
0x3be: {  	s14 =	sadd.s32 $0x100, s14;
	v0 =	vadd.f32 $6.253743650e+00, v0;
	v53 =	vmul.f32 v45, v45;
	v50 =	vadd.f32 $-3.916185000e+01, v50  }
0x3bf: {  	v55 =	vmul.f32 v47, v47;
	v52 =	vadd.f32 $-1.258291200e+07, v52;
	v48 =	vadd.f32 $-1.258291200e+07, v48  }
0x3c0: {  	s3 =	sand.u32 $0xF800, s13;
	v27 =	vadd.f32 $-1.258291200e+07, v27;
	v58 =	vmul.f32 $5.702565000e+01, v53;
	v50 =	vmul.f32 v50, v40;
	v57 =	vld.idx.msk [tilespmem:v22+s1+$0x0], $0xffff  }
0x3c1: {  	s3 =	sadd.s32 $0x13A00, s3;
	s7 =	sand.u32 $0x380, s14;
	v60 =	vmul.f32 v49, v49;
	v61 =	vmul.f32 $5.702565000e+01, v55;
	v40 =	vsub.f32 v43, v52;
	v43 =	vld.idx.msk [tilespmem:v1+s21+$0x0], $0xffff  }
0x3c2: {  	s15 =	sadd.s32 s7, s3;
	v42 =	vmul.f32 v42, v10;
	v52 =	vadd.f32 $-3.916185000e+01, v58;
	v50 =	vadd.f32 $6.253743650e+00, v50;
	v58 =	vld.idx.msk [tilespmem:v23+s1+$0x0], $0xffff  }
0x3c3: {  	v62 =	vmul.f32 $5.702565000e+01, v60;
	v61 =	vadd.f32 $-3.916185000e+01, v61;
	v63 =	vmul.f32 v40, v40  }
0x3c4: {  	v44 =	vmul.f32 v50, v44;
	v50 =	vmul.f32 v52, v53;
	v52 =	vadd.f32 $-1.258291200e+07, v59  }
0x3c5: {  	s7 =	sadd.s32 $0xFFFFFF80, s14;
	v55 =	vmul.f32 v61, v55;
	v53 =	vadd.f32 $-3.916185000e+01, v62;
	v62 =	vlaneseq.u32  }
0x3c6: {  	s7 =	sand.u32 $0x300, s7;
	v0 =	vmul.f32 v0, v37;
	v44 =	vadd.f32 v44, v57;
	v50 =	vadd.f32 $6.253743650e+00, v50  }
0x3c7: {  	s7 =	sadd.s32 s7, s3;
	v37 =	vadd.f32 v54, v17;
	v48 =	vsub.f32 v46, v48;
	v53 =	vmul.f32 v53, v60  }
0x3c8: {  	v35 =	vadd.f32 v35, v43;
	[tilespmem:s7+$0x400] =	vst v44;
	v44 =	vmul.f32 v50, v45;
	v50 =	vsub.f32 v28, v52  }
0x3c9: {  	v46 =	vmul.f32 v48, v48;
	v43 =	vadd.f32 $6.253743650e+00, v53;
	v52 =	vmul.f32 v21, v21;
	v45 =	vld.idx.msk [tilespmem:v22+s0+$0x0], $0xffff  }
0x3ca: {  	v28 =	vsub.f32 v56, v27;
	v27 =	vadd.f32 v44, v58;
	v44 =	vmul.f32 v31, v16;
	[tilespmem:s11+$0x440] =	vst v35  }
0x3cb: {  	v31 =	vmul.f32 v43, v49;
	v43 =	vmul.f32 v50, v50;
	v35 =	vadd.f32 $1.258291200e+07, v26  }
0x3cc: {  	v53 =	vadd.f32 v42, v6;
	v49 =	vmul.f32 $5.702565000e+01, v46;
	[tilespmem:s15+$0x400] =	vst v27;
	v27 =	vadd.f32 $-3.916185000e+01, v38  }
0x3cd: {  	v56 =	vadd.f32 $1.258291200e+07, v37;
	v38 =	vadd.f32 $-1.258291200e+07, v35;
	v54 =	vld.idx.msk [tilespmem:v23+s0+$0x0], $0xffff  }
0x3ce: {  	v34 =	vadd.f32 $-3.916185000e+01, v49;
	v35 =	vadd.f32 $6.253743650e+00, v55;
	v42 =	vmul.f32 $5.702565000e+01, v43  }
0x3cf: {  	v31 =	vadd.f32 v31, v45;
	v45 =	vadd.f32 $1.258291200e+07, v53;
	v29 =	vmul.f32 v27, v29  }
0x3d0: {  	v39 =	vadd.f32 v39, v17;
	v51 =	vadd.f32 v51, v18;
	v27 =	vmul.f32 v34, v46;
	v49 =	vld.idx.msk [tilespmem:v1+s22+$0x0], $0xffff  }
0x3d1: {  	v46 =	vadd.f32 $-3.916185000e+01, v42;
	v34 =	vadd.f32 $-1.258291200e+07, v45;
	v45 =	vmul.f32 v35, v47;
	[tilespmem:s7+$0x410] =	vst v31  }
0x3d2: {  	v47 =	vadd.f32 $1.258291200e+07, v39;
	v31 =	vmul.f32 v30, v24;
	v24 =	vmul.f32 $5.702565000e+01, v52;
	v42 =	vld.idx.msk [tilespmem:v22+s19+$0x0], $0xffff  }
0x3d3: {  	v30 =	vadd.f32 $6.253743650e+00, v27;
	v27 =	vmul.f32 v46, v43;
	v35 =	vsub.f32 v53, v34  }
0x3d4: {  	v43 =	vadd.f32 $-1.258291200e+07, v47;
	v47 =	vmul.f32 $5.702565000e+01, v63;
	v34 =	vadd.f32 v44, v20  }
0x3d5: {  	v32 =	vadd.f32 v41, v32;
	v53 =	vadd.f32 $6.253743650e+00, v27;
	v44 =	vmul.f32 v35, v35  }
0x3d6: {  	v46 =	vmul.f32 v28, v28;
	v27 =	vsub.f32 v39, v43;
	v39 =	vadd.f32 v49, v33  }
0x3d7: {  	v45 =	vadd.f32 v45, v54;
	v47 =	vadd.f32 $-3.916185000e+01, v47;
	v41 =	vmul.f32 $5.702565000e+01, v44;
	[tilespmem:s12+$0x450] =	vst v32  }
0x3d8: {  	v24 =	vadd.f32 $-3.916185000e+01, v24;
	v49 =	vmul.f32 $5.702565000e+01, v46;
	v33 =	vmul.f32 v27, v27;
	[tilespmem:s11+$0x450] =	vst v39;
	v54 =	vld.idx.msk [tilespmem:v2+s5+$0x0], $0xffff  }
0x3d9: {  	v43 =	vmul.f32 v30, v48;
	v30 =	vadd.f32 $-3.916185000e+01, v41;
	v39 =	vmul.f32 v47, v63;
	v41 =	vld.idx.msk [tilespmem:v1+s5+$0x0], $0xffff  }
.Ltmp3:
0x3da: {  	v32 =	vmul.f32 $5.702565000e+01, v33;
	v47 =	vadd.f32 $1.258291200e+07, v51;
	[tilespmem:s15+$0x410] =	vst v45;
	(pc) =	sbr.rel @p1 .LBB2_9-.Ltmp3, $4  }
0x3db: {  	v49 =	vadd.f32 $-3.916185000e+01, v49;
	v44 =	vmul.f32 v30, v44;
	v55 =	vadd.f32 $6.253743650e+00, v39  }
0x3dc: {  	v57 =	vadd.f32 $-1.258291200e+07, v47;
	v30 =	vadd.f32 $-1.258291200e+07, v56;
	v39 =	vmul.f32 v24, v52;
	v48 =	vld.idx.msk [tilespmem:v23+s19+$0x0], $0xffff  }
0x3dd: {  	v36 =	vadd.f32 v36, v20;
	v45 =	vadd.f32 $6.253743650e+00, v44;
	v47 =	vmul.f32 v55, v40  }
0x3de: {  	v24 =	vsub.f32 v51, v57;
	v40 =	vmul.f32 v53, v50;
	v44 =	vadd.f32 v54, v0  }
0x3df: {  	_ = 	snop  }
0x3e0: {  	v3 =	vadd.f32 v43, v42  }
0x3e1: {  	v0 =	vadd.f32 v47, v48  }
0x3e2: {  	v13 =	vmul.f32 v49, v46;
	[tilespmem:s7+$0x420] =	vst v3  }
0x3e3: {  	v4 =	vsub.f32 v26, v38;
	v6 =	vld.idx.msk [tilespmem:v22+s20+$0x0], $0xffff;
	[tilespmem:s15+$0x420] =	vst v0  }
0x3e4: {  	v0 =	vadd.f32 $6.253743650e+00, v13;
	v5 =	vld.idx.msk [tilespmem:v23+s20+$0x0], $0xffff  }
0x3e5: {  	v14 =	vmul.f32 v4, v4  }
0x3e6: {  	v0 =	vmul.f32 v0, v28  }
0x3e7: {  	v7 =	vmul.f32 $5.702565000e+01, v14  }
0x3e8: {  	v0 =	vadd.f32 v0, v6  }
0x3e9: {  	v7 =	vadd.f32 $-3.916185000e+01, v7;
	v5 =	vadd.f32 v40, v5  }
0x3ea: {  	v8 =	vsub.f32 v37, v30;
	[tilespmem:s7+$0x430] =	vst v0  }
0x3eb: {  	v17 =	vadd.f32 v25, v18;
	v3 =	vmul.f32 v7, v14;
	v18 =	vld.idx.msk [tilespmem:v22+s21+$0x0], $0xffff;
	[tilespmem:s15+$0x430] =	vst v5  }
0x3ec: {  	v16 =	vld.idx.msk [tilespmem:v23+s21+$0x0], $0xffff  }
0x3ed: {  	v15 =	vmul.f32 v8, v8;
	v3 =	vadd.f32 $6.253743650e+00, v3  }
0x3ee: {  	v25 =	vmul.f32 v45, v35;
	v10 =	vadd.f32 $1.258291200e+07, v17  }
0x3ef: {  	v26 =	vadd.f32 $-3.916185000e+01, v32;
	v9 =	vmul.f32 $5.702565000e+01, v15;
	v3 =	vmul.f32 v3, v4  }
0x3f0: {  	v10 =	vadd.f32 $-1.258291200e+07, v10;
	v7 =	vadd.f32 v25, v18  }
0x3f1: {  	v20 =	vadd.f32 $-3.916185000e+01, v9;
	v3 =	vadd.f32 v3, v16  }
0x3f2: {  	v28 =	vmul.f32 v26, v33;
	[tilespmem:s7+$0x440] =	vst v7  }
0x3f3: {  	v0 =	vsub.f32 v17, v10;
	v4 =	vmul.f32 v20, v15;
	v35 =	vld.idx.msk [tilespmem:v22+s22+$0x0], $0xffff;
	[tilespmem:s15+$0x440] =	vst v3  }
0x3f4: {  	v32 =	vadd.f32 $1.258291200e+07, v36;
	v11 =	vmul.f32 v24, v24;
	v3 =	vadd.f32 $6.253743650e+00, v28;
	v30 =	vld.idx.msk [tilespmem:v23+s22+$0x0], $0xffff  }
0x3f5: {  	v37 =	vadd.f32 $1.258291200e+07, v34;
	v33 =	vmul.f32 v0, v0;
	v4 =	vadd.f32 $6.253743650e+00, v4  }
0x3f6: {  	v12 =	vmul.f32 $5.702565000e+01, v11;
	v6 =	vadd.f32 $-1.258291200e+07, v32;
	v3 =	vmul.f32 v3, v27  }
0x3f7: {  	v10 =	vadd.f32 $-1.258291200e+07, v37;
	v38 =	vmul.f32 $5.702565000e+01, v33;
	v4 =	vmul.f32 v4, v8  }
0x3f8: {  	v40 =	vadd.f32 $-3.916185000e+01, v12;
	v3 =	vadd.f32 v35, v3  }
0x3f9: {  	v8 =	vadd.f32 $-3.916185000e+01, v38;
	v4 =	vadd.f32 v30, v4  }
0x3fa: {  	v43 =	vsub.f32 v36, v6;
	v5 =	vmul.f32 v40, v11;
	[tilespmem:s7+$0x450] =	vst v3  }
0x3fb: {  	v42 =	vsub.f32 v34, v10;
	v7 =	vmul.f32 v8, v33;
	v48 =	vld.idx.msk [tilespmem:v22+s5+$0x0], $0xffff;
	[tilespmem:s15+$0x450] =	vst v4  }
0x3fc: {  	v49 =	vmul.f32 v43, v43;
	v5 =	vadd.f32 $6.253743650e+00, v5;
	v45 =	vld.idx.msk [tilespmem:v23+s5+$0x0], $0xffff  }
0x3fd: {  	v47 =	vmul.f32 v42, v42;
	v46 =	vadd.f32 $6.253743650e+00, v7  }
0x3fe: {  	v52 =	vmul.f32 $5.702565000e+01, v49;
	v5 =	vmul.f32 v5, v24  }
0x3ff: {  	v51 =	vadd.f32 v41, v31;
	v50 =	vmul.f32 $5.702565000e+01, v47;
	v0 =	vmul.f32 v46, v0  }
0x400: {  	[tilespmem:s12+$0x460] =	vst v44;
	v53 =	vadd.f32 $-3.916185000e+01, v52;
	v5 =	vadd.f32 v48, v5  }
0x401: {  	v2 =	vld.idx.msk [tilespmem:v2+s6+$0x0], $0xffff;
	[tilespmem:s11+$0x460] =	vst v51;
	v6 =	vadd.f32 $-3.916185000e+01, v50;
	v0 =	vadd.f32 v45, v0  }
0x402: {  	v54 =	vadd.f32 $6.253743650e+00, v39;
	v1 =	vld.idx.msk [tilespmem:v1+s6+$0x0], $0xffff;
	v3 =	vmul.f32 v53, v49;
	[tilespmem:s7+$0x460] =	vst v5  }
0x403: {  	v55 =	vadd.f32 $6.253743650e+00, v29;
	v6 =	vmul.f32 v6, v47;
	v58 =	vld.idx.msk [tilespmem:v22+s6+$0x0], $0xffff;
	[tilespmem:s15+$0x460] =	vst v0  }
0x404: {  	v57 =	vmul.f32 v54, v21;
	v3 =	vadd.f32 $6.253743650e+00, v3;
	v56 =	vld.idx.msk [tilespmem:v23+s6+$0x0], $0xffff  }
0x405: {  	v6 =	vadd.f32 $6.253743650e+00, v6;
	v0 =	vmul.f32 v55, v19  }
0x406: {  	v2 =	vadd.f32 v2, v57;
	v60 =	vmul.f32 v3, v43  }
0x407: {  	v59 =	vmul.f32 v6, v42;
	v0 =	vadd.f32 v1, v0  }
0x408: {  	[tilespmem:s12+$0x470] =	vst v2;
	v63 =	vadd.f32 v58, v60  }
0x409: {  	p1 =	sgt.u32 s10, $0x18600;
	[tilespmem:s11+$0x470] =	vst v0;
	v61 =	vadd.f32 v56, v59  }
0x40a: {  	s3 =	rddreg [dreg:$0x1];
	s2 =	sshll.u32 @!p1 s10, $0x5;
	[tilespmem:s7+$0x470] =	vst v63  }
0x40b: {  	s2 =	sadd.s32 @!p1 s3, s2;
	s3 =	simm.s32 @!p1 $0x0;
	s7 =	simm.s32 @!p1 $0x13A00;
	[tilespmem:s15+$0x470] =	vst v61  }
0x40c: {  	[hbm4b:s2+s3] =	stream.linear.scatter @!p1 [tilespmem:s7], [sflag:$0x2], $0xA000, $0x38;
	[tilespmem:$0x1DA00] =	vst v63  }
0x40d: {  	s9 =	rddreg [dreg:$0xf]  }
0x40e: {  	s9 =	sadd.s32 $0x1, s9  }
0x40f: {  	p1 =	sne.s32 s9, $0xA  }
.Ltmp4:
0x410: {  	_ = 	snop;
	(pc) =	sbr.rel @p1 .LBB2_2-.Ltmp4, $2  }
0x411: {  	_ =	sdelay $0x2  }
0x412: {  	s8 =	sadd.s32 $0x140, s8  }
0x413: {  	s2 =	simm.s32 @!p0 $0x1  }
0x414: {  	_ =	swait.ge @!p0 [sflag:s2], $0xA000  }
0x415: {  	[sflag:s2] =	ssyncset.done @!p0 $0x0  }
0x416: {  	[sflag:s2] =	ssyncadd.s32 @!p0 $0xFFFF6000;
	s2 =	simm.s32 @!p0 $0x2  }
0x417: {  	_ =	swait.ge @!p0 [sflag:s2], $0xA000  }
0x418: {  	s7 =	rddreg [dreg:$0xe]  }
0x419: {  	s3 =	rddreg [dreg:$0xd];
	s7 =	sadd.s32 $0x1, s7  }
0x41a: {  	p1 =	sne.s32 s7, s3  }
.Ltmp5:
0x41b: {  	_ = 	snop;
	(pc) =	sbr.rel @p1 .LBB2_1-.Ltmp5, $3  }
0x41c: {  	_ =	sdelay $0x1  }
0x41d: {  	[sflag:s2] =	ssyncset.done @!p0 $0x0  }
0x41e: {  	[sflag:s2] =	ssyncadd.s32 @!p0 $0xFFFF6000  }
0x41f: {  	_ =	sfence.sel $0x180000  }
0x420: {  	[bflag:$0x0] =	sbarrier.arrive $0xFFFF  }
0x421: {  	_ =	strace $0x90000047  }
0x422: {  	s0 =	stileid.u32;
	[bflag:$0x2] =	sbarrier.arrive $0xFFFF  }
0x423: {  	p0 =	sne.s32 s0, $0x0;
	s0 =	rddreg [dreg:$0x2]  }
0x424: {  	s0 =	sadd.s32 @!p0 $0x100000, s0  }
0x425: {  	[sflag:s0] =	ssyncadd.tile.s32 @!p0 $0x1;
	_ =	shalt  }
.Lfunc_end2:
_tile_overlayer_lowered:
.L_overlay_start_2:
0x426: {  	(tag) =	ssettag $0x2  }
0x427: {  	s0 =	rddreg [dreg:$0x0];
	s2 =	stileid.u32  }
0x428: {  	s1 =	rddreg [dreg:$0x1];
	p0 =	sne.s32 s2, $0x0  }
0x429: {  	s3 =	rddreg [dreg:$0x2];
	[bflag:$0x3] =	sbarrier.arrive $0xFFFF;
	s2 =	simm.s32 @!p0 $0x1C03  }
0x42a: {  	[timem:s3], [sflag:s2] =	dma.local @!p0 [hbm:s0], s1  }
0x42b: {  	s0 =	simm.s32 @!p0 $0x3  }
0x42c: {  	_ =	swait.ge @!p0 [sflag:s0], s1  }
0x42d: {  	s1 =	ssub.s32 @!p0 $0x0, s1;
	[sflag:s0] =	ssyncset.done @!p0 $0x0  }
0x42e: {  	[sflag:s0] =	ssyncadd.s32 @!p0 s1  }
0x42f: {  	[bflag:$0x3] =	sbarrier.arrive $0xFFFF  }
0x430: {  	_ =	shalt  }

</sc_bundles>
